<compile_context>
chip_gen: v7x
topology: tpu7x:2x2x1
jax: 0.10.2.dev20260603
libtpu: 0.0.44.dev20260713+nightly
codegen_flags: <defaults>
</compile_context>

<pallas_src>
import jax
import jax.numpy as jnp
from jax import lax
from jax.experimental import pallas as pl
from jax.experimental.pallas import tpu as pltpu
from jax.experimental.pallas import tpu_sc as plsc

N = 10000
E = 320000
D_IN = 128
D_HID = 64
D_PAD = 16

NC = 2
NS = 16
NW = NC * NS
B = 80
NBSUM = 252
NBT = NS * NBSUM
E_PAD = NBT * B
N_ACC = 10240
ROWS_PER_TILE = N_ACC // NS


def _scatter_rows_kernel(D, nb0, nb1, with_gather):
  mesh = plsc.VectorSubcoreMesh(core_axis_name="c", subcore_axis_name="s")
  nbmax = max(nb0, nb1)
  scratch = [
      pltpu.VMEM((nbmax, B), jnp.int32),
      pltpu.VMEM((nbmax, B), jnp.int32),
      pltpu.VMEM((B, D), jnp.float32),
      pltpu.VMEM((B, D), jnp.float32),
      pltpu.VMEM((ROWS_PER_TILE, D), jnp.float32),
      pltpu.VMEM_SHARED((N_ACC, D), jnp.float32),
      pltpu.SemaphoreType.DMA,
      pltpu.SemaphoreType.DMA,
  ]

  def body(table, srcf, dstf, out, src_v, dst_v, rows, rows1, zbuf, acc, sem,
           sem1):
    cid = lax.axis_index("c")
    sid = lax.axis_index("s")
    start_b = lax.select(cid == 0, sid * nb0, NS * nb0 + sid * nb1)

    zero16 = jnp.zeros((16,), jnp.float32)

    def zrow(i, carry):
      for j in range(D // 16):
        zbuf[i, pl.ds(j * 16, 16)] = zero16
      return carry

    lax.fori_loop(0, ROWS_PER_TILE, zrow, 0)
    pltpu.sync_copy(zbuf, acc.at[pl.ds(sid * ROWS_PER_TILE, ROWS_PER_TILE)])
    if not with_gather:
      ones16 = jnp.ones((16,), jnp.float32)

      def orow(i, carry):
        for j in range(D // 16):
          rows[i, pl.ds(j * 16, 16)] = ones16
        return carry

      lax.fori_loop(0, B, orow, 0)
    pltpu.sync_copy(srcf.at[pl.ds(start_b, nbmax)], src_v)
    pltpu.sync_copy(dstf.at[pl.ds(start_b, nbmax)], dst_v)
    plsc.subcore_barrier()

    if with_gather:

      @pl.when(cid == 0)
      def _core0():
        pltpu.async_copy(table.at[src_v.at[0]], rows, sem)

        def pair(t, carry):
          j0 = 2 * t
          j1 = j0 + 1
          pltpu.make_async_copy(table.at[src_v.at[j0]], rows, sem).wait()
          pltpu.async_copy(table.at[src_v.at[j1]], rows1, sem1)
          pltpu.sync_copy(rows, acc.at[dst_v.at[j0]], add=True)
          jn = lax.rem(j0 + 2, nb0)
          pltpu.async_copy(table.at[src_v.at[jn]], rows, sem)
          pltpu.make_async_copy(table.at[src_v.at[j1]], rows1, sem1).wait()
          pltpu.sync_copy(rows1, acc.at[dst_v.at[j1]], add=True)
          return carry

        lax.fori_loop(0, nb0 // 2, pair, 0)
        pltpu.make_async_copy(table.at[src_v.at[0]], rows, sem).wait()

      @pl.when(cid != 0)
      def _core1():
        def edge_batch(j, carry):
          pltpu.async_copy(table.at[src_v.at[j]], rows, sem).wait()
          pltpu.sync_copy(rows, acc.at[dst_v.at[j]], add=True)
          return carry

        lax.fori_loop(0, nb1, edge_batch, 0)
    else:
      nb = lax.select(cid == 0, jnp.int32(nb0), jnp.int32(nb1))

      def ones_batch(j, carry):
        pltpu.sync_copy(rows, acc.at[dst_v.at[j]], add=True)
        return carry

      lax.fori_loop(0, nb, ones_batch, 0)
    plsc.subcore_barrier()
    pltpu.sync_copy(
        acc.at[pl.ds(sid * ROWS_PER_TILE, ROWS_PER_TILE)],
        out.at[cid, pl.ds(sid * ROWS_PER_TILE, ROWS_PER_TILE)])

  return pl.kernel(
      body,
      out_type=jax.ShapeDtypeStruct((NC, N_ACC, D), jnp.float32),
      mesh=mesh,
      scratch_types=scratch,
      compiler_params=pltpu.CompilerParams(use_tc_tiling_on_sc=False),
  )


def _tc1_body(x_ref, w1_ref, dega_ref, hs1_ref, dis_ref):
  deg = dega_ref[0, :, 0:1] + dega_ref[1, :, 0:1] + 1.0
  dis = lax.rsqrt(deg)
  t = jnp.dot(x_ref[...], w1_ref[...], preferred_element_type=jnp.float32)
  hs1_ref[...] = t * dis
  dis_ref[...] = jnp.broadcast_to(dis, dis_ref.shape)


def _tc_mid_body(acc_ref, hs_ref, dis_ref, w_ref, b_ref, out_ref):
  dis = dis_ref[:, 0:1]
  s = acc_ref[0] + acc_ref[1] + hs_ref[...]
  h = jnp.maximum(dis * s + b_ref[...], 0.0)
  out_ref[...] = jnp.dot(h, w_ref[...],
                         preferred_element_type=jnp.float32) * dis


def _tc4_body(acc_ref, hs_ref, dis_ref, b_ref, out_ref):
  dis = dis_ref[:, 0:1]
  o = dis * (acc_ref[0] + acc_ref[1] + hs_ref[...]) + b_ref[...]
  o = o[:, :6]
  m = jnp.max(o, axis=1, keepdims=True)
  e = jnp.exp(o - m)
  lse = jnp.log(jnp.sum(e, axis=1, keepdims=True))
  out_ref[...] = o - m - lse


_R = 1000
_GRID = N // _R


def _row_spec(d):
  return pl.BlockSpec((_R, d), lambda i: (i, 0))


def _acc_spec(d):
  return pl.BlockSpec((NC, _R, d), lambda i: (0, i, 0))


def _full_spec(a, b):
  return pl.BlockSpec((a, b), lambda i: (0, 0))


_tc1 = pl.pallas_call(
    _tc1_body,
    grid=(_GRID,),
    in_specs=[_row_spec(D_IN), _full_spec(D_IN, D_HID), _acc_spec(D_PAD)],
    out_specs=[_row_spec(D_HID), _row_spec(8)],
    out_shape=[jax.ShapeDtypeStruct((N, D_HID), jnp.float32),
               jax.ShapeDtypeStruct((N, 8), jnp.float32)],
)

_tc_mid = pl.pallas_call(
    _tc_mid_body,
    grid=(_GRID,),
    in_specs=[_acc_spec(D_HID), _row_spec(D_HID), _row_spec(8),
              _full_spec(D_HID, D_HID), _full_spec(1, D_HID)],
    out_specs=_row_spec(D_HID),
    out_shape=jax.ShapeDtypeStruct((N, D_HID), jnp.float32),
)

_tc3 = pl.pallas_call(
    _tc_mid_body,
    grid=(_GRID,),
    in_specs=[_acc_spec(D_HID), _row_spec(D_HID), _row_spec(8),
              _full_spec(D_HID, D_PAD), _full_spec(1, D_HID)],
    out_specs=_row_spec(D_PAD),
    out_shape=jax.ShapeDtypeStruct((N, D_PAD), jnp.float32),
)

_tc4 = pl.pallas_call(
    _tc4_body,
    grid=(_GRID,),
    in_specs=[_acc_spec(D_PAD), _row_spec(D_PAD), _row_spec(8),
              _full_spec(1, D_PAD)],
    out_specs=pl.BlockSpec((_R, 6), lambda i: (i, 0)),
    out_shape=jax.ShapeDtypeStruct((N, 6), jnp.float32),
)

NB0_HID = 160
NB1_HID = NBSUM - NB0_HID
NB0_OUT = 164
NB1_OUT = NBSUM - NB0_OUT
_NBMAX = max(NB0_HID, NB0_OUT)

_sc_deg = _scatter_rows_kernel(D_PAD, NBSUM // 2, NBSUM // 2,
                               with_gather=False)
_sc_hid = _scatter_rows_kernel(D_HID, NB0_HID, NB1_HID, with_gather=True)
_sc_out = _scatter_rows_kernel(D_PAD, NB0_OUT, NB1_OUT, with_gather=True)


@jax.jit
def kernel(x, edge_index, W1, b1, W2, b2, W3, b3):
  src = edge_index[0]
  dst = edge_index[1]
  pad = E_PAD - E + _NBMAX * B
  srcp = jnp.concatenate([src, jnp.zeros((pad,), jnp.int32)])
  dstp = jnp.concatenate([dst, jnp.full((pad,), N, jnp.int32)])
  srcf = srcp.reshape(NBT + _NBMAX, B)
  dstf = dstp.reshape(NBT + _NBMAX, B)

  dummy_table = jnp.zeros((1, D_PAD), jnp.float32)
  dega = _sc_deg(dummy_table, srcf, dstf)

  hs1, dis = _tc1(x, W1, dega)
  acc1 = _sc_hid(hs1, srcf, dstf)
  hs2 = _tc_mid(acc1, hs1, dis, W2, b1.reshape(1, D_HID))
  acc2 = _sc_hid(hs2, srcf, dstf)
  W3p = jnp.pad(W3, ((0, 0), (0, D_PAD - W3.shape[1])))
  hs3 = _tc3(acc2, hs2, dis, W3p, b2.reshape(1, D_HID))
  acc3 = _sc_out(hs3, srcf, dstf)
  b3p = jnp.pad(b3, (0, D_PAD - b3.shape[0])).reshape(1, D_PAD)
  return _tc4(acc3, hs3, dis, b3p)

# --- scband reference (transcript-rebuilt; emitter-appended) ---
"""Pipeline reference for scband-gcnnet-16552803958871 (READ-ONLY COPY).

The authoritative reference and input builder live on the scoring server;
editing this copy changes nothing except your own understanding.
"""

import jax, jax.numpy as jnp
import numpy as np

N = 10000
E = 320000
D_IN = 128
D_HID = 64
D_OUT = 6


def _glorot(key, shape):
    fan_in, fan_out = shape[0], shape[1]
    limit = np.sqrt(6.0 / (fan_in + fan_out))
    return jax.random.uniform(key, shape, dtype=jnp.float32, minval=-limit, maxval=limit)


def setup_inputs(seed: int = 0) -> dict:
    key = jax.random.key(seed)
    ks = jax.random.split(key, 8)
    x = jax.random.normal(ks[0], (N, D_IN), dtype=jnp.float32)
    edge_index = jax.random.randint(ks[1], (2, E), 0, N, dtype=jnp.int32)
    W1 = _glorot(ks[2], (D_IN, D_HID))
    b1 = jnp.zeros((D_HID,), dtype=jnp.float32)
    W2 = _glorot(ks[3], (D_HID, D_HID))
    b2 = jnp.zeros((D_HID,), dtype=jnp.float32)
    W3 = _glorot(ks[4], (D_HID, D_OUT))
    b3 = jnp.zeros((D_OUT,), dtype=jnp.float32)
    return {"x": x, "edge_index": edge_index, "W1": W1, "b1": b1, "W2": W2, "b2": b2, "W3": W3, "b3": b3}


def _gcn_layer(h, W, b, src, dst, norm, n):
    # GCNConv: linear transform, then normalized sum aggregation (aggr='add'), then bias
    h = h @ W
    msg = h[src] * norm[:, None]
    out = jax.ops.segment_sum(msg, dst, num_segments=n)
    return out + b


def reference(x, edge_index, W1, b1, W2, b2, W3, b3):
    n = x.shape[0]
    # add self-loops (torch_geometric GCNConv default)
    loop = jnp.arange(n, dtype=edge_index.dtype)
    src = jnp.concatenate([edge_index[0], loop])
    dst = jnp.concatenate([edge_index[1], loop])
    # symmetric normalization deg^{-1/2}[src] * deg^{-1/2}[dst]
    ones = jnp.ones(src.shape[0], dtype=x.dtype)
    deg = jax.ops.segment_sum(ones, dst, num_segments=n)
    dis = jax.lax.rsqrt(jnp.maximum(deg, 1e-12))
    norm = dis[src] * dis[dst]
    # dropout is identity in eval mode
    h = jax.nn.relu(_gcn_layer(x, W1, b1, src, dst, norm, n))
    h = jax.nn.relu(_gcn_layer(h, W2, b2, src, dst, norm, n))
    out = _gcn_layer(h, W3, b3, src, dst, norm, n)
    return jax.nn.log_softmax(out, axis=1)

if __name__ == "__main__":
    import jax
    _d = setup_inputs()
    print(jax.jit(kernel)(*tuple(_d.values())))

</pallas_src>

<mosaic_0001>
#map = affine_map<(d0, d1) -> (0, 0)>
#map1 = affine_map<(d0, d1) -> (0, 0, 0)>
module attributes {stable_mosaic.version = 14 : i64} {
  func.func @body(%arg0: i32, %arg1: i32, %arg2: memref<10000x64xf32, #tpu.memory_space<hbm>>, %arg3: memref<4196x80xi32, #tpu.memory_space<hbm>>, %arg4: memref<4196x80xi32, #tpu.memory_space<hbm>>, %arg5: memref<2x10240x64xf32, #tpu.memory_space<hbm>>, %arg6: memref<160x80xi32, #tpu.memory_space<vmem>>, %arg7: memref<160x80xi32, #tpu.memory_space<vmem>>, %arg8: memref<80x64xf32, #tpu.memory_space<vmem>>, %arg9: memref<80x64xf32, #tpu.memory_space<vmem>>, %arg10: memref<640x64xf32, #tpu.memory_space<vmem>>, %arg11: memref<10240x64xf32, #tpu.memory_space<vmem_shared>>, %arg12: memref<!tpu.dma_semaphore, #tpu.memory_space<semaphore_mem>>, %arg13: memref<!tpu.dma_semaphore, #tpu.memory_space<semaphore_mem>>) attributes {dimension_semantics = [#tpu.dimension_semantics<core_parallel>, #tpu.dimension_semantics<subcore_parallel>], iteration_bounds = array<i64: 2, 16>, scalar_prefetch = 0 : i64, scratch_operands = 8 : i64, tpu.core_type = #tpu.core_type<sc_vector_subcore>, window_params = [{transform_indices = #map}, {transform_indices = #map}, {transform_indices = #map}, {transform_indices = #map1}]} {
    %eq3A = arith.constant 0 : i32
    %eq3A_0 = arith.cmpi eq, %arg0, %eq3A : i32
    %mul3A = arith.constant 160 : i32
    %mul3A_1 = arith.muli %arg1, %mul3A : i32
    %mul3A_2 = arith.constant 92 : i32
    %mul3A_3 = arith.muli %arg1, %mul3A_2 : i32
    %add3A = arith.constant 2560 : i32
    %add3A_4 = arith.addi %add3A, %mul3A_3 : i32
    %select_n3A = arith.select %eq3A_0, %mul3A_1, %add3A_4 : i32
    %broadcast_in_dim3A = arith.constant 0.000000e+00 : f32
    %broadcast_in_dim3A_5 = vector.broadcast %broadcast_in_dim3A : f32 to vector<16xf32>
    %scan3A = arith.constant 0 : i32
    %scan3A_6 = arith.constant 0 : i32
    %scan3A_7 = arith.constant 640 : i32
    %scan3A_8 = arith.addi %scan3A_6, %scan3A_7 : i32
    %scan3A_9 = arith.constant 1 : i32
    scf.for %scan3A_25 = %scan3A_6 to %scan3A_8 step %scan3A_9  : i32 {
      %swap3A = arith.index_cast %scan3A_25 : i32 to index
      %swap3A_26 = arith.constant 0 : index
      %swap3A_27 = tpu.vector_load %arg10[%swap3A, %swap3A_26] {strides = array<i32>} : memref<640x64xf32, #tpu.memory_space<vmem>>, vector<1x16xf32>,
      %swap3A_28 = vector.shape_cast %swap3A_27 : vector<1x16xf32> to vector<16xf32>
      %swap3A_29 = vector.shape_cast %broadcast_in_dim3A_5 : vector<16xf32> to vector<1x16xf32>
      tpu.vector_store %arg10[%swap3A, %swap3A_26], %swap3A_29 {strides = array<i32>} : memref<640x64xf32, #tpu.memory_space<vmem>>, vector<1x16xf32>,
      %swap3A_30 = arith.index_cast %scan3A_25 : i32 to index
      %swap3A_31 = arith.constant 16 : index
      %swap3A_32 = tpu.vector_load %arg10[%swap3A_30, %swap3A_31] {strides = array<i32>} : memref<640x64xf32, #tpu.memory_space<vmem>>, vector<1x16xf32>,
      %swap3A_33 = vector.shape_cast %swap3A_32 : vector<1x16xf32> to vector<16xf32>
      %swap3A_34 = vector.shape_cast %broadcast_in_dim3A_5 : vector<16xf32> to vector<1x16xf32>
      tpu.vector_store %arg10[%swap3A_30, %swap3A_31], %swap3A_34 {strides = array<i32>} : memref<640x64xf32, #tpu.memory_space<vmem>>, vector<1x16xf32>,
      %swap3A_35 = arith.index_cast %scan3A_25 : i32 to index
      %swap3A_36 = arith.constant 32 : index
      %swap3A_37 = tpu.vector_load %arg10[%swap3A_35, %swap3A_36] {strides = array<i32>} : memref<640x64xf32, #tpu.memory_space<vmem>>, vector<1x16xf32>,
      %swap3A_38 = vector.shape_cast %swap3A_37 : vector<1x16xf32> to vector<16xf32>
      %swap3A_39 = vector.shape_cast %broadcast_in_dim3A_5 : vector<16xf32> to vector<1x16xf32>
      tpu.vector_store %arg10[%swap3A_35, %swap3A_36], %swap3A_39 {strides = array<i32>} : memref<640x64xf32, #tpu.memory_space<vmem>>, vector<1x16xf32>,
      %swap3A_40 = arith.index_cast %scan3A_25 : i32 to index
      %swap3A_41 = arith.constant 48 : index
      %swap3A_42 = tpu.vector_load %arg10[%swap3A_40, %swap3A_41] {strides = array<i32>} : memref<640x64xf32, #tpu.memory_space<vmem>>, vector<1x16xf32>,
      %swap3A_43 = vector.shape_cast %swap3A_42 : vector<1x16xf32> to vector<16xf32>
      %swap3A_44 = vector.shape_cast %broadcast_in_dim3A_5 : vector<16xf32> to vector<1x16xf32>
      tpu.vector_store %arg10[%swap3A_40, %swap3A_41], %swap3A_44 {strides = array<i32>} : memref<640x64xf32, #tpu.memory_space<vmem>>, vector<1x16xf32>,
    }
    %scan3A_10 = arith.constant 640 : i32
    %mul3A_11 = arith.constant 640 : i32
    %mul3A_12 = arith.muli %arg1, %mul3A_11 : i32
    "tpu.region"() ({
      %run_scoped3A = tpu.sem_alloc : memref<!tpu.dma_semaphore, #tpu.memory_space<semaphore_mem>>
      %dma_start3A = arith.constant 0 : i32
      %dma_start3A_25 = tpu.memref_slice %arg11[%mul3A_12, %dma_start3A] : memref<10240x64xf32, #tpu.memory_space<vmem_shared>> -> memref<640x64xf32, #tpu.memory_space<vmem_shared>>
      %dma_start3A_26 = arith.constant 0 : i32
      %dma_start3A_27 = tpu.memref_slice %arg11[%mul3A_12, %dma_start3A_26] : memref<10240x64xf32, #tpu.memory_space<vmem_shared>> -> memref<640x64xf32, #tpu.memory_space<vmem_shared>>
      tpu.enqueue_dma source(%arg10 : memref<640x64xf32, #tpu.memory_space<vmem>>) target(%dma_start3A_27 : memref<640x64xf32, #tpu.memory_space<vmem_shared>>) target_semaphore(%run_scoped3A : memref<!tpu.dma_semaphore, #tpu.memory_space<semaphore_mem>>)
      %dma_wait3A = arith.constant 0 : i32
      %dma_wait3A_28 = tpu.memref_slice %arg11[%mul3A_12, %dma_wait3A] : memref<10240x64xf32, #tpu.memory_space<vmem_shared>> -> memref<640x64xf32, #tpu.memory_space<vmem_shared>>
      %dma_wait3A_29 = arith.constant 0 : i32
      %dma_wait3A_30 = tpu.memref_slice %arg11[%mul3A_12, %dma_wait3A_29] : memref<10240x64xf32, #tpu.memory_space<vmem_shared>> -> memref<640x64xf32, #tpu.memory_space<vmem_shared>>
      tpu.wait_dma2 semaphore(%run_scoped3A : memref<!tpu.dma_semaphore, #tpu.memory_space<semaphore_mem>>) src(%arg10 : memref<640x64xf32, #tpu.memory_space<vmem>>) dst(%dma_wait3A_30 : memref<640x64xf32, #tpu.memory_space<vmem_shared>>)
      tpu.yield
    }) : () -> ()
    "tpu.region"() ({
      %run_scoped3A = tpu.sem_alloc : memref<!tpu.dma_semaphore, #tpu.memory_space<semaphore_mem>>
      %dma_start3A = arith.constant 0 : i32
      %dma_start3A_25 = tpu.memref_slice %arg3[%select_n3A, %dma_start3A] : memref<4196x80xi32, #tpu.memory_space<hbm>> -> memref<160x80xi32, #tpu.memory_space<hbm>>
      %dma_start3A_26 = arith.constant 0 : i32
      %dma_start3A_27 = tpu.memref_slice %arg3[%select_n3A, %dma_start3A_26] : memref<4196x80xi32, #tpu.memory_space<hbm>> -> memref<160x80xi32, #tpu.memory_space<hbm>>
      tpu.enqueue_dma source(%dma_start3A_27 : memref<160x80xi32, #tpu.memory_space<hbm>>) target(%arg6 : memref<160x80xi32, #tpu.memory_space<vmem>>) target_semaphore(%run_scoped3A : memref<!tpu.dma_semaphore, #tpu.memory_space<semaphore_mem>>)
      %dma_wait3A = arith.constant 0 : i32
      %dma_wait3A_28 = tpu.memref_slice %arg3[%select_n3A, %dma_wait3A] : memref<4196x80xi32, #tpu.memory_space<hbm>> -> memref<160x80xi32, #tpu.memory_space<hbm>>
      %dma_wait3A_29 = arith.constant 0 : i32
      %dma_wait3A_30 = tpu.memref_slice %arg3[%select_n3A, %dma_wait3A_29] : memref<4196x80xi32, #tpu.memory_space<hbm>> -> memref<160x80xi32, #tpu.memory_space<hbm>>
      tpu.wait_dma2 semaphore(%run_scoped3A : memref<!tpu.dma_semaphore, #tpu.memory_space<semaphore_mem>>) src(%dma_wait3A_30 : memref<160x80xi32, #tpu.memory_space<hbm>>) dst(%arg6 : memref<160x80xi32, #tpu.memory_space<vmem>>)
      tpu.yield
    }) : () -> ()
    "tpu.region"() ({
      %run_scoped3A = tpu.sem_alloc : memref<!tpu.dma_semaphore, #tpu.memory_space<semaphore_mem>>
      %dma_start3A = arith.constant 0 : i32
      %dma_start3A_25 = tpu.memref_slice %arg4[%select_n3A, %dma_start3A] : memref<4196x80xi32, #tpu.memory_space<hbm>> -> memref<160x80xi32, #tpu.memory_space<hbm>>
      %dma_start3A_26 = arith.constant 0 : i32
      %dma_start3A_27 = tpu.memref_slice %arg4[%select_n3A, %dma_start3A_26] : memref<4196x80xi32, #tpu.memory_space<hbm>> -> memref<160x80xi32, #tpu.memory_space<hbm>>
      tpu.enqueue_dma source(%dma_start3A_27 : memref<160x80xi32, #tpu.memory_space<hbm>>) target(%arg7 : memref<160x80xi32, #tpu.memory_space<vmem>>) target_semaphore(%run_scoped3A : memref<!tpu.dma_semaphore, #tpu.memory_space<semaphore_mem>>)
      %dma_wait3A = arith.constant 0 : i32
      %dma_wait3A_28 = tpu.memref_slice %arg4[%select_n3A, %dma_wait3A] : memref<4196x80xi32, #tpu.memory_space<hbm>> -> memref<160x80xi32, #tpu.memory_space<hbm>>
      %dma_wait3A_29 = arith.constant 0 : i32
      %dma_wait3A_30 = tpu.memref_slice %arg4[%select_n3A, %dma_wait3A_29] : memref<4196x80xi32, #tpu.memory_space<hbm>> -> memref<160x80xi32, #tpu.memory_space<hbm>>
      tpu.wait_dma2 semaphore(%run_scoped3A : memref<!tpu.dma_semaphore, #tpu.memory_space<semaphore_mem>>) src(%dma_wait3A_30 : memref<160x80xi32, #tpu.memory_space<hbm>>) dst(%arg7 : memref<160x80xi32, #tpu.memory_space<vmem>>)
      tpu.yield
    }) : () -> ()
    %barrier3A = arith.constant 0 : index
    tpu.barrier barrier_id(%barrier3A)
    %eq3A_13 = arith.constant 0 : i32
    %eq3A_14 = arith.cmpi eq, %arg0, %eq3A_13 : i32
    %convert_element_type3A = arith.extui %eq3A_14 : i1 to i32
    %cond3A = arith.constant 0 : i32
    %cond3A_15 = arith.cmpi ne, %convert_element_type3A, %cond3A : i32
    scf.if %cond3A_15 {
      %dma_start3A = arith.constant 0 : i32
      %dma_start3A_25 = arith.constant 0 : i32
      %dma_start3A_26 = tpu.memref_slice %arg6[%dma_start3A, %dma_start3A_25] : memref<160x80xi32, #tpu.memory_space<vmem>> -> memref<1x80xi32, #tpu.memory_space<vmem>>
      %dma_start3A_27 = tpu.memref_squeeze %dma_start3A_26 : memref<1x80xi32, #tpu.memory_space<vmem>> -> memref<80xi32, #tpu.memory_space<vmem>>
      %dma_start3A_28 = arith.constant 0 : i32
      %dma_start3A_29 = arith.constant 0 : i32
      %dma_start3A_30 = tpu.memref_slice %arg2[%dma_start3A_28, %dma_start3A_29] : memref<10000x64xf32, #tpu.memory_space<hbm>> -> memref<10000x64xf32, #tpu.memory_space<hbm>>
      tpu.enqueue_indirect_dma source(%dma_start3A_30 : memref<10000x64xf32, #tpu.memory_space<hbm>>) target(%arg8 : memref<80x64xf32, #tpu.memory_space<vmem>>) offsets(%dma_start3A_27 : memref<80xi32, #tpu.memory_space<vmem>>) semaphore(%arg12 : memref<!tpu.dma_semaphore, #tpu.memory_space<semaphore_mem>>)
      %scan3A_31 = arith.constant 0 : i32
      %scan3A_32 = arith.constant 0 : i32
      %scan3A_33 = arith.constant 80 : i32
      %scan3A_34 = arith.addi %scan3A_32, %scan3A_33 : i32
      %scan3A_35 = arith.constant 1 : i32
      scf.for %scan3A_43 = %scan3A_32 to %scan3A_34 step %scan3A_35  : i32 {
        %mul3A_44 = arith.constant 2 : i32
        %mul3A_45 = arith.muli %mul3A_44, %scan3A_43 : i32
        %add3A_46 = arith.constant 1 : i32
        %add3A_47 = arith.addi %mul3A_45, %add3A_46 : i32
        %dma_wait3A_48 = arith.constant 0 : i32
        %dma_wait3A_49 = tpu.memref_slice %arg6[%mul3A_45, %dma_wait3A_48] : memref<160x80xi32, #tpu.memory_space<vmem>> -> memref<1x80xi32, #tpu.memory_space<vmem>>
        %dma_wait3A_50 = tpu.memref_squeeze %dma_wait3A_49 : memref<1x80xi32, #tpu.memory_space<vmem>> -> memref<80xi32, #tpu.memory_space<vmem>>
        %dma_wait3A_51 = arith.constant 0 : i32
        %dma_wait3A_52 = arith.constant 0 : i32
        %dma_wait3A_53 = tpu.memref_slice %arg2[%dma_wait3A_51, %dma_wait3A_52] : memref<10000x64xf32, #tpu.memory_space<hbm>> -> memref<10000x64xf32, #tpu.memory_space<hbm>>
        tpu.wait_indirect_dma semaphore(%arg12 : memref<!tpu.dma_semaphore, #tpu.memory_space<semaphore_mem>>) src(%dma_wait3A_53 : memref<10000x64xf32, #tpu.memory_space<hbm>>) dst(%arg8 : memref<80x64xf32, #tpu.memory_space<vmem>>)
        %dma_start3A_54 = arith.constant 0 : i32
        %dma_start3A_55 = tpu.memref_slice %arg6[%add3A_47, %dma_start3A_54] : memref<160x80xi32, #tpu.memory_space<vmem>> -> memref<1x80xi32, #tpu.memory_space<vmem>>
        %dma_start3A_56 = tpu.memref_squeeze %dma_start3A_55 : memref<1x80xi32, #tpu.memory_space<vmem>> -> memref<80xi32, #tpu.memory_space<vmem>>
        %dma_start3A_57 = arith.constant 0 : i32
        %dma_start3A_58 = arith.constant 0 : i32
        %dma_start3A_59 = tpu.memref_slice %arg2[%dma_start3A_57, %dma_start3A_58] : memref<10000x64xf32, #tpu.memory_space<hbm>> -> memref<10000x64xf32, #tpu.memory_space<hbm>>
        tpu.enqueue_indirect_dma source(%dma_start3A_59 : memref<10000x64xf32, #tpu.memory_space<hbm>>) target(%arg9 : memref<80x64xf32, #tpu.memory_space<vmem>>) offsets(%dma_start3A_56 : memref<80xi32, #tpu.memory_space<vmem>>) semaphore(%arg13 : memref<!tpu.dma_semaphore, #tpu.memory_space<semaphore_mem>>)
        "tpu.region"() ({
          %run_scoped3A = tpu.sem_alloc : memref<!tpu.dma_semaphore, #tpu.memory_space<semaphore_mem>>
          %dma_start3A_75 = arith.constant 0 : i32
          %dma_start3A_76 = tpu.memref_slice %arg7[%mul3A_45, %dma_start3A_75] : memref<160x80xi32, #tpu.memory_space<vmem>> -> memref<1x80xi32, #tpu.memory_space<vmem>>
          %dma_start3A_77 = tpu.memref_squeeze %dma_start3A_76 : memref<1x80xi32, #tpu.memory_space<vmem>> -> memref<80xi32, #tpu.memory_space<vmem>>
          %dma_start3A_78 = arith.constant 0 : i32
          %dma_start3A_79 = arith.constant 0 : i32
          %dma_start3A_80 = tpu.memref_slice %arg11[%dma_start3A_78, %dma_start3A_79] : memref<10240x64xf32, #tpu.memory_space<vmem_shared>> -> memref<10240x64xf32, #tpu.memory_space<vmem_shared>>
          tpu.enqueue_indirect_dma source(%arg8 : memref<80x64xf32, #tpu.memory_space<vmem>>) target(%dma_start3A_80 : memref<10240x64xf32, #tpu.memory_space<vmem_shared>>) offsets(%dma_start3A_77 : memref<80xi32, #tpu.memory_space<vmem>>) semaphore(%run_scoped3A : memref<!tpu.dma_semaphore, #tpu.memory_space<semaphore_mem>>) {add = true}
          %dma_wait3A_81 = arith.constant 0 : i32
          %dma_wait3A_82 = tpu.memref_slice %arg7[%mul3A_45, %dma_wait3A_81] : memref<160x80xi32, #tpu.memory_space<vmem>> -> memref<1x80xi32, #tpu.memory_space<vmem>>
          %dma_wait3A_83 = tpu.memref_squeeze %dma_wait3A_82 : memref<1x80xi32, #tpu.memory_space<vmem>> -> memref<80xi32, #tpu.memory_space<vmem>>
          %dma_wait3A_84 = arith.constant 0 : i32
          %dma_wait3A_85 = arith.constant 0 : i32
          %dma_wait3A_86 = tpu.memref_slice %arg11[%dma_wait3A_84, %dma_wait3A_85] : memref<10240x64xf32, #tpu.memory_space<vmem_shared>> -> memref<10240x64xf32, #tpu.memory_space<vmem_shared>>
          tpu.wait_indirect_dma semaphore(%run_scoped3A : memref<!tpu.dma_semaphore, #tpu.memory_space<semaphore_mem>>) src(%arg8 : memref<80x64xf32, #tpu.memory_space<vmem>>) dst(%dma_wait3A_86 : memref<10240x64xf32, #tpu.memory_space<vmem_shared>>)
          tpu.yield
        }) : () -> ()
        %add3A_60 = arith.constant 2 : i32
        %add3A_61 = arith.addi %mul3A_45, %add3A_60 : i32
        %rem3A = arith.constant 160 : i32
        %rem3A_62 = arith.remsi %add3A_61, %rem3A : i32
        %dma_start3A_63 = arith.constant 0 : i32
        %dma_start3A_64 = tpu.memref_slice %arg6[%rem3A_62, %dma_start3A_63] : memref<160x80xi32, #tpu.memory_space<vmem>> -> memref<1x80xi32, #tpu.memory_space<vmem>>
        %dma_start3A_65 = tpu.memref_squeeze %dma_start3A_64 : memref<1x80xi32, #tpu.memory_space<vmem>> -> memref<80xi32, #tpu.memory_space<vmem>>
        %dma_start3A_66 = arith.constant 0 : i32
        %dma_start3A_67 = arith.constant 0 : i32
        %dma_start3A_68 = tpu.memref_slice %arg2[%dma_start3A_66, %dma_start3A_67] : memref<10000x64xf32, #tpu.memory_space<hbm>> -> memref<10000x64xf32, #tpu.memory_space<hbm>>
        tpu.enqueue_indirect_dma source(%dma_start3A_68 : memref<10000x64xf32, #tpu.memory_space<hbm>>) target(%arg8 : memref<80x64xf32, #tpu.memory_space<vmem>>) offsets(%dma_start3A_65 : memref<80xi32, #tpu.memory_space<vmem>>) semaphore(%arg12 : memref<!tpu.dma_semaphore, #tpu.memory_space<semaphore_mem>>)
        %dma_wait3A_69 = arith.constant 0 : i32
        %dma_wait3A_70 = tpu.memref_slice %arg6[%add3A_47, %dma_wait3A_69] : memref<160x80xi32, #tpu.memory_space<vmem>> -> memref<1x80xi32, #tpu.memory_space<vmem>>
        %dma_wait3A_71 = tpu.memref_squeeze %dma_wait3A_70 : memref<1x80xi32, #tpu.memory_space<vmem>> -> memref<80xi32, #tpu.memory_space<vmem>>
        %dma_wait3A_72 = arith.constant 0 : i32
        %dma_wait3A_73 = arith.constant 0 : i32
        %dma_wait3A_74 = tpu.memref_slice %arg2[%dma_wait3A_72, %dma_wait3A_73] : memref<10000x64xf32, #tpu.memory_space<hbm>> -> memref<10000x64xf32, #tpu.memory_space<hbm>>
        tpu.wait_indirect_dma semaphore(%arg13 : memref<!tpu.dma_semaphore, #tpu.memory_space<semaphore_mem>>) src(%dma_wait3A_74 : memref<10000x64xf32, #tpu.memory_space<hbm>>) dst(%arg9 : memref<80x64xf32, #tpu.memory_space<vmem>>)
        "tpu.region"() ({
          %run_scoped3A = tpu.sem_alloc : memref<!tpu.dma_semaphore, #tpu.memory_space<semaphore_mem>>
          %dma_start3A_75 = arith.constant 0 : i32
          %dma_start3A_76 = tpu.memref_slice %arg7[%add3A_47, %dma_start3A_75] : memref<160x80xi32, #tpu.memory_space<vmem>> -> memref<1x80xi32, #tpu.memory_space<vmem>>
          %dma_start3A_77 = tpu.memref_squeeze %dma_start3A_76 : memref<1x80xi32, #tpu.memory_space<vmem>> -> memref<80xi32, #tpu.memory_space<vmem>>
          %dma_start3A_78 = arith.constant 0 : i32
          %dma_start3A_79 = arith.constant 0 : i32
          %dma_start3A_80 = tpu.memref_slice %arg11[%dma_start3A_78, %dma_start3A_79] : memref<10240x64xf32, #tpu.memory_space<vmem_shared>> -> memref<10240x64xf32, #tpu.memory_space<vmem_shared>>
          tpu.enqueue_indirect_dma source(%arg9 : memref<80x64xf32, #tpu.memory_space<vmem>>) target(%dma_start3A_80 : memref<10240x64xf32, #tpu.memory_space<vmem_shared>>) offsets(%dma_start3A_77 : memref<80xi32, #tpu.memory_space<vmem>>) semaphore(%run_scoped3A : memref<!tpu.dma_semaphore, #tpu.memory_space<semaphore_mem>>) {add = true}
          %dma_wait3A_81 = arith.constant 0 : i32
          %dma_wait3A_82 = tpu.memref_slice %arg7[%add3A_47, %dma_wait3A_81] : memref<160x80xi32, #tpu.memory_space<vmem>> -> memref<1x80xi32, #tpu.memory_space<vmem>>
          %dma_wait3A_83 = tpu.memref_squeeze %dma_wait3A_82 : memref<1x80xi32, #tpu.memory_space<vmem>> -> memref<80xi32, #tpu.memory_space<vmem>>
          %dma_wait3A_84 = arith.constant 0 : i32
          %dma_wait3A_85 = arith.constant 0 : i32
          %dma_wait3A_86 = tpu.memref_slice %arg11[%dma_wait3A_84, %dma_wait3A_85] : memref<10240x64xf32, #tpu.memory_space<vmem_shared>> -> memref<10240x64xf32, #tpu.memory_space<vmem_shared>>
          tpu.wait_indirect_dma semaphore(%run_scoped3A : memref<!tpu.dma_semaphore, #tpu.memory_space<semaphore_mem>>) src(%arg9 : memref<80x64xf32, #tpu.memory_space<vmem>>) dst(%dma_wait3A_86 : memref<10240x64xf32, #tpu.memory_space<vmem_shared>>)
          tpu.yield
        }) : () -> ()
      }
      %scan3A_36 = arith.constant 80 : i32
      %dma_wait3A = arith.constant 0 : i32
      %dma_wait3A_37 = arith.constant 0 : i32
      %dma_wait3A_38 = tpu.memref_slice %arg6[%dma_wait3A, %dma_wait3A_37] : memref<160x80xi32, #tpu.memory_space<vmem>> -> memref<1x80xi32, #tpu.memory_space<vmem>>
      %dma_wait3A_39 = tpu.memref_squeeze %dma_wait3A_38 : memref<1x80xi32, #tpu.memory_space<vmem>> -> memref<80xi32, #tpu.memory_space<vmem>>
      %dma_wait3A_40 = arith.constant 0 : i32
      %dma_wait3A_41 = arith.constant 0 : i32
      %dma_wait3A_42 = tpu.memref_slice %arg2[%dma_wait3A_40, %dma_wait3A_41] : memref<10000x64xf32, #tpu.memory_space<hbm>> -> memref<10000x64xf32, #tpu.memory_space<hbm>>
      tpu.wait_indirect_dma semaphore(%arg12 : memref<!tpu.dma_semaphore, #tpu.memory_space<semaphore_mem>>) src(%dma_wait3A_42 : memref<10000x64xf32, #tpu.memory_space<hbm>>) dst(%arg8 : memref<80x64xf32, #tpu.memory_space<vmem>>)
    } else {
    }
    %ne3A = arith.constant 0 : i32
    %ne3A_16 = arith.cmpi ne, %arg0, %ne3A : i32
    %convert_element_type3A_17 = arith.extui %ne3A_16 : i1 to i32
    %cond3A_18 = arith.constant 0 : i32
    %cond3A_19 = arith.cmpi ne, %convert_element_type3A_17, %cond3A_18 : i32
    scf.if %cond3A_19 {
      %scan3A_25 = arith.constant 0 : i32
      %scan3A_26 = arith.constant 0 : i32
      %scan3A_27 = arith.constant 92 : i32
      %scan3A_28 = arith.addi %scan3A_26, %scan3A_27 : i32
      %scan3A_29 = arith.constant 1 : i32
      scf.for %scan3A_31 = %scan3A_26 to %scan3A_28 step %scan3A_29  : i32 {
        %dma_start3A = arith.constant 0 : i32
        %dma_start3A_32 = tpu.memref_slice %arg6[%scan3A_31, %dma_start3A] : memref<160x80xi32, #tpu.memory_space<vmem>> -> memref<1x80xi32, #tpu.memory_space<vmem>>
        %dma_start3A_33 = tpu.memref_squeeze %dma_start3A_32 : memref<1x80xi32, #tpu.memory_space<vmem>> -> memref<80xi32, #tpu.memory_space<vmem>>
        %dma_start3A_34 = arith.constant 0 : i32
        %dma_start3A_35 = arith.constant 0 : i32
        %dma_start3A_36 = tpu.memref_slice %arg2[%dma_start3A_34, %dma_start3A_35] : memref<10000x64xf32, #tpu.memory_space<hbm>> -> memref<10000x64xf32, #tpu.memory_space<hbm>>
        tpu.enqueue_indirect_dma source(%dma_start3A_36 : memref<10000x64xf32, #tpu.memory_space<hbm>>) target(%arg8 : memref<80x64xf32, #tpu.memory_space<vmem>>) offsets(%dma_start3A_33 : memref<80xi32, #tpu.memory_space<vmem>>) semaphore(%arg12 : memref<!tpu.dma_semaphore, #tpu.memory_space<semaphore_mem>>)
        %dma_wait3A = arith.constant 0 : i32
        %dma_wait3A_37 = tpu.memref_slice %arg6[%scan3A_31, %dma_wait3A] : memref<160x80xi32, #tpu.memory_space<vmem>> -> memref<1x80xi32, #tpu.memory_space<vmem>>
        %dma_wait3A_38 = tpu.memref_squeeze %dma_wait3A_37 : memref<1x80xi32, #tpu.memory_space<vmem>> -> memref<80xi32, #tpu.memory_space<vmem>>
        %dma_wait3A_39 = arith.constant 0 : i32
        %dma_wait3A_40 = arith.constant 0 : i32
        %dma_wait3A_41 = tpu.memref_slice %arg2[%dma_wait3A_39, %dma_wait3A_40] : memref<10000x64xf32, #tpu.memory_space<hbm>> -> memref<10000x64xf32, #tpu.memory_space<hbm>>
        tpu.wait_indirect_dma semaphore(%arg12 : memref<!tpu.dma_semaphore, #tpu.memory_space<semaphore_mem>>) src(%dma_wait3A_41 : memref<10000x64xf32, #tpu.memory_space<hbm>>) dst(%arg8 : memref<80x64xf32, #tpu.memory_space<vmem>>)
        "tpu.region"() ({
          %run_scoped3A = tpu.sem_alloc : memref<!tpu.dma_semaphore, #tpu.memory_space<semaphore_mem>>
          %dma_start3A_42 = arith.constant 0 : i32
          %dma_start3A_43 = tpu.memref_slice %arg7[%scan3A_31, %dma_start3A_42] : memref<160x80xi32, #tpu.memory_space<vmem>> -> memref<1x80xi32, #tpu.memory_space<vmem>>
          %dma_start3A_44 = tpu.memref_squeeze %dma_start3A_43 : memref<1x80xi32, #tpu.memory_space<vmem>> -> memref<80xi32, #tpu.memory_space<vmem>>
          %dma_start3A_45 = arith.constant 0 : i32
          %dma_start3A_46 = arith.constant 0 : i32
          %dma_start3A_47 = tpu.memref_slice %arg11[%dma_start3A_45, %dma_start3A_46] : memref<10240x64xf32, #tpu.memory_space<vmem_shared>> -> memref<10240x64xf32, #tpu.memory_space<vmem_shared>>
          tpu.enqueue_indirect_dma source(%arg8 : memref<80x64xf32, #tpu.memory_space<vmem>>) target(%dma_start3A_47 : memref<10240x64xf32, #tpu.memory_space<vmem_shared>>) offsets(%dma_start3A_44 : memref<80xi32, #tpu.memory_space<vmem>>) semaphore(%run_scoped3A : memref<!tpu.dma_semaphore, #tpu.memory_space<semaphore_mem>>) {add = true}
          %dma_wait3A_48 = arith.constant 0 : i32
          %dma_wait3A_49 = tpu.memref_slice %arg7[%scan3A_31, %dma_wait3A_48] : memref<160x80xi32, #tpu.memory_space<vmem>> -> memref<1x80xi32, #tpu.memory_space<vmem>>
          %dma_wait3A_50 = tpu.memref_squeeze %dma_wait3A_49 : memref<1x80xi32, #tpu.memory_space<vmem>> -> memref<80xi32, #tpu.memory_space<vmem>>
          %dma_wait3A_51 = arith.constant 0 : i32
          %dma_wait3A_52 = arith.constant 0 : i32
          %dma_wait3A_53 = tpu.memref_slice %arg11[%dma_wait3A_51, %dma_wait3A_52] : memref<10240x64xf32, #tpu.memory_space<vmem_shared>> -> memref<10240x64xf32, #tpu.memory_space<vmem_shared>>
          tpu.wait_indirect_dma semaphore(%run_scoped3A : memref<!tpu.dma_semaphore, #tpu.memory_space<semaphore_mem>>) src(%arg8 : memref<80x64xf32, #tpu.memory_space<vmem>>) dst(%dma_wait3A_53 : memref<10240x64xf32, #tpu.memory_space<vmem_shared>>)
          tpu.yield
        }) : () -> ()
      }
      %scan3A_30 = arith.constant 92 : i32
    } else {
    }
    %barrier3A_20 = arith.constant 0 : index
    tpu.barrier barrier_id(%barrier3A_20)
    %mul3A_21 = arith.constant 640 : i32
    %mul3A_22 = arith.muli %arg1, %mul3A_21 : i32
    %mul3A_23 = arith.constant 640 : i32
    %mul3A_24 = arith.muli %arg1, %mul3A_23 : i32
    "tpu.region"() ({
      %run_scoped3A = tpu.sem_alloc : memref<!tpu.dma_semaphore, #tpu.memory_space<semaphore_mem>>
      %dma_start3A = arith.constant 0 : i32
      %dma_start3A_25 = tpu.memref_slice %arg5[%arg0, %mul3A_24, %dma_start3A] : memref<2x10240x64xf32, #tpu.memory_space<hbm>> -> memref<1x640x64xf32, #tpu.memory_space<hbm>>
      %dma_start3A_26 = tpu.memref_squeeze %dma_start3A_25 : memref<1x640x64xf32, #tpu.memory_space<hbm>> -> memref<640x64xf32, #tpu.memory_space<hbm>>
      %dma_start3A_27 = arith.constant 0 : i32
      %dma_start3A_28 = tpu.memref_slice %arg11[%mul3A_22, %dma_start3A_27] : memref<10240x64xf32, #tpu.memory_space<vmem_shared>> -> memref<640x64xf32, #tpu.memory_space<vmem_shared>>
      tpu.enqueue_dma source(%dma_start3A_28 : memref<640x64xf32, #tpu.memory_space<vmem_shared>>) target(%dma_start3A_26 : memref<640x64xf32, #tpu.memory_space<hbm>>) target_semaphore(%run_scoped3A : memref<!tpu.dma_semaphore, #tpu.memory_space<semaphore_mem>>)
      %dma_wait3A = arith.constant 0 : i32
      %dma_wait3A_29 = tpu.memref_slice %arg5[%arg0, %mul3A_24, %dma_wait3A] : memref<2x10240x64xf32, #tpu.memory_space<hbm>> -> memref<1x640x64xf32, #tpu.memory_space<hbm>>
      %dma_wait3A_30 = tpu.memref_squeeze %dma_wait3A_29 : memref<1x640x64xf32, #tpu.memory_space<hbm>> -> memref<640x64xf32, #tpu.memory_space<hbm>>
      %dma_wait3A_31 = arith.constant 0 : i32
      %dma_wait3A_32 = tpu.memref_slice %arg11[%mul3A_22, %dma_wait3A_31] : memref<10240x64xf32, #tpu.memory_space<vmem_shared>> -> memref<640x64xf32, #tpu.memory_space<vmem_shared>>
      tpu.wait_dma2 semaphore(%run_scoped3A : memref<!tpu.dma_semaphore, #tpu.memory_space<semaphore_mem>>) src(%dma_wait3A_32 : memref<640x64xf32, #tpu.memory_space<vmem_shared>>) dst(%dma_wait3A_30 : memref<640x64xf32, #tpu.memory_space<hbm>>)
      tpu.yield
    }) : () -> ()
    return
  }
}

#map = affine_map<(d0, d1) -> (0, 0)>
#map1 = affine_map<(d0, d1) -> (0, 0, 0)>
module attributes {stable_mosaic.version = 14 : i64} {
  func.func @body(%arg0: i32, %arg1: i32, %arg2: memref<1x16xf32, #tpu.memory_space<hbm>>, %arg3: memref<4196x80xi32, #tpu.memory_space<hbm>>, %arg4: memref<4196x80xi32, #tpu.memory_space<hbm>>, %arg5: memref<2x10240x16xf32, #tpu.memory_space<hbm>>, %arg6: memref<126x80xi32, #tpu.memory_space<vmem>>, %arg7: memref<126x80xi32, #tpu.memory_space<vmem>>, %arg8: memref<80x16xf32, #tpu.memory_space<vmem>>, %arg9: memref<80x16xf32, #tpu.memory_space<vmem>>, %arg10: memref<640x16xf32, #tpu.memory_space<vmem>>, %arg11: memref<10240x16xf32, #tpu.memory_space<vmem_shared>>, %arg12: memref<!tpu.dma_semaphore, #tpu.memory_space<semaphore_mem>>, %arg13: memref<!tpu.dma_semaphore, #tpu.memory_space<semaphore_mem>>) attributes {dimension_semantics = [#tpu.dimension_semantics<core_parallel>, #tpu.dimension_semantics<subcore_parallel>], iteration_bounds = array<i64: 2, 16>, scalar_prefetch = 0 : i64, scratch_operands = 8 : i64, tpu.core_type = #tpu.core_type<sc_vector_subcore>, window_params = [{transform_indices = #map}, {transform_indices = #map}, {transform_indices = #map}, {transform_indices = #map1}]} {
    %eq3A = arith.constant 0 : i32
    %eq3A_0 = arith.cmpi eq, %arg0, %eq3A : i32
    %mul3A = arith.constant 126 : i32
    %mul3A_1 = arith.muli %arg1, %mul3A : i32
    %mul3A_2 = arith.constant 126 : i32
    %mul3A_3 = arith.muli %arg1, %mul3A_2 : i32
    %add3A = arith.constant 2016 : i32
    %add3A_4 = arith.addi %add3A, %mul3A_3 : i32
    %select_n3A = arith.select %eq3A_0, %mul3A_1, %add3A_4 : i32
    %broadcast_in_dim3A = arith.constant 0.000000e+00 : f32
    %broadcast_in_dim3A_5 = vector.broadcast %broadcast_in_dim3A : f32 to vector<16xf32>
    %scan3A = arith.constant 0 : i32
    %scan3A_6 = arith.constant 0 : i32
    %scan3A_7 = arith.constant 640 : i32
    %scan3A_8 = arith.addi %scan3A_6, %scan3A_7 : i32
    %scan3A_9 = arith.constant 1 : i32
    scf.for %scan3A_40 = %scan3A_6 to %scan3A_8 step %scan3A_9  : i32 {
      %swap3A = arith.index_cast %scan3A_40 : i32 to index
      %swap3A_41 = arith.constant 0 : index
      %swap3A_42 = tpu.vector_load %arg10[%swap3A, %swap3A_41] {strides = array<i32>} : memref<640x16xf32, #tpu.memory_space<vmem>>, vector<1x16xf32>,
      %swap3A_43 = vector.shape_cast %swap3A_42 : vector<1x16xf32> to vector<16xf32>
      %swap3A_44 = vector.shape_cast %broadcast_in_dim3A_5 : vector<16xf32> to vector<1x16xf32>
      tpu.vector_store %arg10[%swap3A, %swap3A_41], %swap3A_44 {strides = array<i32>} : memref<640x16xf32, #tpu.memory_space<vmem>>, vector<1x16xf32>,
    }
    %scan3A_10 = arith.constant 640 : i32
    %mul3A_11 = arith.constant 640 : i32
    %mul3A_12 = arith.muli %arg1, %mul3A_11 : i32
    "tpu.region"() ({
      %run_scoped3A = tpu.sem_alloc : memref<!tpu.dma_semaphore, #tpu.memory_space<semaphore_mem>>
      %dma_start3A = arith.constant 0 : i32
      %dma_start3A_40 = tpu.memref_slice %arg11[%mul3A_12, %dma_start3A] : memref<10240x16xf32, #tpu.memory_space<vmem_shared>> -> memref<640x16xf32, #tpu.memory_space<vmem_shared>>
      %dma_start3A_41 = arith.constant 0 : i32
      %dma_start3A_42 = tpu.memref_slice %arg11[%mul3A_12, %dma_start3A_41] : memref<10240x16xf32, #tpu.memory_space<vmem_shared>> -> memref<640x16xf32, #tpu.memory_space<vmem_shared>>
      tpu.enqueue_dma source(%arg10 : memref<640x16xf32, #tpu.memory_space<vmem>>) target(%dma_start3A_42 : memref<640x16xf32, #tpu.memory_space<vmem_shared>>) target_semaphore(%run_scoped3A : memref<!tpu.dma_semaphore, #tpu.memory_space<semaphore_mem>>)
      %dma_wait3A = arith.constant 0 : i32
      %dma_wait3A_43 = tpu.memref_slice %arg11[%mul3A_12, %dma_wait3A] : memref<10240x16xf32, #tpu.memory_space<vmem_shared>> -> memref<640x16xf32, #tpu.memory_space<vmem_shared>>
      %dma_wait3A_44 = arith.constant 0 : i32
      %dma_wait3A_45 = tpu.memref_slice %arg11[%mul3A_12, %dma_wait3A_44] : memref<10240x16xf32, #tpu.memory_space<vmem_shared>> -> memref<640x16xf32, #tpu.memory_space<vmem_shared>>
      tpu.wait_dma2 semaphore(%run_scoped3A : memref<!tpu.dma_semaphore, #tpu.memory_space<semaphore_mem>>) src(%arg10 : memref<640x16xf32, #tpu.memory_space<vmem>>) dst(%dma_wait3A_45 : memref<640x16xf32, #tpu.memory_space<vmem_shared>>)
      tpu.yield
    }) : () -> ()
    %broadcast_in_dim3A_13 = arith.constant 1.000000e+00 : f32
    %broadcast_in_dim3A_14 = vector.broadcast %broadcast_in_dim3A_13 : f32 to vector<16xf32>
    %scan3A_15 = arith.constant 0 : i32
    %scan3A_16 = arith.constant 0 : i32
    %scan3A_17 = arith.constant 80 : i32
    %scan3A_18 = arith.addi %scan3A_16, %scan3A_17 : i32
    %scan3A_19 = arith.constant 1 : i32
    scf.for %scan3A_40 = %scan3A_16 to %scan3A_18 step %scan3A_19  : i32 {
      %swap3A = arith.index_cast %scan3A_40 : i32 to index
      %swap3A_41 = arith.constant 0 : index
      %swap3A_42 = tpu.vector_load %arg8[%swap3A, %swap3A_41] {strides = array<i32>} : memref<80x16xf32, #tpu.memory_space<vmem>>, vector<1x16xf32>,
      %swap3A_43 = vector.shape_cast %swap3A_42 : vector<1x16xf32> to vector<16xf32>
      %swap3A_44 = vector.shape_cast %broadcast_in_dim3A_14 : vector<16xf32> to vector<1x16xf32>
      tpu.vector_store %arg8[%swap3A, %swap3A_41], %swap3A_44 {strides = array<i32>} : memref<80x16xf32, #tpu.memory_space<vmem>>, vector<1x16xf32>,
    }
    %scan3A_20 = arith.constant 80 : i32
    "tpu.region"() ({
      %run_scoped3A = tpu.sem_alloc : memref<!tpu.dma_semaphore, #tpu.memory_space<semaphore_mem>>
      %dma_start3A = arith.constant 0 : i32
      %dma_start3A_40 = tpu.memref_slice %arg3[%select_n3A, %dma_start3A] : memref<4196x80xi32, #tpu.memory_space<hbm>> -> memref<126x80xi32, #tpu.memory_space<hbm>>
      %dma_start3A_41 = arith.constant 0 : i32
      %dma_start3A_42 = tpu.memref_slice %arg3[%select_n3A, %dma_start3A_41] : memref<4196x80xi32, #tpu.memory_space<hbm>> -> memref<126x80xi32, #tpu.memory_space<hbm>>
      tpu.enqueue_dma source(%dma_start3A_42 : memref<126x80xi32, #tpu.memory_space<hbm>>) target(%arg6 : memref<126x80xi32, #tpu.memory_space<vmem>>) target_semaphore(%run_scoped3A : memref<!tpu.dma_semaphore, #tpu.memory_space<semaphore_mem>>)
      %dma_wait3A = arith.constant 0 : i32
      %dma_wait3A_43 = tpu.memref_slice %arg3[%select_n3A, %dma_wait3A] : memref<4196x80xi32, #tpu.memory_space<hbm>> -> memref<126x80xi32, #tpu.memory_space<hbm>>
      %dma_wait3A_44 = arith.constant 0 : i32
      %dma_wait3A_45 = tpu.memref_slice %arg3[%select_n3A, %dma_wait3A_44] : memref<4196x80xi32, #tpu.memory_space<hbm>> -> memref<126x80xi32, #tpu.memory_space<hbm>>
      tpu.wait_dma2 semaphore(%run_scoped3A : memref<!tpu.dma_semaphore, #tpu.memory_space<semaphore_mem>>) src(%dma_wait3A_45 : memref<126x80xi32, #tpu.memory_space<hbm>>) dst(%arg6 : memref<126x80xi32, #tpu.memory_space<vmem>>)
      tpu.yield
    }) : () -> ()
    "tpu.region"() ({
      %run_scoped3A = tpu.sem_alloc : memref<!tpu.dma_semaphore, #tpu.memory_space<semaphore_mem>>
      %dma_start3A = arith.constant 0 : i32
      %dma_start3A_40 = tpu.memref_slice %arg4[%select_n3A, %dma_start3A] : memref<4196x80xi32, #tpu.memory_space<hbm>> -> memref<126x80xi32, #tpu.memory_space<hbm>>
      %dma_start3A_41 = arith.constant 0 : i32
      %dma_start3A_42 = tpu.memref_slice %arg4[%select_n3A, %dma_start3A_41] : memref<4196x80xi32, #tpu.memory_space<hbm>> -> memref<126x80xi32, #tpu.memory_space<hbm>>
      tpu.enqueue_dma source(%dma_start3A_42 : memref<126x80xi32, #tpu.memory_space<hbm>>) target(%arg7 : memref<126x80xi32, #tpu.memory_space<vmem>>) target_semaphore(%run_scoped3A : memref<!tpu.dma_semaphore, #tpu.memory_space<semaphore_mem>>)
      %dma_wait3A = arith.constant 0 : i32
      %dma_wait3A_43 = tpu.memref_slice %arg4[%select_n3A, %dma_wait3A] : memref<4196x80xi32, #tpu.memory_space<hbm>> -> memref<126x80xi32, #tpu.memory_space<hbm>>
      %dma_wait3A_44 = arith.constant 0 : i32
      %dma_wait3A_45 = tpu.memref_slice %arg4[%select_n3A, %dma_wait3A_44] : memref<4196x80xi32, #tpu.memory_space<hbm>> -> memref<126x80xi32, #tpu.memory_space<hbm>>
      tpu.wait_dma2 semaphore(%run_scoped3A : memref<!tpu.dma_semaphore, #tpu.memory_space<semaphore_mem>>) src(%dma_wait3A_45 : memref<126x80xi32, #tpu.memory_space<hbm>>) dst(%arg7 : memref<126x80xi32, #tpu.memory_space<vmem>>)
      tpu.yield
    }) : () -> ()
    %barrier3A = arith.constant 0 : index
    tpu.barrier barrier_id(%barrier3A)
    %eq3A_21 = arith.constant 0 : i32
    %eq3A_22 = arith.cmpi eq, %arg0, %eq3A_21 : i32
    %select_n3A_23 = arith.constant 126 : i32
    %select_n3A_24 = arith.constant 126 : i32
    %select_n3A_25 = arith.select %eq3A_22, %select_n3A_24, %select_n3A_23 : i32
    %while3A = arith.constant 0 : i32
    %while3A_26 = arith.constant 0 : i32
    %while3A_27 = arith.subi %select_n3A_25, %while3A_26 : i32
    %while3A_28 = arith.addi %while3A_26, %while3A_27 : i32
    %while3A_29 = arith.constant 1 : i32
    %while3A_30 = arith.divsi %while3A_27, %while3A_29 : i32
    %while3A_31 = arith.muli %while3A_30, %while3A_29 : i32
    %while3A_32 = arith.addi %while3A_26, %while3A_31 : i32
    %while3A_33 = arith.constant 1 : i32
    scf.for %while3A_40 = %while3A_26 to %while3A_32 step %while3A_33  : i32 {
      "tpu.region"() ({
        %run_scoped3A = tpu.sem_alloc : memref<!tpu.dma_semaphore, #tpu.memory_space<semaphore_mem>>
        %dma_start3A = arith.constant 0 : i32
        %dma_start3A_41 = tpu.memref_slice %arg7[%while3A_40, %dma_start3A] : memref<126x80xi32, #tpu.memory_space<vmem>> -> memref<1x80xi32, #tpu.memory_space<vmem>>
        %dma_start3A_42 = tpu.memref_squeeze %dma_start3A_41 : memref<1x80xi32, #tpu.memory_space<vmem>> -> memref<80xi32, #tpu.memory_space<vmem>>
        %dma_start3A_43 = arith.constant 0 : i32
        %dma_start3A_44 = arith.constant 0 : i32
        %dma_start3A_45 = tpu.memref_slice %arg11[%dma_start3A_43, %dma_start3A_44] : memref<10240x16xf32, #tpu.memory_space<vmem_shared>> -> memref<10240x16xf32, #tpu.memory_space<vmem_shared>>
        tpu.enqueue_indirect_dma source(%arg8 : memref<80x16xf32, #tpu.memory_space<vmem>>) target(%dma_start3A_45 : memref<10240x16xf32, #tpu.memory_space<vmem_shared>>) offsets(%dma_start3A_42 : memref<80xi32, #tpu.memory_space<vmem>>) semaphore(%run_scoped3A : memref<!tpu.dma_semaphore, #tpu.memory_space<semaphore_mem>>) {add = true}
        %dma_wait3A = arith.constant 0 : i32
        %dma_wait3A_46 = tpu.memref_slice %arg7[%while3A_40, %dma_wait3A] : memref<126x80xi32, #tpu.memory_space<vmem>> -> memref<1x80xi32, #tpu.memory_space<vmem>>
        %dma_wait3A_47 = tpu.memref_squeeze %dma_wait3A_46 : memref<1x80xi32, #tpu.memory_space<vmem>> -> memref<80xi32, #tpu.memory_space<vmem>>
        %dma_wait3A_48 = arith.constant 0 : i32
        %dma_wait3A_49 = arith.constant 0 : i32
        %dma_wait3A_50 = tpu.memref_slice %arg11[%dma_wait3A_48, %dma_wait3A_49] : memref<10240x16xf32, #tpu.memory_space<vmem_shared>> -> memref<10240x16xf32, #tpu.memory_space<vmem_shared>>
        tpu.wait_indirect_dma semaphore(%run_scoped3A : memref<!tpu.dma_semaphore, #tpu.memory_space<semaphore_mem>>) src(%arg8 : memref<80x16xf32, #tpu.memory_space<vmem>>) dst(%dma_wait3A_50 : memref<10240x16xf32, #tpu.memory_space<vmem_shared>>)
        tpu.yield
      }) : () -> ()
    }
    %while3A_34 = arith.constant 1 : i32
    scf.for %while3A_40 = %while3A_32 to %while3A_28 step %while3A_34  : i32 {
      "tpu.region"() ({
        %run_scoped3A = tpu.sem_alloc : memref<!tpu.dma_semaphore, #tpu.memory_space<semaphore_mem>>
        %dma_start3A = arith.constant 0 : i32
        %dma_start3A_41 = tpu.memref_slice %arg7[%while3A_40, %dma_start3A] : memref<126x80xi32, #tpu.memory_space<vmem>> -> memref<1x80xi32, #tpu.memory_space<vmem>>
        %dma_start3A_42 = tpu.memref_squeeze %dma_start3A_41 : memref<1x80xi32, #tpu.memory_space<vmem>> -> memref<80xi32, #tpu.memory_space<vmem>>
        %dma_start3A_43 = arith.constant 0 : i32
        %dma_start3A_44 = arith.constant 0 : i32
        %dma_start3A_45 = tpu.memref_slice %arg11[%dma_start3A_43, %dma_start3A_44] : memref<10240x16xf32, #tpu.memory_space<vmem_shared>> -> memref<10240x16xf32, #tpu.memory_space<vmem_shared>>
        tpu.enqueue_indirect_dma source(%arg8 : memref<80x16xf32, #tpu.memory_space<vmem>>) target(%dma_start3A_45 : memref<10240x16xf32, #tpu.memory_space<vmem_shared>>) offsets(%dma_start3A_42 : memref<80xi32, #tpu.memory_space<vmem>>) semaphore(%run_scoped3A : memref<!tpu.dma_semaphore, #tpu.memory_space<semaphore_mem>>) {add = true}
        %dma_wait3A = arith.constant 0 : i32
        %dma_wait3A_46 = tpu.memref_slice %arg7[%while3A_40, %dma_wait3A] : memref<126x80xi32, #tpu.memory_space<vmem>> -> memref<1x80xi32, #tpu.memory_space<vmem>>
        %dma_wait3A_47 = tpu.memref_squeeze %dma_wait3A_46 : memref<1x80xi32, #tpu.memory_space<vmem>> -> memref<80xi32, #tpu.memory_space<vmem>>
        %dma_wait3A_48 = arith.constant 0 : i32
        %dma_wait3A_49 = arith.constant 0 : i32
        %dma_wait3A_50 = tpu.memref_slice %arg11[%dma_wait3A_48, %dma_wait3A_49] : memref<10240x16xf32, #tpu.memory_space<vmem_shared>> -> memref<10240x16xf32, #tpu.memory_space<vmem_shared>>
        tpu.wait_indirect_dma semaphore(%run_scoped3A : memref<!tpu.dma_semaphore, #tpu.memory_space<semaphore_mem>>) src(%arg8 : memref<80x16xf32, #tpu.memory_space<vmem>>) dst(%dma_wait3A_50 : memref<10240x16xf32, #tpu.memory_space<vmem_shared>>)
        tpu.yield
      }) : () -> ()
    }
    %barrier3A_35 = arith.constant 0 : index
    tpu.barrier barrier_id(%barrier3A_35)
    %mul3A_36 = arith.constant 640 : i32
    %mul3A_37 = arith.muli %arg1, %mul3A_36 : i32
    %mul3A_38 = arith.constant 640 : i32
    %mul3A_39 = arith.muli %arg1, %mul3A_38 : i32
    "tpu.region"() ({
      %run_scoped3A = tpu.sem_alloc : memref<!tpu.dma_semaphore, #tpu.memory_space<semaphore_mem>>
      %dma_start3A = arith.constant 0 : i32
      %dma_start3A_40 = tpu.memref_slice %arg5[%arg0, %mul3A_39, %dma_start3A] : memref<2x10240x16xf32, #tpu.memory_space<hbm>> -> memref<1x640x16xf32, #tpu.memory_space<hbm>>
      %dma_start3A_41 = tpu.memref_squeeze %dma_start3A_40 : memref<1x640x16xf32, #tpu.memory_space<hbm>> -> memref<640x16xf32, #tpu.memory_space<hbm>>
      %dma_start3A_42 = arith.constant 0 : i32
      %dma_start3A_43 = tpu.memref_slice %arg11[%mul3A_37, %dma_start3A_42] : memref<10240x16xf32, #tpu.memory_space<vmem_shared>> -> memref<640x16xf32, #tpu.memory_space<vmem_shared>>
      tpu.enqueue_dma source(%dma_start3A_43 : memref<640x16xf32, #tpu.memory_space<vmem_shared>>) target(%dma_start3A_41 : memref<640x16xf32, #tpu.memory_space<hbm>>) target_semaphore(%run_scoped3A : memref<!tpu.dma_semaphore, #tpu.memory_space<semaphore_mem>>)
      %dma_wait3A = arith.constant 0 : i32
      %dma_wait3A_44 = tpu.memref_slice %arg5[%arg0, %mul3A_39, %dma_wait3A] : memref<2x10240x16xf32, #tpu.memory_space<hbm>> -> memref<1x640x16xf32, #tpu.memory_space<hbm>>
      %dma_wait3A_45 = tpu.memref_squeeze %dma_wait3A_44 : memref<1x640x16xf32, #tpu.memory_space<hbm>> -> memref<640x16xf32, #tpu.memory_space<hbm>>
      %dma_wait3A_46 = arith.constant 0 : i32
      %dma_wait3A_47 = tpu.memref_slice %arg11[%mul3A_37, %dma_wait3A_46] : memref<10240x16xf32, #tpu.memory_space<vmem_shared>> -> memref<640x16xf32, #tpu.memory_space<vmem_shared>>
      tpu.wait_dma2 semaphore(%run_scoped3A : memref<!tpu.dma_semaphore, #tpu.memory_space<semaphore_mem>>) src(%dma_wait3A_47 : memref<640x16xf32, #tpu.memory_space<vmem_shared>>) dst(%dma_wait3A_45 : memref<640x16xf32, #tpu.memory_space<hbm>>)
      tpu.yield
    }) : () -> ()
    return
  }
}

#map = affine_map<(d0, d1) -> (0, 0)>
#map1 = affine_map<(d0, d1) -> (0, 0, 0)>
module attributes {stable_mosaic.version = 14 : i64} {
  func.func @body(%arg0: i32, %arg1: i32, %arg2: memref<10000x16xf32, #tpu.memory_space<hbm>>, %arg3: memref<4196x80xi32, #tpu.memory_space<hbm>>, %arg4: memref<4196x80xi32, #tpu.memory_space<hbm>>, %arg5: memref<2x10240x16xf32, #tpu.memory_space<hbm>>, %arg6: memref<164x80xi32, #tpu.memory_space<vmem>>, %arg7: memref<164x80xi32, #tpu.memory_space<vmem>>, %arg8: memref<80x16xf32, #tpu.memory_space<vmem>>, %arg9: memref<80x16xf32, #tpu.memory_space<vmem>>, %arg10: memref<640x16xf32, #tpu.memory_space<vmem>>, %arg11: memref<10240x16xf32, #tpu.memory_space<vmem_shared>>, %arg12: memref<!tpu.dma_semaphore, #tpu.memory_space<semaphore_mem>>, %arg13: memref<!tpu.dma_semaphore, #tpu.memory_space<semaphore_mem>>) attributes {dimension_semantics = [#tpu.dimension_semantics<core_parallel>, #tpu.dimension_semantics<subcore_parallel>], iteration_bounds = array<i64: 2, 16>, scalar_prefetch = 0 : i64, scratch_operands = 8 : i64, tpu.core_type = #tpu.core_type<sc_vector_subcore>, window_params = [{transform_indices = #map}, {transform_indices = #map}, {transform_indices = #map}, {transform_indices = #map1}]} {
    %eq3A = arith.constant 0 : i32
    %eq3A_0 = arith.cmpi eq, %arg0, %eq3A : i32
    %mul3A = arith.constant 164 : i32
    %mul3A_1 = arith.muli %arg1, %mul3A : i32
    %mul3A_2 = arith.constant 88 : i32
    %mul3A_3 = arith.muli %arg1, %mul3A_2 : i32
    %add3A = arith.constant 2624 : i32
    %add3A_4 = arith.addi %add3A, %mul3A_3 : i32
    %select_n3A = arith.select %eq3A_0, %mul3A_1, %add3A_4 : i32
    %broadcast_in_dim3A = arith.constant 0.000000e+00 : f32
    %broadcast_in_dim3A_5 = vector.broadcast %broadcast_in_dim3A : f32 to vector<16xf32>
    %scan3A = arith.constant 0 : i32
    %scan3A_6 = arith.constant 0 : i32
    %scan3A_7 = arith.constant 640 : i32
    %scan3A_8 = arith.addi %scan3A_6, %scan3A_7 : i32
    %scan3A_9 = arith.constant 1 : i32
    scf.for %scan3A_25 = %scan3A_6 to %scan3A_8 step %scan3A_9  : i32 {
      %swap3A = arith.index_cast %scan3A_25 : i32 to index
      %swap3A_26 = arith.constant 0 : index
      %swap3A_27 = tpu.vector_load %arg10[%swap3A, %swap3A_26] {strides = array<i32>} : memref<640x16xf32, #tpu.memory_space<vmem>>, vector<1x16xf32>,
      %swap3A_28 = vector.shape_cast %swap3A_27 : vector<1x16xf32> to vector<16xf32>
      %swap3A_29 = vector.shape_cast %broadcast_in_dim3A_5 : vector<16xf32> to vector<1x16xf32>
      tpu.vector_store %arg10[%swap3A, %swap3A_26], %swap3A_29 {strides = array<i32>} : memref<640x16xf32, #tpu.memory_space<vmem>>, vector<1x16xf32>,
    }
    %scan3A_10 = arith.constant 640 : i32
    %mul3A_11 = arith.constant 640 : i32
    %mul3A_12 = arith.muli %arg1, %mul3A_11 : i32
    "tpu.region"() ({
      %run_scoped3A = tpu.sem_alloc : memref<!tpu.dma_semaphore, #tpu.memory_space<semaphore_mem>>
      %dma_start3A = arith.constant 0 : i32
      %dma_start3A_25 = tpu.memref_slice %arg11[%mul3A_12, %dma_start3A] : memref<10240x16xf32, #tpu.memory_space<vmem_shared>> -> memref<640x16xf32, #tpu.memory_space<vmem_shared>>
      %dma_start3A_26 = arith.constant 0 : i32
      %dma_start3A_27 = tpu.memref_slice %arg11[%mul3A_12, %dma_start3A_26] : memref<10240x16xf32, #tpu.memory_space<vmem_shared>> -> memref<640x16xf32, #tpu.memory_space<vmem_shared>>
      tpu.enqueue_dma source(%arg10 : memref<640x16xf32, #tpu.memory_space<vmem>>) target(%dma_start3A_27 : memref<640x16xf32, #tpu.memory_space<vmem_shared>>) target_semaphore(%run_scoped3A : memref<!tpu.dma_semaphore, #tpu.memory_space<semaphore_mem>>)
      %dma_wait3A = arith.constant 0 : i32
      %dma_wait3A_28 = tpu.memref_slice %arg11[%mul3A_12, %dma_wait3A] : memref<10240x16xf32, #tpu.memory_space<vmem_shared>> -> memref<640x16xf32, #tpu.memory_space<vmem_shared>>
      %dma_wait3A_29 = arith.constant 0 : i32
      %dma_wait3A_30 = tpu.memref_slice %arg11[%mul3A_12, %dma_wait3A_29] : memref<10240x16xf32, #tpu.memory_space<vmem_shared>> -> memref<640x16xf32, #tpu.memory_space<vmem_shared>>
      tpu.wait_dma2 semaphore(%run_scoped3A : memref<!tpu.dma_semaphore, #tpu.memory_space<semaphore_mem>>) src(%arg10 : memref<640x16xf32, #tpu.memory_space<vmem>>) dst(%dma_wait3A_30 : memref<640x16xf32, #tpu.memory_space<vmem_shared>>)
      tpu.yield
    }) : () -> ()
    "tpu.region"() ({
      %run_scoped3A = tpu.sem_alloc : memref<!tpu.dma_semaphore, #tpu.memory_space<semaphore_mem>>
      %dma_start3A = arith.constant 0 : i32
      %dma_start3A_25 = tpu.memref_slice %arg3[%select_n3A, %dma_start3A] : memref<4196x80xi32, #tpu.memory_space<hbm>> -> memref<164x80xi32, #tpu.memory_space<hbm>>
      %dma_start3A_26 = arith.constant 0 : i32
      %dma_start3A_27 = tpu.memref_slice %arg3[%select_n3A, %dma_start3A_26] : memref<4196x80xi32, #tpu.memory_space<hbm>> -> memref<164x80xi32, #tpu.memory_space<hbm>>
      tpu.enqueue_dma source(%dma_start3A_27 : memref<164x80xi32, #tpu.memory_space<hbm>>) target(%arg6 : memref<164x80xi32, #tpu.memory_space<vmem>>) target_semaphore(%run_scoped3A : memref<!tpu.dma_semaphore, #tpu.memory_space<semaphore_mem>>)
      %dma_wait3A = arith.constant 0 : i32
      %dma_wait3A_28 = tpu.memref_slice %arg3[%select_n3A, %dma_wait3A] : memref<4196x80xi32, #tpu.memory_space<hbm>> -> memref<164x80xi32, #tpu.memory_space<hbm>>
      %dma_wait3A_29 = arith.constant 0 : i32
      %dma_wait3A_30 = tpu.memref_slice %arg3[%select_n3A, %dma_wait3A_29] : memref<4196x80xi32, #tpu.memory_space<hbm>> -> memref<164x80xi32, #tpu.memory_space<hbm>>
      tpu.wait_dma2 semaphore(%run_scoped3A : memref<!tpu.dma_semaphore, #tpu.memory_space<semaphore_mem>>) src(%dma_wait3A_30 : memref<164x80xi32, #tpu.memory_space<hbm>>) dst(%arg6 : memref<164x80xi32, #tpu.memory_space<vmem>>)
      tpu.yield
    }) : () -> ()
    "tpu.region"() ({
      %run_scoped3A = tpu.sem_alloc : memref<!tpu.dma_semaphore, #tpu.memory_space<semaphore_mem>>
      %dma_start3A = arith.constant 0 : i32
      %dma_start3A_25 = tpu.memref_slice %arg4[%select_n3A, %dma_start3A] : memref<4196x80xi32, #tpu.memory_space<hbm>> -> memref<164x80xi32, #tpu.memory_space<hbm>>
      %dma_start3A_26 = arith.constant 0 : i32
      %dma_start3A_27 = tpu.memref_slice %arg4[%select_n3A, %dma_start3A_26] : memref<4196x80xi32, #tpu.memory_space<hbm>> -> memref<164x80xi32, #tpu.memory_space<hbm>>
      tpu.enqueue_dma source(%dma_start3A_27 : memref<164x80xi32, #tpu.memory_space<hbm>>) target(%arg7 : memref<164x80xi32, #tpu.memory_space<vmem>>) target_semaphore(%run_scoped3A : memref<!tpu.dma_semaphore, #tpu.memory_space<semaphore_mem>>)
      %dma_wait3A = arith.constant 0 : i32
      %dma_wait3A_28 = tpu.memref_slice %arg4[%select_n3A, %dma_wait3A] : memref<4196x80xi32, #tpu.memory_space<hbm>> -> memref<164x80xi32, #tpu.memory_space<hbm>>
      %dma_wait3A_29 = arith.constant 0 : i32
      %dma_wait3A_30 = tpu.memref_slice %arg4[%select_n3A, %dma_wait3A_29] : memref<4196x80xi32, #tpu.memory_space<hbm>> -> memref<164x80xi32, #tpu.memory_space<hbm>>
      tpu.wait_dma2 semaphore(%run_scoped3A : memref<!tpu.dma_semaphore, #tpu.memory_space<semaphore_mem>>) src(%dma_wait3A_30 : memref<164x80xi32, #tpu.memory_space<hbm>>) dst(%arg7 : memref<164x80xi32, #tpu.memory_space<vmem>>)
      tpu.yield
    }) : () -> ()
    %barrier3A = arith.constant 0 : index
    tpu.barrier barrier_id(%barrier3A)
    %eq3A_13 = arith.constant 0 : i32
    %eq3A_14 = arith.cmpi eq, %arg0, %eq3A_13 : i32
    %convert_element_type3A = arith.extui %eq3A_14 : i1 to i32
    %cond3A = arith.constant 0 : i32
    %cond3A_15 = arith.cmpi ne, %convert_element_type3A, %cond3A : i32
    scf.if %cond3A_15 {
      %dma_start3A = arith.constant 0 : i32
      %dma_start3A_25 = arith.constant 0 : i32
      %dma_start3A_26 = tpu.memref_slice %arg6[%dma_start3A, %dma_start3A_25] : memref<164x80xi32, #tpu.memory_space<vmem>> -> memref<1x80xi32, #tpu.memory_space<vmem>>
      %dma_start3A_27 = tpu.memref_squeeze %dma_start3A_26 : memref<1x80xi32, #tpu.memory_space<vmem>> -> memref<80xi32, #tpu.memory_space<vmem>>
      %dma_start3A_28 = arith.constant 0 : i32
      %dma_start3A_29 = arith.constant 0 : i32
      %dma_start3A_30 = tpu.memref_slice %arg2[%dma_start3A_28, %dma_start3A_29] : memref<10000x16xf32, #tpu.memory_space<hbm>> -> memref<10000x16xf32, #tpu.memory_space<hbm>>
      tpu.enqueue_indirect_dma source(%dma_start3A_30 : memref<10000x16xf32, #tpu.memory_space<hbm>>) target(%arg8 : memref<80x16xf32, #tpu.memory_space<vmem>>) offsets(%dma_start3A_27 : memref<80xi32, #tpu.memory_space<vmem>>) semaphore(%arg12 : memref<!tpu.dma_semaphore, #tpu.memory_space<semaphore_mem>>)
      %scan3A_31 = arith.constant 0 : i32
      %scan3A_32 = arith.constant 0 : i32
      %scan3A_33 = arith.constant 82 : i32
      %scan3A_34 = arith.addi %scan3A_32, %scan3A_33 : i32
      %scan3A_35 = arith.constant 1 : i32
      scf.for %scan3A_43 = %scan3A_32 to %scan3A_34 step %scan3A_35  : i32 {
        %mul3A_44 = arith.constant 2 : i32
        %mul3A_45 = arith.muli %mul3A_44, %scan3A_43 : i32
        %add3A_46 = arith.constant 1 : i32
        %add3A_47 = arith.addi %mul3A_45, %add3A_46 : i32
        %dma_wait3A_48 = arith.constant 0 : i32
        %dma_wait3A_49 = tpu.memref_slice %arg6[%mul3A_45, %dma_wait3A_48] : memref<164x80xi32, #tpu.memory_space<vmem>> -> memref<1x80xi32, #tpu.memory_space<vmem>>
        %dma_wait3A_50 = tpu.memref_squeeze %dma_wait3A_49 : memref<1x80xi32, #tpu.memory_space<vmem>> -> memref<80xi32, #tpu.memory_space<vmem>>
        %dma_wait3A_51 = arith.constant 0 : i32
        %dma_wait3A_52 = arith.constant 0 : i32
        %dma_wait3A_53 = tpu.memref_slice %arg2[%dma_wait3A_51, %dma_wait3A_52] : memref<10000x16xf32, #tpu.memory_space<hbm>> -> memref<10000x16xf32, #tpu.memory_space<hbm>>
        tpu.wait_indirect_dma semaphore(%arg12 : memref<!tpu.dma_semaphore, #tpu.memory_space<semaphore_mem>>) src(%dma_wait3A_53 : memref<10000x16xf32, #tpu.memory_space<hbm>>) dst(%arg8 : memref<80x16xf32, #tpu.memory_space<vmem>>)
        %dma_start3A_54 = arith.constant 0 : i32
        %dma_start3A_55 = tpu.memref_slice %arg6[%add3A_47, %dma_start3A_54] : memref<164x80xi32, #tpu.memory_space<vmem>> -> memref<1x80xi32, #tpu.memory_space<vmem>>
        %dma_start3A_56 = tpu.memref_squeeze %dma_start3A_55 : memref<1x80xi32, #tpu.memory_space<vmem>> -> memref<80xi32, #tpu.memory_space<vmem>>
        %dma_start3A_57 = arith.constant 0 : i32
        %dma_start3A_58 = arith.constant 0 : i32
        %dma_start3A_59 = tpu.memref_slice %arg2[%dma_start3A_57, %dma_start3A_58] : memref<10000x16xf32, #tpu.memory_space<hbm>> -> memref<10000x16xf32, #tpu.memory_space<hbm>>
        tpu.enqueue_indirect_dma source(%dma_start3A_59 : memref<10000x16xf32, #tpu.memory_space<hbm>>) target(%arg9 : memref<80x16xf32, #tpu.memory_space<vmem>>) offsets(%dma_start3A_56 : memref<80xi32, #tpu.memory_space<vmem>>) semaphore(%arg13 : memref<!tpu.dma_semaphore, #tpu.memory_space<semaphore_mem>>)
        "tpu.region"() ({
          %run_scoped3A = tpu.sem_alloc : memref<!tpu.dma_semaphore, #tpu.memory_space<semaphore_mem>>
          %dma_start3A_75 = arith.constant 0 : i32
          %dma_start3A_76 = tpu.memref_slice %arg7[%mul3A_45, %dma_start3A_75] : memref<164x80xi32, #tpu.memory_space<vmem>> -> memref<1x80xi32, #tpu.memory_space<vmem>>
          %dma_start3A_77 = tpu.memref_squeeze %dma_start3A_76 : memref<1x80xi32, #tpu.memory_space<vmem>> -> memref<80xi32, #tpu.memory_space<vmem>>
          %dma_start3A_78 = arith.constant 0 : i32
          %dma_start3A_79 = arith.constant 0 : i32
          %dma_start3A_80 = tpu.memref_slice %arg11[%dma_start3A_78, %dma_start3A_79] : memref<10240x16xf32, #tpu.memory_space<vmem_shared>> -> memref<10240x16xf32, #tpu.memory_space<vmem_shared>>
          tpu.enqueue_indirect_dma source(%arg8 : memref<80x16xf32, #tpu.memory_space<vmem>>) target(%dma_start3A_80 : memref<10240x16xf32, #tpu.memory_space<vmem_shared>>) offsets(%dma_start3A_77 : memref<80xi32, #tpu.memory_space<vmem>>) semaphore(%run_scoped3A : memref<!tpu.dma_semaphore, #tpu.memory_space<semaphore_mem>>) {add = true}
          %dma_wait3A_81 = arith.constant 0 : i32
          %dma_wait3A_82 = tpu.memref_slice %arg7[%mul3A_45, %dma_wait3A_81] : memref<164x80xi32, #tpu.memory_space<vmem>> -> memref<1x80xi32, #tpu.memory_space<vmem>>
          %dma_wait3A_83 = tpu.memref_squeeze %dma_wait3A_82 : memref<1x80xi32, #tpu.memory_space<vmem>> -> memref<80xi32, #tpu.memory_space<vmem>>
          %dma_wait3A_84 = arith.constant 0 : i32
          %dma_wait3A_85 = arith.constant 0 : i32
          %dma_wait3A_86 = tpu.memref_slice %arg11[%dma_wait3A_84, %dma_wait3A_85] : memref<10240x16xf32, #tpu.memory_space<vmem_shared>> -> memref<10240x16xf32, #tpu.memory_space<vmem_shared>>
          tpu.wait_indirect_dma semaphore(%run_scoped3A : memref<!tpu.dma_semaphore, #tpu.memory_space<semaphore_mem>>) src(%arg8 : memref<80x16xf32, #tpu.memory_space<vmem>>) dst(%dma_wait3A_86 : memref<10240x16xf32, #tpu.memory_space<vmem_shared>>)
          tpu.yield
        }) : () -> ()
        %add3A_60 = arith.constant 2 : i32
        %add3A_61 = arith.addi %mul3A_45, %add3A_60 : i32
        %rem3A = arith.constant 164 : i32
        %rem3A_62 = arith.remsi %add3A_61, %rem3A : i32
        %dma_start3A_63 = arith.constant 0 : i32
        %dma_start3A_64 = tpu.memref_slice %arg6[%rem3A_62, %dma_start3A_63] : memref<164x80xi32, #tpu.memory_space<vmem>> -> memref<1x80xi32, #tpu.memory_space<vmem>>
        %dma_start3A_65 = tpu.memref_squeeze %dma_start3A_64 : memref<1x80xi32, #tpu.memory_space<vmem>> -> memref<80xi32, #tpu.memory_space<vmem>>
        %dma_start3A_66 = arith.constant 0 : i32
        %dma_start3A_67 = arith.constant 0 : i32
        %dma_start3A_68 = tpu.memref_slice %arg2[%dma_start3A_66, %dma_start3A_67] : memref<10000x16xf32, #tpu.memory_space<hbm>> -> memref<10000x16xf32, #tpu.memory_space<hbm>>
        tpu.enqueue_indirect_dma source(%dma_start3A_68 : memref<10000x16xf32, #tpu.memory_space<hbm>>) target(%arg8 : memref<80x16xf32, #tpu.memory_space<vmem>>) offsets(%dma_start3A_65 : memref<80xi32, #tpu.memory_space<vmem>>) semaphore(%arg12 : memref<!tpu.dma_semaphore, #tpu.memory_space<semaphore_mem>>)
        %dma_wait3A_69 = arith.constant 0 : i32
        %dma_wait3A_70 = tpu.memref_slice %arg6[%add3A_47, %dma_wait3A_69] : memref<164x80xi32, #tpu.memory_space<vmem>> -> memref<1x80xi32, #tpu.memory_space<vmem>>
        %dma_wait3A_71 = tpu.memref_squeeze %dma_wait3A_70 : memref<1x80xi32, #tpu.memory_space<vmem>> -> memref<80xi32, #tpu.memory_space<vmem>>
        %dma_wait3A_72 = arith.constant 0 : i32
        %dma_wait3A_73 = arith.constant 0 : i32
        %dma_wait3A_74 = tpu.memref_slice %arg2[%dma_wait3A_72, %dma_wait3A_73] : memref<10000x16xf32, #tpu.memory_space<hbm>> -> memref<10000x16xf32, #tpu.memory_space<hbm>>
        tpu.wait_indirect_dma semaphore(%arg13 : memref<!tpu.dma_semaphore, #tpu.memory_space<semaphore_mem>>) src(%dma_wait3A_74 : memref<10000x16xf32, #tpu.memory_space<hbm>>) dst(%arg9 : memref<80x16xf32, #tpu.memory_space<vmem>>)
        "tpu.region"() ({
          %run_scoped3A = tpu.sem_alloc : memref<!tpu.dma_semaphore, #tpu.memory_space<semaphore_mem>>
          %dma_start3A_75 = arith.constant 0 : i32
          %dma_start3A_76 = tpu.memref_slice %arg7[%add3A_47, %dma_start3A_75] : memref<164x80xi32, #tpu.memory_space<vmem>> -> memref<1x80xi32, #tpu.memory_space<vmem>>
          %dma_start3A_77 = tpu.memref_squeeze %dma_start3A_76 : memref<1x80xi32, #tpu.memory_space<vmem>> -> memref<80xi32, #tpu.memory_space<vmem>>
          %dma_start3A_78 = arith.constant 0 : i32
          %dma_start3A_79 = arith.constant 0 : i32
          %dma_start3A_80 = tpu.memref_slice %arg11[%dma_start3A_78, %dma_start3A_79] : memref<10240x16xf32, #tpu.memory_space<vmem_shared>> -> memref<10240x16xf32, #tpu.memory_space<vmem_shared>>
          tpu.enqueue_indirect_dma source(%arg9 : memref<80x16xf32, #tpu.memory_space<vmem>>) target(%dma_start3A_80 : memref<10240x16xf32, #tpu.memory_space<vmem_shared>>) offsets(%dma_start3A_77 : memref<80xi32, #tpu.memory_space<vmem>>) semaphore(%run_scoped3A : memref<!tpu.dma_semaphore, #tpu.memory_space<semaphore_mem>>) {add = true}
          %dma_wait3A_81 = arith.constant 0 : i32
          %dma_wait3A_82 = tpu.memref_slice %arg7[%add3A_47, %dma_wait3A_81] : memref<164x80xi32, #tpu.memory_space<vmem>> -> memref<1x80xi32, #tpu.memory_space<vmem>>
          %dma_wait3A_83 = tpu.memref_squeeze %dma_wait3A_82 : memref<1x80xi32, #tpu.memory_space<vmem>> -> memref<80xi32, #tpu.memory_space<vmem>>
          %dma_wait3A_84 = arith.constant 0 : i32
          %dma_wait3A_85 = arith.constant 0 : i32
          %dma_wait3A_86 = tpu.memref_slice %arg11[%dma_wait3A_84, %dma_wait3A_85] : memref<10240x16xf32, #tpu.memory_space<vmem_shared>> -> memref<10240x16xf32, #tpu.memory_space<vmem_shared>>
          tpu.wait_indirect_dma semaphore(%run_scoped3A : memref<!tpu.dma_semaphore, #tpu.memory_space<semaphore_mem>>) src(%arg9 : memref<80x16xf32, #tpu.memory_space<vmem>>) dst(%dma_wait3A_86 : memref<10240x16xf32, #tpu.memory_space<vmem_shared>>)
          tpu.yield
        }) : () -> ()
      }
      %scan3A_36 = arith.constant 82 : i32
      %dma_wait3A = arith.constant 0 : i32
      %dma_wait3A_37 = arith.constant 0 : i32
      %dma_wait3A_38 = tpu.memref_slice %arg6[%dma_wait3A, %dma_wait3A_37] : memref<164x80xi32, #tpu.memory_space<vmem>> -> memref<1x80xi32, #tpu.memory_space<vmem>>
      %dma_wait3A_39 = tpu.memref_squeeze %dma_wait3A_38 : memref<1x80xi32, #tpu.memory_space<vmem>> -> memref<80xi32, #tpu.memory_space<vmem>>
      %dma_wait3A_40 = arith.constant 0 : i32
      %dma_wait3A_41 = arith.constant 0 : i32
      %dma_wait3A_42 = tpu.memref_slice %arg2[%dma_wait3A_40, %dma_wait3A_41] : memref<10000x16xf32, #tpu.memory_space<hbm>> -> memref<10000x16xf32, #tpu.memory_space<hbm>>
      tpu.wait_indirect_dma semaphore(%arg12 : memref<!tpu.dma_semaphore, #tpu.memory_space<semaphore_mem>>) src(%dma_wait3A_42 : memref<10000x16xf32, #tpu.memory_space<hbm>>) dst(%arg8 : memref<80x16xf32, #tpu.memory_space<vmem>>)
    } else {
    }
    %ne3A = arith.constant 0 : i32
    %ne3A_16 = arith.cmpi ne, %arg0, %ne3A : i32
    %convert_element_type3A_17 = arith.extui %ne3A_16 : i1 to i32
    %cond3A_18 = arith.constant 0 : i32
    %cond3A_19 = arith.cmpi ne, %convert_element_type3A_17, %cond3A_18 : i32
    scf.if %cond3A_19 {
      %scan3A_25 = arith.constant 0 : i32
      %scan3A_26 = arith.constant 0 : i32
      %scan3A_27 = arith.constant 88 : i32
      %scan3A_28 = arith.addi %scan3A_26, %scan3A_27 : i32
      %scan3A_29 = arith.constant 1 : i32
      scf.for %scan3A_31 = %scan3A_26 to %scan3A_28 step %scan3A_29  : i32 {
        %dma_start3A = arith.constant 0 : i32
        %dma_start3A_32 = tpu.memref_slice %arg6[%scan3A_31, %dma_start3A] : memref<164x80xi32, #tpu.memory_space<vmem>> -> memref<1x80xi32, #tpu.memory_space<vmem>>
        %dma_start3A_33 = tpu.memref_squeeze %dma_start3A_32 : memref<1x80xi32, #tpu.memory_space<vmem>> -> memref<80xi32, #tpu.memory_space<vmem>>
        %dma_start3A_34 = arith.constant 0 : i32
        %dma_start3A_35 = arith.constant 0 : i32
        %dma_start3A_36 = tpu.memref_slice %arg2[%dma_start3A_34, %dma_start3A_35] : memref<10000x16xf32, #tpu.memory_space<hbm>> -> memref<10000x16xf32, #tpu.memory_space<hbm>>
        tpu.enqueue_indirect_dma source(%dma_start3A_36 : memref<10000x16xf32, #tpu.memory_space<hbm>>) target(%arg8 : memref<80x16xf32, #tpu.memory_space<vmem>>) offsets(%dma_start3A_33 : memref<80xi32, #tpu.memory_space<vmem>>) semaphore(%arg12 : memref<!tpu.dma_semaphore, #tpu.memory_space<semaphore_mem>>)
        %dma_wait3A = arith.constant 0 : i32
        %dma_wait3A_37 = tpu.memref_slice %arg6[%scan3A_31, %dma_wait3A] : memref<164x80xi32, #tpu.memory_space<vmem>> -> memref<1x80xi32, #tpu.memory_space<vmem>>
        %dma_wait3A_38 = tpu.memref_squeeze %dma_wait3A_37 : memref<1x80xi32, #tpu.memory_space<vmem>> -> memref<80xi32, #tpu.memory_space<vmem>>
        %dma_wait3A_39 = arith.constant 0 : i32
        %dma_wait3A_40 = arith.constant 0 : i32
        %dma_wait3A_41 = tpu.memref_slice %arg2[%dma_wait3A_39, %dma_wait3A_40] : memref<10000x16xf32, #tpu.memory_space<hbm>> -> memref<10000x16xf32, #tpu.memory_space<hbm>>
        tpu.wait_indirect_dma semaphore(%arg12 : memref<!tpu.dma_semaphore, #tpu.memory_space<semaphore_mem>>) src(%dma_wait3A_41 : memref<10000x16xf32, #tpu.memory_space<hbm>>) dst(%arg8 : memref<80x16xf32, #tpu.memory_space<vmem>>)
        "tpu.region"() ({
          %run_scoped3A = tpu.sem_alloc : memref<!tpu.dma_semaphore, #tpu.memory_space<semaphore_mem>>
          %dma_start3A_42 = arith.constant 0 : i32
          %dma_start3A_43 = tpu.memref_slice %arg7[%scan3A_31, %dma_start3A_42] : memref<164x80xi32, #tpu.memory_space<vmem>> -> memref<1x80xi32, #tpu.memory_space<vmem>>
          %dma_start3A_44 = tpu.memref_squeeze %dma_start3A_43 : memref<1x80xi32, #tpu.memory_space<vmem>> -> memref<80xi32, #tpu.memory_space<vmem>>
          %dma_start3A_45 = arith.constant 0 : i32
          %dma_start3A_46 = arith.constant 0 : i32
          %dma_start3A_47 = tpu.memref_slice %arg11[%dma_start3A_45, %dma_start3A_46] : memref<10240x16xf32, #tpu.memory_space<vmem_shared>> -> memref<10240x16xf32, #tpu.memory_space<vmem_shared>>
          tpu.enqueue_indirect_dma source(%arg8 : memref<80x16xf32, #tpu.memory_space<vmem>>) target(%dma_start3A_47 : memref<10240x16xf32, #tpu.memory_space<vmem_shared>>) offsets(%dma_start3A_44 : memref<80xi32, #tpu.memory_space<vmem>>) semaphore(%run_scoped3A : memref<!tpu.dma_semaphore, #tpu.memory_space<semaphore_mem>>) {add = true}
          %dma_wait3A_48 = arith.constant 0 : i32
          %dma_wait3A_49 = tpu.memref_slice %arg7[%scan3A_31, %dma_wait3A_48] : memref<164x80xi32, #tpu.memory_space<vmem>> -> memref<1x80xi32, #tpu.memory_space<vmem>>
          %dma_wait3A_50 = tpu.memref_squeeze %dma_wait3A_49 : memref<1x80xi32, #tpu.memory_space<vmem>> -> memref<80xi32, #tpu.memory_space<vmem>>
          %dma_wait3A_51 = arith.constant 0 : i32
          %dma_wait3A_52 = arith.constant 0 : i32
          %dma_wait3A_53 = tpu.memref_slice %arg11[%dma_wait3A_51, %dma_wait3A_52] : memref<10240x16xf32, #tpu.memory_space<vmem_shared>> -> memref<10240x16xf32, #tpu.memory_space<vmem_shared>>
          tpu.wait_indirect_dma semaphore(%run_scoped3A : memref<!tpu.dma_semaphore, #tpu.memory_space<semaphore_mem>>) src(%arg8 : memref<80x16xf32, #tpu.memory_space<vmem>>) dst(%dma_wait3A_53 : memref<10240x16xf32, #tpu.memory_space<vmem_shared>>)
          tpu.yield
        }) : () -> ()
      }
      %scan3A_30 = arith.constant 88 : i32
    } else {
    }
    %barrier3A_20 = arith.constant 0 : index
    tpu.barrier barrier_id(%barrier3A_20)
    %mul3A_21 = arith.constant 640 : i32
    %mul3A_22 = arith.muli %arg1, %mul3A_21 : i32
    %mul3A_23 = arith.constant 640 : i32
    %mul3A_24 = arith.muli %arg1, %mul3A_23 : i32
    "tpu.region"() ({
      %run_scoped3A = tpu.sem_alloc : memref<!tpu.dma_semaphore, #tpu.memory_space<semaphore_mem>>
      %dma_start3A = arith.constant 0 : i32
      %dma_start3A_25 = tpu.memref_slice %arg5[%arg0, %mul3A_24, %dma_start3A] : memref<2x10240x16xf32, #tpu.memory_space<hbm>> -> memref<1x640x16xf32, #tpu.memory_space<hbm>>
      %dma_start3A_26 = tpu.memref_squeeze %dma_start3A_25 : memref<1x640x16xf32, #tpu.memory_space<hbm>> -> memref<640x16xf32, #tpu.memory_space<hbm>>
      %dma_start3A_27 = arith.constant 0 : i32
      %dma_start3A_28 = tpu.memref_slice %arg11[%mul3A_22, %dma_start3A_27] : memref<10240x16xf32, #tpu.memory_space<vmem_shared>> -> memref<640x16xf32, #tpu.memory_space<vmem_shared>>
      tpu.enqueue_dma source(%dma_start3A_28 : memref<640x16xf32, #tpu.memory_space<vmem_shared>>) target(%dma_start3A_26 : memref<640x16xf32, #tpu.memory_space<hbm>>) target_semaphore(%run_scoped3A : memref<!tpu.dma_semaphore, #tpu.memory_space<semaphore_mem>>)
      %dma_wait3A = arith.constant 0 : i32
      %dma_wait3A_29 = tpu.memref_slice %arg5[%arg0, %mul3A_24, %dma_wait3A] : memref<2x10240x16xf32, #tpu.memory_space<hbm>> -> memref<1x640x16xf32, #tpu.memory_space<hbm>>
      %dma_wait3A_30 = tpu.memref_squeeze %dma_wait3A_29 : memref<1x640x16xf32, #tpu.memory_space<hbm>> -> memref<640x16xf32, #tpu.memory_space<hbm>>
      %dma_wait3A_31 = arith.constant 0 : i32
      %dma_wait3A_32 = tpu.memref_slice %arg11[%mul3A_22, %dma_wait3A_31] : memref<10240x16xf32, #tpu.memory_space<vmem_shared>> -> memref<640x16xf32, #tpu.memory_space<vmem_shared>>
      tpu.wait_dma2 semaphore(%run_scoped3A : memref<!tpu.dma_semaphore, #tpu.memory_space<semaphore_mem>>) src(%dma_wait3A_32 : memref<640x16xf32, #tpu.memory_space<vmem_shared>>) dst(%dma_wait3A_30 : memref<640x16xf32, #tpu.memory_space<hbm>>)
      tpu.yield
    }) : () -> ()
    return
  }
}

#map = affine_map<(d0, d1) -> (0, 0)>
#map1 = affine_map<(d0, d1) -> (0, 0, 0)>
module attributes {stable_mosaic.version = 14 : i64} {
  func.func @body(%arg0: i32, %arg1: i32, %arg2: memref<10000x64xf32, #tpu.memory_space<hbm>>, %arg3: memref<4196x80xi32, #tpu.memory_space<hbm>>, %arg4: memref<4196x80xi32, #tpu.memory_space<hbm>>, %arg5: memref<2x10240x64xf32, #tpu.memory_space<hbm>>, %arg6: memref<160x80xi32, #tpu.memory_space<vmem>>, %arg7: memref<160x80xi32, #tpu.memory_space<vmem>>, %arg8: memref<80x64xf32, #tpu.memory_space<vmem>>, %arg9: memref<80x64xf32, #tpu.memory_space<vmem>>, %arg10: memref<640x64xf32, #tpu.memory_space<vmem>>, %arg11: memref<10240x64xf32, #tpu.memory_space<vmem_shared>>, %arg12: memref<!tpu.dma_semaphore, #tpu.memory_space<semaphore_mem>>, %arg13: memref<!tpu.dma_semaphore, #tpu.memory_space<semaphore_mem>>) attributes {dimension_semantics = [#tpu.dimension_semantics<core_parallel>, #tpu.dimension_semantics<subcore_parallel>], iteration_bounds = array<i64: 2, 16>, scalar_prefetch = 0 : i64, scratch_operands = 8 : i64, tpu.core_type = #tpu.core_type<sc_vector_subcore>, window_params = [{transform_indices = #map}, {transform_indices = #map}, {transform_indices = #map}, {transform_indices = #map1}]} {
    %eq3A = arith.constant 0 : i32
    %eq3A_0 = arith.cmpi eq, %arg0, %eq3A : i32
    %mul3A = arith.constant 160 : i32
    %mul3A_1 = arith.muli %arg1, %mul3A : i32
    %mul3A_2 = arith.constant 92 : i32
    %mul3A_3 = arith.muli %arg1, %mul3A_2 : i32
    %add3A = arith.constant 2560 : i32
    %add3A_4 = arith.addi %add3A, %mul3A_3 : i32
    %select_n3A = arith.select %eq3A_0, %mul3A_1, %add3A_4 : i32
    %broadcast_in_dim3A = arith.constant 0.000000e+00 : f32
    %broadcast_in_dim3A_5 = vector.broadcast %broadcast_in_dim3A : f32 to vector<16xf32>
    %scan3A = arith.constant 0 : i32
    %scan3A_6 = arith.constant 0 : i32
    %scan3A_7 = arith.constant 640 : i32
    %scan3A_8 = arith.addi %scan3A_6, %scan3A_7 : i32
    %scan3A_9 = arith.constant 1 : i32
    scf.for %scan3A_25 = %scan3A_6 to %scan3A_8 step %scan3A_9  : i32 {
      %swap3A = arith.index_cast %scan3A_25 : i32 to index
      %swap3A_26 = arith.constant 0 : index
      %swap3A_27 = tpu.vector_load %arg10[%swap3A, %swap3A_26] {strides = array<i32>} : memref<640x64xf32, #tpu.memory_space<vmem>>, vector<1x16xf32>,
      %swap3A_28 = vector.shape_cast %swap3A_27 : vector<1x16xf32> to vector<16xf32>
      %swap3A_29 = vector.shape_cast %broadcast_in_dim3A_5 : vector<16xf32> to vector<1x16xf32>
      tpu.vector_store %arg10[%swap3A, %swap3A_26], %swap3A_29 {strides = array<i32>} : memref<640x64xf32, #tpu.memory_space<vmem>>, vector<1x16xf32>,
      %swap3A_30 = arith.index_cast %scan3A_25 : i32 to index
      %swap3A_31 = arith.constant 16 : index
      %swap3A_32 = tpu.vector_load %arg10[%swap3A_30, %swap3A_31] {strides = array<i32>} : memref<640x64xf32, #tpu.memory_space<vmem>>, vector<1x16xf32>,
      %swap3A_33 = vector.shape_cast %swap3A_32 : vector<1x16xf32> to vector<16xf32>
      %swap3A_34 = vector.shape_cast %broadcast_in_dim3A_5 : vector<16xf32> to vector<1x16xf32>
      tpu.vector_store %arg10[%swap3A_30, %swap3A_31], %swap3A_34 {strides = array<i32>} : memref<640x64xf32, #tpu.memory_space<vmem>>, vector<1x16xf32>,
      %swap3A_35 = arith.index_cast %scan3A_25 : i32 to index
      %swap3A_36 = arith.constant 32 : index
      %swap3A_37 = tpu.vector_load %arg10[%swap3A_35, %swap3A_36] {strides = array<i32>} : memref<640x64xf32, #tpu.memory_space<vmem>>, vector<1x16xf32>,
      %swap3A_38 = vector.shape_cast %swap3A_37 : vector<1x16xf32> to vector<16xf32>
      %swap3A_39 = vector.shape_cast %broadcast_in_dim3A_5 : vector<16xf32> to vector<1x16xf32>
      tpu.vector_store %arg10[%swap3A_35, %swap3A_36], %swap3A_39 {strides = array<i32>} : memref<640x64xf32, #tpu.memory_space<vmem>>, vector<1x16xf32>,
      %swap3A_40 = arith.index_cast %scan3A_25 : i32 to index
      %swap3A_41 = arith.constant 48 : index
      %swap3A_42 = tpu.vector_load %arg10[%swap3A_40, %swap3A_41] {strides = array<i32>} : memref<640x64xf32, #tpu.memory_space<vmem>>, vector<1x16xf32>,
      %swap3A_43 = vector.shape_cast %swap3A_42 : vector<1x16xf32> to vector<16xf32>
      %swap3A_44 = vector.shape_cast %broadcast_in_dim3A_5 : vector<16xf32> to vector<1x16xf32>
      tpu.vector_store %arg10[%swap3A_40, %swap3A_41], %swap3A_44 {strides = array<i32>} : memref<640x64xf32, #tpu.memory_space<vmem>>, vector<1x16xf32>,
    }
    %scan3A_10 = arith.constant 640 : i32
    %mul3A_11 = arith.constant 640 : i32
    %mul3A_12 = arith.muli %arg1, %mul3A_11 : i32
    "tpu.region"() ({
      %run_scoped3A = tpu.sem_alloc : memref<!tpu.dma_semaphore, #tpu.memory_space<semaphore_mem>>
      %dma_start3A = arith.constant 0 : i32
      %dma_start3A_25 = tpu.memref_slice %arg11[%mul3A_12, %dma_start3A] : memref<10240x64xf32, #tpu.memory_space<vmem_shared>> -> memref<640x64xf32, #tpu.memory_space<vmem_shared>>
      %dma_start3A_26 = arith.constant 0 : i32
      %dma_start3A_27 = tpu.memref_slice %arg11[%mul3A_12, %dma_start3A_26] : memref<10240x64xf32, #tpu.memory_space<vmem_shared>> -> memref<640x64xf32, #tpu.memory_space<vmem_shared>>
      tpu.enqueue_dma source(%arg10 : memref<640x64xf32, #tpu.memory_space<vmem>>) target(%dma_start3A_27 : memref<640x64xf32, #tpu.memory_space<vmem_shared>>) target_semaphore(%run_scoped3A : memref<!tpu.dma_semaphore, #tpu.memory_space<semaphore_mem>>)
      %dma_wait3A = arith.constant 0 : i32
      %dma_wait3A_28 = tpu.memref_slice %arg11[%mul3A_12, %dma_wait3A] : memref<10240x64xf32, #tpu.memory_space<vmem_shared>> -> memref<640x64xf32, #tpu.memory_space<vmem_shared>>
      %dma_wait3A_29 = arith.constant 0 : i32
      %dma_wait3A_30 = tpu.memref_slice %arg11[%mul3A_12, %dma_wait3A_29] : memref<10240x64xf32, #tpu.memory_space<vmem_shared>> -> memref<640x64xf32, #tpu.memory_space<vmem_shared>>
      tpu.wait_dma2 semaphore(%run_scoped3A : memref<!tpu.dma_semaphore, #tpu.memory_space<semaphore_mem>>) src(%arg10 : memref<640x64xf32, #tpu.memory_space<vmem>>) dst(%dma_wait3A_30 : memref<640x64xf32, #tpu.memory_space<vmem_shared>>)
      tpu.yield
    }) : () -> ()
    "tpu.region"() ({
      %run_scoped3A = tpu.sem_alloc : memref<!tpu.dma_semaphore, #tpu.memory_space<semaphore_mem>>
      %dma_start3A = arith.constant 0 : i32
      %dma_start3A_25 = tpu.memref_slice %arg3[%select_n3A, %dma_start3A] : memref<4196x80xi32, #tpu.memory_space<hbm>> -> memref<160x80xi32, #tpu.memory_space<hbm>>
      %dma_start3A_26 = arith.constant 0 : i32
      %dma_start3A_27 = tpu.memref_slice %arg3[%select_n3A, %dma_start3A_26] : memref<4196x80xi32, #tpu.memory_space<hbm>> -> memref<160x80xi32, #tpu.memory_space<hbm>>
      tpu.enqueue_dma source(%dma_start3A_27 : memref<160x80xi32, #tpu.memory_space<hbm>>) target(%arg6 : memref<160x80xi32, #tpu.memory_space<vmem>>) target_semaphore(%run_scoped3A : memref<!tpu.dma_semaphore, #tpu.memory_space<semaphore_mem>>)
      %dma_wait3A = arith.constant 0 : i32
      %dma_wait3A_28 = tpu.memref_slice %arg3[%select_n3A, %dma_wait3A] : memref<4196x80xi32, #tpu.memory_space<hbm>> -> memref<160x80xi32, #tpu.memory_space<hbm>>
      %dma_wait3A_29 = arith.constant 0 : i32
      %dma_wait3A_30 = tpu.memref_slice %arg3[%select_n3A, %dma_wait3A_29] : memref<4196x80xi32, #tpu.memory_space<hbm>> -> memref<160x80xi32, #tpu.memory_space<hbm>>
      tpu.wait_dma2 semaphore(%run_scoped3A : memref<!tpu.dma_semaphore, #tpu.memory_space<semaphore_mem>>) src(%dma_wait3A_30 : memref<160x80xi32, #tpu.memory_space<hbm>>) dst(%arg6 : memref<160x80xi32, #tpu.memory_space<vmem>>)
      tpu.yield
    }) : () -> ()
    "tpu.region"() ({
      %run_scoped3A = tpu.sem_alloc : memref<!tpu.dma_semaphore, #tpu.memory_space<semaphore_mem>>
      %dma_start3A = arith.constant 0 : i32
      %dma_start3A_25 = tpu.memref_slice %arg4[%select_n3A, %dma_start3A] : memref<4196x80xi32, #tpu.memory_space<hbm>> -> memref<160x80xi32, #tpu.memory_space<hbm>>
      %dma_start3A_26 = arith.constant 0 : i32
      %dma_start3A_27 = tpu.memref_slice %arg4[%select_n3A, %dma_start3A_26] : memref<4196x80xi32, #tpu.memory_space<hbm>> -> memref<160x80xi32, #tpu.memory_space<hbm>>
      tpu.enqueue_dma source(%dma_start3A_27 : memref<160x80xi32, #tpu.memory_space<hbm>>) target(%arg7 : memref<160x80xi32, #tpu.memory_space<vmem>>) target_semaphore(%run_scoped3A : memref<!tpu.dma_semaphore, #tpu.memory_space<semaphore_mem>>)
      %dma_wait3A = arith.constant 0 : i32
      %dma_wait3A_28 = tpu.memref_slice %arg4[%select_n3A, %dma_wait3A] : memref<4196x80xi32, #tpu.memory_space<hbm>> -> memref<160x80xi32, #tpu.memory_space<hbm>>
      %dma_wait3A_29 = arith.constant 0 : i32
      %dma_wait3A_30 = tpu.memref_slice %arg4[%select_n3A, %dma_wait3A_29] : memref<4196x80xi32, #tpu.memory_space<hbm>> -> memref<160x80xi32, #tpu.memory_space<hbm>>
      tpu.wait_dma2 semaphore(%run_scoped3A : memref<!tpu.dma_semaphore, #tpu.memory_space<semaphore_mem>>) src(%dma_wait3A_30 : memref<160x80xi32, #tpu.memory_space<hbm>>) dst(%arg7 : memref<160x80xi32, #tpu.memory_space<vmem>>)
      tpu.yield
    }) : () -> ()
    %barrier3A = arith.constant 0 : index
    tpu.barrier barrier_id(%barrier3A)
    %eq3A_13 = arith.constant 0 : i32
    %eq3A_14 = arith.cmpi eq, %arg0, %eq3A_13 : i32
    %convert_element_type3A = arith.extui %eq3A_14 : i1 to i32
    %cond3A = arith.constant 0 : i32
    %cond3A_15 = arith.cmpi ne, %convert_element_type3A, %cond3A : i32
    scf.if %cond3A_15 {
      %dma_start3A = arith.constant 0 : i32
      %dma_start3A_25 = arith.constant 0 : i32
      %dma_start3A_26 = tpu.memref_slice %arg6[%dma_start3A, %dma_start3A_25] : memref<160x80xi32, #tpu.memory_space<vmem>> -> memref<1x80xi32, #tpu.memory_space<vmem>>
      %dma_start3A_27 = tpu.memref_squeeze %dma_start3A_26 : memref<1x80xi32, #tpu.memory_space<vmem>> -> memref<80xi32, #tpu.memory_space<vmem>>
      %dma_start3A_28 = arith.constant 0 : i32
      %dma_start3A_29 = arith.constant 0 : i32
      %dma_start3A_30 = tpu.memref_slice %arg2[%dma_start3A_28, %dma_start3A_29] : memref<10000x64xf32, #tpu.memory_space<hbm>> -> memref<10000x64xf32, #tpu.memory_space<hbm>>
      tpu.enqueue_indirect_dma source(%dma_start3A_30 : memref<10000x64xf32, #tpu.memory_space<hbm>>) target(%arg8 : memref<80x64xf32, #tpu.memory_space<vmem>>) offsets(%dma_start3A_27 : memref<80xi32, #tpu.memory_space<vmem>>) semaphore(%arg12 : memref<!tpu.dma_semaphore, #tpu.memory_space<semaphore_mem>>)
      %scan3A_31 = arith.constant 0 : i32
      %scan3A_32 = arith.constant 0 : i32
      %scan3A_33 = arith.constant 80 : i32
      %scan3A_34 = arith.addi %scan3A_32, %scan3A_33 : i32
      %scan3A_35 = arith.constant 1 : i32
      scf.for %scan3A_43 = %scan3A_32 to %scan3A_34 step %scan3A_35  : i32 {
        %mul3A_44 = arith.constant 2 : i32
        %mul3A_45 = arith.muli %mul3A_44, %scan3A_43 : i32
        %add3A_46 = arith.constant 1 : i32
        %add3A_47 = arith.addi %mul3A_45, %add3A_46 : i32
        %dma_wait3A_48 = arith.constant 0 : i32
        %dma_wait3A_49 = tpu.memref_slice %arg6[%mul3A_45, %dma_wait3A_48] : memref<160x80xi32, #tpu.memory_space<vmem>> -> memref<1x80xi32, #tpu.memory_space<vmem>>
        %dma_wait3A_50 = tpu.memref_squeeze %dma_wait3A_49 : memref<1x80xi32, #tpu.memory_space<vmem>> -> memref<80xi32, #tpu.memory_space<vmem>>
        %dma_wait3A_51 = arith.constant 0 : i32
        %dma_wait3A_52 = arith.constant 0 : i32
        %dma_wait3A_53 = tpu.memref_slice %arg2[%dma_wait3A_51, %dma_wait3A_52] : memref<10000x64xf32, #tpu.memory_space<hbm>> -> memref<10000x64xf32, #tpu.memory_space<hbm>>
        tpu.wait_indirect_dma semaphore(%arg12 : memref<!tpu.dma_semaphore, #tpu.memory_space<semaphore_mem>>) src(%dma_wait3A_53 : memref<10000x64xf32, #tpu.memory_space<hbm>>) dst(%arg8 : memref<80x64xf32, #tpu.memory_space<vmem>>)
        %dma_start3A_54 = arith.constant 0 : i32
        %dma_start3A_55 = tpu.memref_slice %arg6[%add3A_47, %dma_start3A_54] : memref<160x80xi32, #tpu.memory_space<vmem>> -> memref<1x80xi32, #tpu.memory_space<vmem>>
        %dma_start3A_56 = tpu.memref_squeeze %dma_start3A_55 : memref<1x80xi32, #tpu.memory_space<vmem>> -> memref<80xi32, #tpu.memory_space<vmem>>
        %dma_start3A_57 = arith.constant 0 : i32
        %dma_start3A_58 = arith.constant 0 : i32
        %dma_start3A_59 = tpu.memref_slice %arg2[%dma_start3A_57, %dma_start3A_58] : memref<10000x64xf32, #tpu.memory_space<hbm>> -> memref<10000x64xf32, #tpu.memory_space<hbm>>
        tpu.enqueue_indirect_dma source(%dma_start3A_59 : memref<10000x64xf32, #tpu.memory_space<hbm>>) target(%arg9 : memref<80x64xf32, #tpu.memory_space<vmem>>) offsets(%dma_start3A_56 : memref<80xi32, #tpu.memory_space<vmem>>) semaphore(%arg13 : memref<!tpu.dma_semaphore, #tpu.memory_space<semaphore_mem>>)
        "tpu.region"() ({
          %run_scoped3A = tpu.sem_alloc : memref<!tpu.dma_semaphore, #tpu.memory_space<semaphore_mem>>
          %dma_start3A_75 = arith.constant 0 : i32
          %dma_start3A_76 = tpu.memref_slice %arg7[%mul3A_45, %dma_start3A_75] : memref<160x80xi32, #tpu.memory_space<vmem>> -> memref<1x80xi32, #tpu.memory_space<vmem>>
          %dma_start3A_77 = tpu.memref_squeeze %dma_start3A_76 : memref<1x80xi32, #tpu.memory_space<vmem>> -> memref<80xi32, #tpu.memory_space<vmem>>
          %dma_start3A_78 = arith.constant 0 : i32
          %dma_start3A_79 = arith.constant 0 : i32
          %dma_start3A_80 = tpu.memref_slice %arg11[%dma_start3A_78, %dma_start3A_79] : memref<10240x64xf32, #tpu.memory_space<vmem_shared>> -> memref<10240x64xf32, #tpu.memory_space<vmem_shared>>
          tpu.enqueue_indirect_dma source(%arg8 : memref<80x64xf32, #tpu.memory_space<vmem>>) target(%dma_start3A_80 : memref<10240x64xf32, #tpu.memory_space<vmem_shared>>) offsets(%dma_start3A_77 : memref<80xi32, #tpu.memory_space<vmem>>) semaphore(%run_scoped3A : memref<!tpu.dma_semaphore, #tpu.memory_space<semaphore_mem>>) {add = true}
          %dma_wait3A_81 = arith.constant 0 : i32
          %dma_wait3A_82 = tpu.memref_slice %arg7[%mul3A_45, %dma_wait3A_81] : memref<160x80xi32, #tpu.memory_space<vmem>> -> memref<1x80xi32, #tpu.memory_space<vmem>>
          %dma_wait3A_83 = tpu.memref_squeeze %dma_wait3A_82 : memref<1x80xi32, #tpu.memory_space<vmem>> -> memref<80xi32, #tpu.memory_space<vmem>>
          %dma_wait3A_84 = arith.constant 0 : i32
          %dma_wait3A_85 = arith.constant 0 : i32
          %dma_wait3A_86 = tpu.memref_slice %arg11[%dma_wait3A_84, %dma_wait3A_85] : memref<10240x64xf32, #tpu.memory_space<vmem_shared>> -> memref<10240x64xf32, #tpu.memory_space<vmem_shared>>
          tpu.wait_indirect_dma semaphore(%run_scoped3A : memref<!tpu.dma_semaphore, #tpu.memory_space<semaphore_mem>>) src(%arg8 : memref<80x64xf32, #tpu.memory_space<vmem>>) dst(%dma_wait3A_86 : memref<10240x64xf32, #tpu.memory_space<vmem_shared>>)
          tpu.yield
        }) : () -> ()
        %add3A_60 = arith.constant 2 : i32
        %add3A_61 = arith.addi %mul3A_45, %add3A_60 : i32
        %rem3A = arith.constant 160 : i32
        %rem3A_62 = arith.remsi %add3A_61, %rem3A : i32
        %dma_start3A_63 = arith.constant 0 : i32
        %dma_start3A_64 = tpu.memref_slice %arg6[%rem3A_62, %dma_start3A_63] : memref<160x80xi32, #tpu.memory_space<vmem>> -> memref<1x80xi32, #tpu.memory_space<vmem>>
        %dma_start3A_65 = tpu.memref_squeeze %dma_start3A_64 : memref<1x80xi32, #tpu.memory_space<vmem>> -> memref<80xi32, #tpu.memory_space<vmem>>
        %dma_start3A_66 = arith.constant 0 : i32
        %dma_start3A_67 = arith.constant 0 : i32
        %dma_start3A_68 = tpu.memref_slice %arg2[%dma_start3A_66, %dma_start3A_67] : memref<10000x64xf32, #tpu.memory_space<hbm>> -> memref<10000x64xf32, #tpu.memory_space<hbm>>
        tpu.enqueue_indirect_dma source(%dma_start3A_68 : memref<10000x64xf32, #tpu.memory_space<hbm>>) target(%arg8 : memref<80x64xf32, #tpu.memory_space<vmem>>) offsets(%dma_start3A_65 : memref<80xi32, #tpu.memory_space<vmem>>) semaphore(%arg12 : memref<!tpu.dma_semaphore, #tpu.memory_space<semaphore_mem>>)
        %dma_wait3A_69 = arith.constant 0 : i32
        %dma_wait3A_70 = tpu.memref_slice %arg6[%add3A_47, %dma_wait3A_69] : memref<160x80xi32, #tpu.memory_space<vmem>> -> memref<1x80xi32, #tpu.memory_space<vmem>>
        %dma_wait3A_71 = tpu.memref_squeeze %dma_wait3A_70 : memref<1x80xi32, #tpu.memory_space<vmem>> -> memref<80xi32, #tpu.memory_space<vmem>>
        %dma_wait3A_72 = arith.constant 0 : i32
        %dma_wait3A_73 = arith.constant 0 : i32
        %dma_wait3A_74 = tpu.memref_slice %arg2[%dma_wait3A_72, %dma_wait3A_73] : memref<10000x64xf32, #tpu.memory_space<hbm>> -> memref<10000x64xf32, #tpu.memory_space<hbm>>
        tpu.wait_indirect_dma semaphore(%arg13 : memref<!tpu.dma_semaphore, #tpu.memory_space<semaphore_mem>>) src(%dma_wait3A_74 : memref<10000x64xf32, #tpu.memory_space<hbm>>) dst(%arg9 : memref<80x64xf32, #tpu.memory_space<vmem>>)
        "tpu.region"() ({
          %run_scoped3A = tpu.sem_alloc : memref<!tpu.dma_semaphore, #tpu.memory_space<semaphore_mem>>
          %dma_start3A_75 = arith.constant 0 : i32
          %dma_start3A_76 = tpu.memref_slice %arg7[%add3A_47, %dma_start3A_75] : memref<160x80xi32, #tpu.memory_space<vmem>> -> memref<1x80xi32, #tpu.memory_space<vmem>>
          %dma_start3A_77 = tpu.memref_squeeze %dma_start3A_76 : memref<1x80xi32, #tpu.memory_space<vmem>> -> memref<80xi32, #tpu.memory_space<vmem>>
          %dma_start3A_78 = arith.constant 0 : i32
          %dma_start3A_79 = arith.constant 0 : i32
          %dma_start3A_80 = tpu.memref_slice %arg11[%dma_start3A_78, %dma_start3A_79] : memref<10240x64xf32, #tpu.memory_space<vmem_shared>> -> memref<10240x64xf32, #tpu.memory_space<vmem_shared>>
          tpu.enqueue_indirect_dma source(%arg9 : memref<80x64xf32, #tpu.memory_space<vmem>>) target(%dma_start3A_80 : memref<10240x64xf32, #tpu.memory_space<vmem_shared>>) offsets(%dma_start3A_77 : memref<80xi32, #tpu.memory_space<vmem>>) semaphore(%run_scoped3A : memref<!tpu.dma_semaphore, #tpu.memory_space<semaphore_mem>>) {add = true}
          %dma_wait3A_81 = arith.constant 0 : i32
          %dma_wait3A_82 = tpu.memref_slice %arg7[%add3A_47, %dma_wait3A_81] : memref<160x80xi32, #tpu.memory_space<vmem>> -> memref<1x80xi32, #tpu.memory_space<vmem>>
          %dma_wait3A_83 = tpu.memref_squeeze %dma_wait3A_82 : memref<1x80xi32, #tpu.memory_space<vmem>> -> memref<80xi32, #tpu.memory_space<vmem>>
          %dma_wait3A_84 = arith.constant 0 : i32
          %dma_wait3A_85 = arith.constant 0 : i32
          %dma_wait3A_86 = tpu.memref_slice %arg11[%dma_wait3A_84, %dma_wait3A_85] : memref<10240x64xf32, #tpu.memory_space<vmem_shared>> -> memref<10240x64xf32, #tpu.memory_space<vmem_shared>>
          tpu.wait_indirect_dma semaphore(%run_scoped3A : memref<!tpu.dma_semaphore, #tpu.memory_space<semaphore_mem>>) src(%arg9 : memref<80x64xf32, #tpu.memory_space<vmem>>) dst(%dma_wait3A_86 : memref<10240x64xf32, #tpu.memory_space<vmem_shared>>)
          tpu.yield
        }) : () -> ()
      }
      %scan3A_36 = arith.constant 80 : i32
      %dma_wait3A = arith.constant 0 : i32
      %dma_wait3A_37 = arith.constant 0 : i32
      %dma_wait3A_38 = tpu.memref_slice %arg6[%dma_wait3A, %dma_wait3A_37] : memref<160x80xi32, #tpu.memory_space<vmem>> -> memref<1x80xi32, #tpu.memory_space<vmem>>
      %dma_wait3A_39 = tpu.memref_squeeze %dma_wait3A_38 : memref<1x80xi32, #tpu.memory_space<vmem>> -> memref<80xi32, #tpu.memory_space<vmem>>
      %dma_wait3A_40 = arith.constant 0 : i32
      %dma_wait3A_41 = arith.constant 0 : i32
      %dma_wait3A_42 = tpu.memref_slice %arg2[%dma_wait3A_40, %dma_wait3A_41] : memref<10000x64xf32, #tpu.memory_space<hbm>> -> memref<10000x64xf32, #tpu.memory_space<hbm>>
      tpu.wait_indirect_dma semaphore(%arg12 : memref<!tpu.dma_semaphore, #tpu.memory_space<semaphore_mem>>) src(%dma_wait3A_42 : memref<10000x64xf32, #tpu.memory_space<hbm>>) dst(%arg8 : memref<80x64xf32, #tpu.memory_space<vmem>>)
    } else {
    }
    %ne3A = arith.constant 0 : i32
    %ne3A_16 = arith.cmpi ne, %arg0, %ne3A : i32
    %convert_element_type3A_17 = arith.extui %ne3A_16 : i1 to i32
    %cond3A_18 = arith.constant 0 : i32
    %cond3A_19 = arith.cmpi ne, %convert_element_type3A_17, %cond3A_18 : i32
    scf.if %cond3A_19 {
      %scan3A_25 = arith.constant 0 : i32
      %scan3A_26 = arith.constant 0 : i32
      %scan3A_27 = arith.constant 92 : i32
      %scan3A_28 = arith.addi %scan3A_26, %scan3A_27 : i32
      %scan3A_29 = arith.constant 1 : i32
      scf.for %scan3A_31 = %scan3A_26 to %scan3A_28 step %scan3A_29  : i32 {
        %dma_start3A = arith.constant 0 : i32
        %dma_start3A_32 = tpu.memref_slice %arg6[%scan3A_31, %dma_start3A] : memref<160x80xi32, #tpu.memory_space<vmem>> -> memref<1x80xi32, #tpu.memory_space<vmem>>
        %dma_start3A_33 = tpu.memref_squeeze %dma_start3A_32 : memref<1x80xi32, #tpu.memory_space<vmem>> -> memref<80xi32, #tpu.memory_space<vmem>>
        %dma_start3A_34 = arith.constant 0 : i32
        %dma_start3A_35 = arith.constant 0 : i32
        %dma_start3A_36 = tpu.memref_slice %arg2[%dma_start3A_34, %dma_start3A_35] : memref<10000x64xf32, #tpu.memory_space<hbm>> -> memref<10000x64xf32, #tpu.memory_space<hbm>>
        tpu.enqueue_indirect_dma source(%dma_start3A_36 : memref<10000x64xf32, #tpu.memory_space<hbm>>) target(%arg8 : memref<80x64xf32, #tpu.memory_space<vmem>>) offsets(%dma_start3A_33 : memref<80xi32, #tpu.memory_space<vmem>>) semaphore(%arg12 : memref<!tpu.dma_semaphore, #tpu.memory_space<semaphore_mem>>)
        %dma_wait3A = arith.constant 0 : i32
        %dma_wait3A_37 = tpu.memref_slice %arg6[%scan3A_31, %dma_wait3A] : memref<160x80xi32, #tpu.memory_space<vmem>> -> memref<1x80xi32, #tpu.memory_space<vmem>>
        %dma_wait3A_38 = tpu.memref_squeeze %dma_wait3A_37 : memref<1x80xi32, #tpu.memory_space<vmem>> -> memref<80xi32, #tpu.memory_space<vmem>>
        %dma_wait3A_39 = arith.constant 0 : i32
        %dma_wait3A_40 = arith.constant 0 : i32
        %dma_wait3A_41 = tpu.memref_slice %arg2[%dma_wait3A_39, %dma_wait3A_40] : memref<10000x64xf32, #tpu.memory_space<hbm>> -> memref<10000x64xf32, #tpu.memory_space<hbm>>
        tpu.wait_indirect_dma semaphore(%arg12 : memref<!tpu.dma_semaphore, #tpu.memory_space<semaphore_mem>>) src(%dma_wait3A_41 : memref<10000x64xf32, #tpu.memory_space<hbm>>) dst(%arg8 : memref<80x64xf32, #tpu.memory_space<vmem>>)
        "tpu.region"() ({
          %run_scoped3A = tpu.sem_alloc : memref<!tpu.dma_semaphore, #tpu.memory_space<semaphore_mem>>
          %dma_start3A_42 = arith.constant 0 : i32
          %dma_start3A_43 = tpu.memref_slice %arg7[%scan3A_31, %dma_start3A_42] : memref<160x80xi32, #tpu.memory_space<vmem>> -> memref<1x80xi32, #tpu.memory_space<vmem>>
          %dma_start3A_44 = tpu.memref_squeeze %dma_start3A_43 : memref<1x80xi32, #tpu.memory_space<vmem>> -> memref<80xi32, #tpu.memory_space<vmem>>
          %dma_start3A_45 = arith.constant 0 : i32
          %dma_start3A_46 = arith.constant 0 : i32
          %dma_start3A_47 = tpu.memref_slice %arg11[%dma_start3A_45, %dma_start3A_46] : memref<10240x64xf32, #tpu.memory_space<vmem_shared>> -> memref<10240x64xf32, #tpu.memory_space<vmem_shared>>
          tpu.enqueue_indirect_dma source(%arg8 : memref<80x64xf32, #tpu.memory_space<vmem>>) target(%dma_start3A_47 : memref<10240x64xf32, #tpu.memory_space<vmem_shared>>) offsets(%dma_start3A_44 : memref<80xi32, #tpu.memory_space<vmem>>) semaphore(%run_scoped3A : memref<!tpu.dma_semaphore, #tpu.memory_space<semaphore_mem>>) {add = true}
          %dma_wait3A_48 = arith.constant 0 : i32
          %dma_wait3A_49 = tpu.memref_slice %arg7[%scan3A_31, %dma_wait3A_48] : memref<160x80xi32, #tpu.memory_space<vmem>> -> memref<1x80xi32, #tpu.memory_space<vmem>>
          %dma_wait3A_50 = tpu.memref_squeeze %dma_wait3A_49 : memref<1x80xi32, #tpu.memory_space<vmem>> -> memref<80xi32, #tpu.memory_space<vmem>>
          %dma_wait3A_51 = arith.constant 0 : i32
          %dma_wait3A_52 = arith.constant 0 : i32
          %dma_wait3A_53 = tpu.memref_slice %arg11[%dma_wait3A_51, %dma_wait3A_52] : memref<10240x64xf32, #tpu.memory_space<vmem_shared>> -> memref<10240x64xf32, #tpu.memory_space<vmem_shared>>
          tpu.wait_indirect_dma semaphore(%run_scoped3A : memref<!tpu.dma_semaphore, #tpu.memory_space<semaphore_mem>>) src(%arg8 : memref<80x64xf32, #tpu.memory_space<vmem>>) dst(%dma_wait3A_53 : memref<10240x64xf32, #tpu.memory_space<vmem_shared>>)
          tpu.yield
        }) : () -> ()
      }
      %scan3A_30 = arith.constant 92 : i32
    } else {
    }
    %barrier3A_20 = arith.constant 0 : index
    tpu.barrier barrier_id(%barrier3A_20)
    %mul3A_21 = arith.constant 640 : i32
    %mul3A_22 = arith.muli %arg1, %mul3A_21 : i32
    %mul3A_23 = arith.constant 640 : i32
    %mul3A_24 = arith.muli %arg1, %mul3A_23 : i32
    "tpu.region"() ({
      %run_scoped3A = tpu.sem_alloc : memref<!tpu.dma_semaphore, #tpu.memory_space<semaphore_mem>>
      %dma_start3A = arith.constant 0 : i32
      %dma_start3A_25 = tpu.memref_slice %arg5[%arg0, %mul3A_24, %dma_start3A] : memref<2x10240x64xf32, #tpu.memory_space<hbm>> -> memref<1x640x64xf32, #tpu.memory_space<hbm>>
      %dma_start3A_26 = tpu.memref_squeeze %dma_start3A_25 : memref<1x640x64xf32, #tpu.memory_space<hbm>> -> memref<640x64xf32, #tpu.memory_space<hbm>>
      %dma_start3A_27 = arith.constant 0 : i32
      %dma_start3A_28 = tpu.memref_slice %arg11[%mul3A_22, %dma_start3A_27] : memref<10240x64xf32, #tpu.memory_space<vmem_shared>> -> memref<640x64xf32, #tpu.memory_space<vmem_shared>>
      tpu.enqueue_dma source(%dma_start3A_28 : memref<640x64xf32, #tpu.memory_space<vmem_shared>>) target(%dma_start3A_26 : memref<640x64xf32, #tpu.memory_space<hbm>>) target_semaphore(%run_scoped3A : memref<!tpu.dma_semaphore, #tpu.memory_space<semaphore_mem>>)
      %dma_wait3A = arith.constant 0 : i32
      %dma_wait3A_29 = tpu.memref_slice %arg5[%arg0, %mul3A_24, %dma_wait3A] : memref<2x10240x64xf32, #tpu.memory_space<hbm>> -> memref<1x640x64xf32, #tpu.memory_space<hbm>>
      %dma_wait3A_30 = tpu.memref_squeeze %dma_wait3A_29 : memref<1x640x64xf32, #tpu.memory_space<hbm>> -> memref<640x64xf32, #tpu.memory_space<hbm>>
      %dma_wait3A_31 = arith.constant 0 : i32
      %dma_wait3A_32 = tpu.memref_slice %arg11[%mul3A_22, %dma_wait3A_31] : memref<10240x64xf32, #tpu.memory_space<vmem_shared>> -> memref<640x64xf32, #tpu.memory_space<vmem_shared>>
      tpu.wait_dma2 semaphore(%run_scoped3A : memref<!tpu.dma_semaphore, #tpu.memory_space<semaphore_mem>>) src(%dma_wait3A_32 : memref<640x64xf32, #tpu.memory_space<vmem_shared>>) dst(%dma_wait3A_30 : memref<640x64xf32, #tpu.memory_space<hbm>>)
      tpu.yield
    }) : () -> ()
    return
  }
}

module attributes {stable_mosaic.version = 14 : i64} {
  func.func @_tc1_body(%arg0: i32, %arg1: memref<1000x128xf32, #tpu.memory_space<vmem>>, %arg2: memref<128x64xf32, #tpu.memory_space<vmem>>, %arg3: memref<2x1000x16xf32, #tpu.memory_space<vmem>>, %arg4: memref<1000x64xf32, #tpu.memory_space<vmem>>, %arg5: memref<1000x8xf32, #tpu.memory_space<vmem>>) attributes {dimension_semantics = [#tpu.dimension_semantics<arbitrary>], iteration_bounds = array<i64: 10>, scalar_prefetch = 0 : i64, scratch_operands = 0 : i64, tpu.core_type = #tpu.core_type<tc>, window_params = [{transform_indices = @transform_0, window_bounds = array<i64: 1000, 128>}, {pipeline_mode = #tpu.pipeline_mode<synchronous>, transform_indices = @transform_1, window_bounds = array<i64: 128, 64>}, {transform_indices = @transform_2, window_bounds = array<i64: 2, 1000, 16>}, {transform_indices = @transform_3, window_bounds = array<i64: 1000, 64>}, {transform_indices = @transform_4, window_bounds = array<i64: 1000, 8>}]} {
    %get3A = arith.constant 0 : index
    %get3A_0 = arith.constant 0 : index
    %get3A_1 = arith.constant 0 : index
    %get3A_2 = vector.load %arg3[%get3A, %get3A_0, %get3A_1] : memref<2x1000x16xf32, #tpu.memory_space<vmem>>, vector<1x1000x1xf32>
    %get3A_3 = vector.shape_cast %get3A_2 : vector<1x1000x1xf32> to vector<1000x1xf32>
    %get3A_4 = arith.constant 1 : index
    %get3A_5 = arith.constant 0 : index
    %get3A_6 = arith.constant 0 : index
    %get3A_7 = vector.load %arg3[%get3A_4, %get3A_5, %get3A_6] : memref<2x1000x16xf32, #tpu.memory_space<vmem>>, vector<1x1000x1xf32>
    %get3A_8 = vector.shape_cast %get3A_7 : vector<1x1000x1xf32> to vector<1000x1xf32>
    %add3A = arith.addf %get3A_3, %get3A_8 : vector<1000x1xf32>
    %add3A_9 = arith.constant 1.000000e+00 : f32
    %add3A_10 = vector.broadcast %add3A_9 : f32 to vector<1000x1xf32>
    %add3A_11 = arith.addf %add3A, %add3A_10 : vector<1000x1xf32>
    %rsqrt3A = math.rsqrt %add3A_11 : vector<1000x1xf32>
    %get3A_12 = arith.constant 0 : index
    %get3A_13 = arith.constant 0 : index
    %get3A_14 = vector.load %arg1[%get3A_12, %get3A_13] : memref<1000x128xf32, #tpu.memory_space<vmem>>, vector<1000x128xf32>
    %get3A_15 = arith.constant 0 : index
    %get3A_16 = arith.constant 0 : index
    %get3A_17 = vector.load %arg2[%get3A_15, %get3A_16] : memref<128x64xf32, #tpu.memory_space<vmem>>, vector<128x64xf32>
    %dot_general3A = arith.constant dense<0.000000e+00> : vector<1000x64xf32>
    %dot_general3A_18 = tpu.matmul %get3A_14, %get3A_17, %dot_general3A {dimension_numbers = #tpu.dot_dimension_numbers<[1], [0], [0], [1], [0, 0, 1, 1], [], []>, transpose_lhs_hint = false} : vector<1000x128xf32>, vector<128x64xf32>, vector<1000x64xf32> -> vector<1000x64xf32>
    %mul3A = vector.broadcast %rsqrt3A : vector<1000x1xf32> to vector<1000x64xf32>
    %mul3A_19 = arith.mulf %dot_general3A_18, %mul3A : vector<1000x64xf32>
    %swap3A = arith.constant 0 : index
    %swap3A_20 = arith.constant 0 : index
    %swap3A_21 = vector.load %arg4[%swap3A, %swap3A_20] : memref<1000x64xf32, #tpu.memory_space<vmem>>, vector<1000x64xf32>
    tpu.vector_store %arg4[%swap3A, %swap3A_20], %mul3A_19 {strides = array<i32>} : memref<1000x64xf32, #tpu.memory_space<vmem>>, vector<1000x64xf32>,
    %broadcast_in_dim3A = vector.shape_cast %rsqrt3A : vector<1000x1xf32> to vector<1000x1xf32>
    %broadcast_in_dim3A_22 = vector.broadcast %broadcast_in_dim3A : vector<1000x1xf32> to vector<1000x8xf32>
    %swap3A_23 = arith.constant 0 : index
    %swap3A_24 = arith.constant 0 : index
    %swap3A_25 = vector.load %arg5[%swap3A_23, %swap3A_24] : memref<1000x8xf32, #tpu.memory_space<vmem>>, vector<1000x8xf32>
    tpu.vector_store %arg5[%swap3A_23, %swap3A_24], %broadcast_in_dim3A_22 {strides = array<i32>} : memref<1000x8xf32, #tpu.memory_space<vmem>>, vector<1000x8xf32>,
    return
  }
  func.func @transform_0(%arg0: i32) -> (i32, i32) {
    %c0_i32 = arith.constant 0 : i32
    %c0_i32_0 = arith.constant 0 : i32
    return %arg0, %c0_i32 : i32, i32
  }
  func.func @transform_1(%arg0: i32) -> (i32, i32) {
    %c0_i32 = arith.constant 0 : i32
    %c0_i32_0 = arith.constant 0 : i32
    %c0_i32_1 = arith.constant 0 : i32
    return %c0_i32, %c0_i32_0 : i32, i32
  }
  func.func @transform_2(%arg0: i32) -> (i32, i32, i32) {
    %c0_i32 = arith.constant 0 : i32
    %c0_i32_0 = arith.constant 0 : i32
    %c0_i32_1 = arith.constant 0 : i32
    return %c0_i32, %arg0, %c0_i32_0 : i32, i32, i32
  }
  func.func @transform_3(%arg0: i32) -> (i32, i32) {
    %c0_i32 = arith.constant 0 : i32
    %c0_i32_0 = arith.constant 0 : i32
    return %arg0, %c0_i32 : i32, i32
  }
  func.func @transform_4(%arg0: i32) -> (i32, i32) {
    %c0_i32 = arith.constant 0 : i32
    %c0_i32_0 = arith.constant 0 : i32
    return %arg0, %c0_i32 : i32, i32
  }
}

module attributes {stable_mosaic.version = 14 : i64} {
  func.func @_tc_mid_body(%arg0: i32, %arg1: memref<2x1000x64xf32, #tpu.memory_space<vmem>>, %arg2: memref<1000x64xf32, #tpu.memory_space<vmem>>, %arg3: memref<1000x8xf32, #tpu.memory_space<vmem>>, %arg4: memref<64x64xf32, #tpu.memory_space<vmem>>, %arg5: memref<1x64xf32, #tpu.memory_space<vmem>>, %arg6: memref<1000x64xf32, #tpu.memory_space<vmem>>) attributes {dimension_semantics = [#tpu.dimension_semantics<arbitrary>], iteration_bounds = array<i64: 10>, scalar_prefetch = 0 : i64, scratch_operands = 0 : i64, tpu.core_type = #tpu.core_type<tc>, window_params = [{transform_indices = @transform_0, window_bounds = array<i64: 2, 1000, 64>}, {transform_indices = @transform_1, window_bounds = array<i64: 1000, 64>}, {transform_indices = @transform_2, window_bounds = array<i64: 1000, 8>}, {pipeline_mode = #tpu.pipeline_mode<synchronous>, transform_indices = @transform_3, window_bounds = array<i64: 64, 64>}, {pipeline_mode = #tpu.pipeline_mode<synchronous>, transform_indices = @transform_4, window_bounds = array<i64: 1, 64>}, {transform_indices = @transform_5, window_bounds = array<i64: 1000, 64>}]} {
    %get3A = arith.constant 0 : index
    %get3A_0 = arith.constant 0 : index
    %get3A_1 = vector.load %arg3[%get3A, %get3A_0] : memref<1000x8xf32, #tpu.memory_space<vmem>>, vector<1000x1xf32>
    %get3A_2 = arith.constant 0 : index
    %get3A_3 = arith.constant 0 : index
    %get3A_4 = arith.constant 0 : index
    %get3A_5 = vector.load %arg1[%get3A_2, %get3A_3, %get3A_4] : memref<2x1000x64xf32, #tpu.memory_space<vmem>>, vector<1x1000x64xf32>
    %get3A_6 = vector.shape_cast %get3A_5 : vector<1x1000x64xf32> to vector<1000x64xf32>
    %get3A_7 = arith.constant 1 : index
    %get3A_8 = arith.constant 0 : index
    %get3A_9 = arith.constant 0 : index
    %get3A_10 = vector.load %arg1[%get3A_7, %get3A_8, %get3A_9] : memref<2x1000x64xf32, #tpu.memory_space<vmem>>, vector<1x1000x64xf32>
    %get3A_11 = vector.shape_cast %get3A_10 : vector<1x1000x64xf32> to vector<1000x64xf32>
    %add3A = arith.addf %get3A_6, %get3A_11 : vector<1000x64xf32>
    %get3A_12 = arith.constant 0 : index
    %get3A_13 = arith.constant 0 : index
    %get3A_14 = vector.load %arg2[%get3A_12, %get3A_13] : memref<1000x64xf32, #tpu.memory_space<vmem>>, vector<1000x64xf32>
    %add3A_15 = arith.addf %add3A, %get3A_14 : vector<1000x64xf32>
    %mul3A = vector.broadcast %get3A_1 : vector<1000x1xf32> to vector<1000x64xf32>
    %mul3A_16 = arith.mulf %mul3A, %add3A_15 : vector<1000x64xf32>
    %get3A_17 = arith.constant 0 : index
    %get3A_18 = arith.constant 0 : index
    %get3A_19 = vector.load %arg5[%get3A_17, %get3A_18] : memref<1x64xf32, #tpu.memory_space<vmem>>, vector<1x64xf32>
    %add3A_20 = vector.broadcast %get3A_19 : vector<1x64xf32> to vector<1000x64xf32>
    %add3A_21 = arith.addf %mul3A_16, %add3A_20 : vector<1000x64xf32>
    %max3A = arith.constant 0.000000e+00 : f32
    %max3A_22 = vector.broadcast %max3A : f32 to vector<1000x64xf32>
    %max3A_23 = arith.maximumf %add3A_21, %max3A_22 : vector<1000x64xf32>
    %get3A_24 = arith.constant 0 : index
    %get3A_25 = arith.constant 0 : index
    %get3A_26 = vector.load %arg4[%get3A_24, %get3A_25] : memref<64x64xf32, #tpu.memory_space<vmem>>, vector<64x64xf32>
    %dot_general3A = arith.constant dense<0.000000e+00> : vector<1000x64xf32>
    %dot_general3A_27 = tpu.matmul %max3A_23, %get3A_26, %dot_general3A {dimension_numbers = #tpu.dot_dimension_numbers<[1], [0], [0], [1], [0, 0, 1, 1], [], []>, transpose_lhs_hint = false} : vector<1000x64xf32>, vector<64x64xf32>, vector<1000x64xf32> -> vector<1000x64xf32>
    %mul3A_28 = vector.broadcast %get3A_1 : vector<1000x1xf32> to vector<1000x64xf32>
    %mul3A_29 = arith.mulf %dot_general3A_27, %mul3A_28 : vector<1000x64xf32>
    %swap3A = arith.constant 0 : index
    %swap3A_30 = arith.constant 0 : index
    %swap3A_31 = vector.load %arg6[%swap3A, %swap3A_30] : memref<1000x64xf32, #tpu.memory_space<vmem>>, vector<1000x64xf32>
    tpu.vector_store %arg6[%swap3A, %swap3A_30], %mul3A_29 {strides = array<i32>} : memref<1000x64xf32, #tpu.memory_space<vmem>>, vector<1000x64xf32>,
    return
  }
  func.func @transform_0(%arg0: i32) -> (i32, i32, i32) {
    %c0_i32 = arith.constant 0 : i32
    %c0_i32_0 = arith.constant 0 : i32
    %c0_i32_1 = arith.constant 0 : i32
    return %c0_i32, %arg0, %c0_i32_0 : i32, i32, i32
  }
  func.func @transform_1(%arg0: i32) -> (i32, i32) {
    %c0_i32 = arith.constant 0 : i32
    %c0_i32_0 = arith.constant 0 : i32
    return %arg0, %c0_i32 : i32, i32
  }
  func.func @transform_2(%arg0: i32) -> (i32, i32) {
    %c0_i32 = arith.constant 0 : i32
    %c0_i32_0 = arith.constant 0 : i32
    return %arg0, %c0_i32 : i32, i32
  }
  func.func @transform_3(%arg0: i32) -> (i32, i32) {
    %c0_i32 = arith.constant 0 : i32
    %c0_i32_0 = arith.constant 0 : i32
    %c0_i32_1 = arith.constant 0 : i32
    return %c0_i32, %c0_i32_0 : i32, i32
  }
  func.func @transform_4(%arg0: i32) -> (i32, i32) {
    %c0_i32 = arith.constant 0 : i32
    %c0_i32_0 = arith.constant 0 : i32
    %c0_i32_1 = arith.constant 0 : i32
    return %c0_i32, %c0_i32_0 : i32, i32
  }
  func.func @transform_5(%arg0: i32) -> (i32, i32) {
    %c0_i32 = arith.constant 0 : i32
    %c0_i32_0 = arith.constant 0 : i32
    return %arg0, %c0_i32 : i32, i32
  }
}

module attributes {stable_mosaic.version = 14 : i64} {
  func.func @_tc_mid_body(%arg0: i32, %arg1: memref<2x1000x64xf32, #tpu.memory_space<vmem>>, %arg2: memref<1000x64xf32, #tpu.memory_space<vmem>>, %arg3: memref<1000x8xf32, #tpu.memory_space<vmem>>, %arg4: memref<64x16xf32, #tpu.memory_space<vmem>>, %arg5: memref<1x64xf32, #tpu.memory_space<vmem>>, %arg6: memref<1000x16xf32, #tpu.memory_space<vmem>>) attributes {dimension_semantics = [#tpu.dimension_semantics<arbitrary>], iteration_bounds = array<i64: 10>, scalar_prefetch = 0 : i64, scratch_operands = 0 : i64, tpu.core_type = #tpu.core_type<tc>, window_params = [{transform_indices = @transform_0, window_bounds = array<i64: 2, 1000, 64>}, {transform_indices = @transform_1, window_bounds = array<i64: 1000, 64>}, {transform_indices = @transform_2, window_bounds = array<i64: 1000, 8>}, {pipeline_mode = #tpu.pipeline_mode<synchronous>, transform_indices = @transform_3, window_bounds = array<i64: 64, 16>}, {pipeline_mode = #tpu.pipeline_mode<synchronous>, transform_indices = @transform_4, window_bounds = array<i64: 1, 64>}, {transform_indices = @transform_5, window_bounds = array<i64: 1000, 16>}]} {
    %get3A = arith.constant 0 : index
    %get3A_0 = arith.constant 0 : index
    %get3A_1 = vector.load %arg3[%get3A, %get3A_0] : memref<1000x8xf32, #tpu.memory_space<vmem>>, vector<1000x1xf32>
    %get3A_2 = arith.constant 0 : index
    %get3A_3 = arith.constant 0 : index
    %get3A_4 = arith.constant 0 : index
    %get3A_5 = vector.load %arg1[%get3A_2, %get3A_3, %get3A_4] : memref<2x1000x64xf32, #tpu.memory_space<vmem>>, vector<1x1000x64xf32>
    %get3A_6 = vector.shape_cast %get3A_5 : vector<1x1000x64xf32> to vector<1000x64xf32>
    %get3A_7 = arith.constant 1 : index
    %get3A_8 = arith.constant 0 : index
    %get3A_9 = arith.constant 0 : index
    %get3A_10 = vector.load %arg1[%get3A_7, %get3A_8, %get3A_9] : memref<2x1000x64xf32, #tpu.memory_space<vmem>>, vector<1x1000x64xf32>
    %get3A_11 = vector.shape_cast %get3A_10 : vector<1x1000x64xf32> to vector<1000x64xf32>
    %add3A = arith.addf %get3A_6, %get3A_11 : vector<1000x64xf32>
    %get3A_12 = arith.constant 0 : index
    %get3A_13 = arith.constant 0 : index
    %get3A_14 = vector.load %arg2[%get3A_12, %get3A_13] : memref<1000x64xf32, #tpu.memory_space<vmem>>, vector<1000x64xf32>
    %add3A_15 = arith.addf %add3A, %get3A_14 : vector<1000x64xf32>
    %mul3A = vector.broadcast %get3A_1 : vector<1000x1xf32> to vector<1000x64xf32>
    %mul3A_16 = arith.mulf %mul3A, %add3A_15 : vector<1000x64xf32>
    %get3A_17 = arith.constant 0 : index
    %get3A_18 = arith.constant 0 : index
    %get3A_19 = vector.load %arg5[%get3A_17, %get3A_18] : memref<1x64xf32, #tpu.memory_space<vmem>>, vector<1x64xf32>
    %add3A_20 = vector.broadcast %get3A_19 : vector<1x64xf32> to vector<1000x64xf32>
    %add3A_21 = arith.addf %mul3A_16, %add3A_20 : vector<1000x64xf32>
    %max3A = arith.constant 0.000000e+00 : f32
    %max3A_22 = vector.broadcast %max3A : f32 to vector<1000x64xf32>
    %max3A_23 = arith.maximumf %add3A_21, %max3A_22 : vector<1000x64xf32>
    %get3A_24 = arith.constant 0 : index
    %get3A_25 = arith.constant 0 : index
    %get3A_26 = vector.load %arg4[%get3A_24, %get3A_25] : memref<64x16xf32, #tpu.memory_space<vmem>>, vector<64x16xf32>
    %dot_general3A = arith.constant dense<0.000000e+00> : vector<1000x16xf32>
    %dot_general3A_27 = tpu.matmul %max3A_23, %get3A_26, %dot_general3A {dimension_numbers = #tpu.dot_dimension_numbers<[1], [0], [0], [1], [0, 0, 1, 1], [], []>, transpose_lhs_hint = false} : vector<1000x64xf32>, vector<64x16xf32>, vector<1000x16xf32> -> vector<1000x16xf32>
    %mul3A_28 = vector.broadcast %get3A_1 : vector<1000x1xf32> to vector<1000x16xf32>
    %mul3A_29 = arith.mulf %dot_general3A_27, %mul3A_28 : vector<1000x16xf32>
    %swap3A = arith.constant 0 : index
    %swap3A_30 = arith.constant 0 : index
    %swap3A_31 = vector.load %arg6[%swap3A, %swap3A_30] : memref<1000x16xf32, #tpu.memory_space<vmem>>, vector<1000x16xf32>
    tpu.vector_store %arg6[%swap3A, %swap3A_30], %mul3A_29 {strides = array<i32>} : memref<1000x16xf32, #tpu.memory_space<vmem>>, vector<1000x16xf32>,
    return
  }
  func.func @transform_0(%arg0: i32) -> (i32, i32, i32) {
    %c0_i32 = arith.constant 0 : i32
    %c0_i32_0 = arith.constant 0 : i32
    %c0_i32_1 = arith.constant 0 : i32
    return %c0_i32, %arg0, %c0_i32_0 : i32, i32, i32
  }
  func.func @transform_1(%arg0: i32) -> (i32, i32) {
    %c0_i32 = arith.constant 0 : i32
    %c0_i32_0 = arith.constant 0 : i32
    return %arg0, %c0_i32 : i32, i32
  }
  func.func @transform_2(%arg0: i32) -> (i32, i32) {
    %c0_i32 = arith.constant 0 : i32
    %c0_i32_0 = arith.constant 0 : i32
    return %arg0, %c0_i32 : i32, i32
  }
  func.func @transform_3(%arg0: i32) -> (i32, i32) {
    %c0_i32 = arith.constant 0 : i32
    %c0_i32_0 = arith.constant 0 : i32
    %c0_i32_1 = arith.constant 0 : i32
    return %c0_i32, %c0_i32_0 : i32, i32
  }
  func.func @transform_4(%arg0: i32) -> (i32, i32) {
    %c0_i32 = arith.constant 0 : i32
    %c0_i32_0 = arith.constant 0 : i32
    %c0_i32_1 = arith.constant 0 : i32
    return %c0_i32, %c0_i32_0 : i32, i32
  }
  func.func @transform_5(%arg0: i32) -> (i32, i32) {
    %c0_i32 = arith.constant 0 : i32
    %c0_i32_0 = arith.constant 0 : i32
    return %arg0, %c0_i32 : i32, i32
  }
}

module attributes {stable_mosaic.version = 14 : i64} {
  func.func @_tc4_body(%arg0: i32, %arg1: memref<2x1000x16xf32, #tpu.memory_space<vmem>>, %arg2: memref<1000x16xf32, #tpu.memory_space<vmem>>, %arg3: memref<1000x8xf32, #tpu.memory_space<vmem>>, %arg4: memref<1x16xf32, #tpu.memory_space<vmem>>, %arg5: memref<1000x6xf32, #tpu.memory_space<vmem>>) attributes {dimension_semantics = [#tpu.dimension_semantics<arbitrary>], iteration_bounds = array<i64: 10>, scalar_prefetch = 0 : i64, scratch_operands = 0 : i64, tpu.core_type = #tpu.core_type<tc>, window_params = [{transform_indices = @transform_0, window_bounds = array<i64: 2, 1000, 16>}, {transform_indices = @transform_1, window_bounds = array<i64: 1000, 16>}, {transform_indices = @transform_2, window_bounds = array<i64: 1000, 8>}, {pipeline_mode = #tpu.pipeline_mode<synchronous>, transform_indices = @transform_3, window_bounds = array<i64: 1, 16>}, {transform_indices = @transform_4, window_bounds = array<i64: 1000, 6>}]} {
    %get3A = arith.constant 0 : index
    %get3A_0 = arith.constant 0 : index
    %get3A_1 = vector.load %arg3[%get3A, %get3A_0] : memref<1000x8xf32, #tpu.memory_space<vmem>>, vector<1000x1xf32>
    %get3A_2 = arith.constant 0 : index
    %get3A_3 = arith.constant 0 : index
    %get3A_4 = arith.constant 0 : index
    %get3A_5 = vector.load %arg1[%get3A_2, %get3A_3, %get3A_4] : memref<2x1000x16xf32, #tpu.memory_space<vmem>>, vector<1x1000x16xf32>
    %get3A_6 = vector.shape_cast %get3A_5 : vector<1x1000x16xf32> to vector<1000x16xf32>
    %get3A_7 = arith.constant 1 : index
    %get3A_8 = arith.constant 0 : index
    %get3A_9 = arith.constant 0 : index
    %get3A_10 = vector.load %arg1[%get3A_7, %get3A_8, %get3A_9] : memref<2x1000x16xf32, #tpu.memory_space<vmem>>, vector<1x1000x16xf32>
    %get3A_11 = vector.shape_cast %get3A_10 : vector<1x1000x16xf32> to vector<1000x16xf32>
    %add3A = arith.addf %get3A_6, %get3A_11 : vector<1000x16xf32>
    %get3A_12 = arith.constant 0 : index
    %get3A_13 = arith.constant 0 : index
    %get3A_14 = vector.load %arg2[%get3A_12, %get3A_13] : memref<1000x16xf32, #tpu.memory_space<vmem>>, vector<1000x16xf32>
    %add3A_15 = arith.addf %add3A, %get3A_14 : vector<1000x16xf32>
    %mul3A = vector.broadcast %get3A_1 : vector<1000x1xf32> to vector<1000x16xf32>
    %mul3A_16 = arith.mulf %mul3A, %add3A_15 : vector<1000x16xf32>
    %get3A_17 = arith.constant 0 : index
    %get3A_18 = arith.constant 0 : index
    %get3A_19 = vector.load %arg4[%get3A_17, %get3A_18] : memref<1x16xf32, #tpu.memory_space<vmem>>, vector<1x16xf32>
    %add3A_20 = vector.broadcast %get3A_19 : vector<1x16xf32> to vector<1000x16xf32>
    %add3A_21 = arith.addf %mul3A_16, %add3A_20 : vector<1000x16xf32>
    %slice3A = vector.extract_strided_slice %add3A_21 {offsets = [0, 0], sizes = [1000, 6], strides = [1, 1]} : vector<1000x16xf32> to vector<1000x6xf32>
    %reduce_max3A = arith.constant dense<0xFF800000> : vector<1000xf32>
    %reduce_max3A_22 = vector.multi_reduction <maximumf>, %slice3A, %reduce_max3A [1] : vector<1000x6xf32> to vector<1000xf32>
    %broadcast_in_dim3A = vector.shape_cast %reduce_max3A_22 : vector<1000xf32> to vector<1000x1xf32>
    %sub3A = vector.broadcast %broadcast_in_dim3A : vector<1000x1xf32> to vector<1000x6xf32>
    %sub3A_23 = arith.subf %slice3A, %sub3A : vector<1000x6xf32>
    %exp3A = math.exp %sub3A_23 : vector<1000x6xf32>
    %reduce_sum3A = arith.constant dense<0.000000e+00> : vector<1000xf32>
    %reduce_sum3A_24 = vector.multi_reduction <add>, %exp3A, %reduce_sum3A [1] : vector<1000x6xf32> to vector<1000xf32>
    %broadcast_in_dim3A_25 = vector.shape_cast %reduce_sum3A_24 : vector<1000xf32> to vector<1000x1xf32>
    %log3A = math.log %broadcast_in_dim3A_25 : vector<1000x1xf32>
    %sub3A_26 = vector.broadcast %broadcast_in_dim3A : vector<1000x1xf32> to vector<1000x6xf32>
    %sub3A_27 = arith.subf %slice3A, %sub3A_26 : vector<1000x6xf32>
    %sub3A_28 = vector.broadcast %log3A : vector<1000x1xf32> to vector<1000x6xf32>
    %sub3A_29 = arith.subf %sub3A_27, %sub3A_28 : vector<1000x6xf32>
    %swap3A = arith.constant 0 : index
    %swap3A_30 = arith.constant 0 : index
    %swap3A_31 = vector.load %arg5[%swap3A, %swap3A_30] : memref<1000x6xf32, #tpu.memory_space<vmem>>, vector<1000x6xf32>
    tpu.vector_store %arg5[%swap3A, %swap3A_30], %sub3A_29 {strides = array<i32>} : memref<1000x6xf32, #tpu.memory_space<vmem>>, vector<1000x6xf32>,
    return
  }
  func.func @transform_0(%arg0: i32) -> (i32, i32, i32) {
    %c0_i32 = arith.constant 0 : i32
    %c0_i32_0 = arith.constant 0 : i32
    %c0_i32_1 = arith.constant 0 : i32
    return %c0_i32, %arg0, %c0_i32_0 : i32, i32, i32
  }
  func.func @transform_1(%arg0: i32) -> (i32, i32) {
    %c0_i32 = arith.constant 0 : i32
    %c0_i32_0 = arith.constant 0 : i32
    return %arg0, %c0_i32 : i32, i32
  }
  func.func @transform_2(%arg0: i32) -> (i32, i32) {
    %c0_i32 = arith.constant 0 : i32
    %c0_i32_0 = arith.constant 0 : i32
    return %arg0, %c0_i32 : i32, i32
  }
  func.func @transform_3(%arg0: i32) -> (i32, i32) {
    %c0_i32 = arith.constant 0 : i32
    %c0_i32_0 = arith.constant 0 : i32
    %c0_i32_1 = arith.constant 0 : i32
    return %c0_i32, %c0_i32_0 : i32, i32
  }
  func.func @transform_4(%arg0: i32) -> (i32, i32) {
    %c0_i32 = arith.constant 0 : i32
    %c0_i32_0 = arith.constant 0 : i32
    return %arg0, %c0_i32 : i32, i32
  }
}

</mosaic_0001>

<sc_bundles>
// kernel: kernel.10.cloned.1.call-start
scs
__scs_entry_jumppad:
0x0: {  	(pc) =	sbr.rel $0x88, $3  }
0x1: {  	(tag) =	ssettag $0x0;
	lr =	simm.s32 $0x1  }
0x2: {  	[smem:$0x3F99] =	sst lr;
	_ =	strace $0xD0000000  }
0x3: {  	_ = 	snop  }
0x4: {  	_ = 	snop  }
0x5: {  	_ = 	snop  }
0x6: {  	_ = 	snop  }
0x7: {  	_ = 	snop  }
__scs_overlays_trampoline_lowered:
0x8: {  	[smem:$0x3FA8] =	sst s0  }
0x9: {  	[smem:$0x3FA9] =	sst s1  }
0xa: {  	[smem:$0x3FAA] =	sst s2  }
0xb: {  	[smem:$0x3FAB] =	sst s3  }
0xc: {  	[smem:$0x3FAC] =	sst s4  }
0xd: {  	[smem:$0x3FAD] =	sst s5  }
0xe: {  	[smem:$0x3FAE] =	sst s6  }
0xf: {  	[smem:$0x3FAF] =	sst s7  }
0x10: {  	[smem:$0x3FB0] =	sst s8  }
0x11: {  	[smem:$0x3FB1] =	sst s9;
	s0 =	simm.s32 @!p0 $0x0  }
0x12: {  	s1 =	sld [smem:$0x3F97];
	s0 =	simm.s32 @p0 $0x1  }
0x13: {  	[smem:$0x3FB2] =	sst s0;
	s0 =	simm.s32 @!p1 $0x0  }
0x14: {  	s2 =	sld [smem:$0x3F96];
	s0 =	simm.s32 @p1 $0x1  }
0x15: {  	[smem:$0x3FB3] =	sst s0;
	s0 =	simm.s32 @!p2 $0x0  }
0x16: {  	s3 =	sld [smem:$0x3FDB];
	s0 =	simm.s32 @p2 $0x1  }
0x17: {  	s4 =	simm.s32 $0x1BF5;
	[smem:$0x3FB5] =	sst s0  }
0x18: {  	s0 =	sld [smem:$0x3F98];
	_ =	swait.ge [sflag:s4], $0x0  }
0x19: {  	s7 =	sld [smem:$0x3F99]  }
0x1a: {  	s8 =	sadd.s32 $0xFFFFE003, lr  }
0x1b: {  	s9 =	sadd.s32 $0xFFFFFEF7, lr;
	s5 =	simm.s32 $0xFFFFFFFF;
	p2 =	slt.u32 s8, $0xFFFFF086  }
0x1c: {  	p1 =	slt.u32 s9, $0xF7A;
	s5 =	simm.s32 @!p2 $0x0  }
0x1d: {  	s5 =	simm.s32 @p1 $0x1;
	p0 =	seq.s32 s7, s2  }
0x1e: {  	s7 =	smul.u32 @!p0 $0xF7A, s2;
	p2 =	seq.s32 @!p0 s5, $0x0  }
0x1f: {  	s9 =	smul.u32 $0xF7A, s1;
	s8 =	simm.s32 @!p0 $0x1BF5;
	p2 =	por !p2, p0  }
0x20: {  	[sflag:s8] =	ssyncset.s32 @!p0 $0xFFFFF086;
	s6 =	sadd.s32 @!p0 s3, s7;
	s7 =	simm.s32 @!p0 $0x108  }
0x21: {  	s3 =	sadd.s32 s3, s9;
	s6 =	sadd.s32 @!p0 $0x88, s6;
	s7 =	simm.s32 @p2 $0x1082  }
0x22: {  	[simem:s7], [sflag:s8] =	dma.local @!p0 [hbm:s6], $0xF7A  }
0x23: {  	s9 =	sor.u32 $0xD0000000, s2;
	s6 =	simm.s32 $0x108;
	_ =	swait.ge @!p0 [sflag:s8], $0x0  }
0x24: {  	s3 =	sadd.s32 $0x88, s3;
	s6 =	simm.s32 @!p1 $0x1082;
	[sflag:s4] =	ssyncset.s32 $0xFFFFF086  }
0x25: {  	[simem:s6], [sflag:s4] =	dma.local [hbm:s3], $0xF7A  }
0x26: {  	[smem:$0x3F99] =	sst s1;
	(tag) =	ssettag s2;
	_ =	strace s9  }
0x27: {  	s1 =	sld [smem:$0x3FA9]  }
0x28: {  	s2 =	sld [smem:$0x3FAA]  }
0x29: {  	s4 =	sld [smem:$0x3FAC]  }
0x2a: {  	p0 =	seq.s32 s5, $0x0;
	s5 =	sld [smem:$0x3FAD]  }
0x2b: {  	s6 =	sld [smem:$0x3FAE]  }
0x2c: {  	s7 =	sld [smem:$0x3FAF]  }
0x2d: {  	s3 =	simm.s32 $0x108;
	s8 =	sld [smem:$0x3FB0]  }
0x2e: {  	s3 =	simm.s32 @!p0 $0x1082;
	s9 =	sld [smem:$0x3FB1]  }
0x2f: {  	lr =	sadd.s32 s0, s3;
	s0 =	sld [smem:$0x3FA8]  }
0x30: {  	s3 =	sld [smem:$0x3FAB]  }
0x31: {  	[smem:$0x3FB4] =	sst s10  }
0x32: {  	s10 =	sld [smem:$0x3FB2];
	_ =	sdelay $0x3  }
0x33: {  	p0 =	seq.s32 s10, $0x1;
	s10 =	sld [smem:$0x3FB4];
	_ =	sdelay $0x3  }
0x34: {  	[smem:$0x3FB4] =	sst s10  }
0x35: {  	s10 =	sld [smem:$0x3FB3];
	_ =	sdelay $0x3  }
0x36: {  	p1 =	seq.s32 s10, $0x1;
	s10 =	sld [smem:$0x3FB4];
	_ =	sdelay $0x3  }
0x37: {  	[smem:$0x3FB4] =	sst s10  }
0x38: {  	s10 =	sld [smem:$0x3FB5]  }
0x39: {  	_ = 	snop;
	(pc) =	sbr.ind lr, $3  }
0x3a: {  	_ = 	snop  }
0x3b: {  	_ = 	snop  }
0x3c: {  	p2 =	seq.s32 s10, $0x1;
	s10 =	sld [smem:$0x3FB4]  }
0x3d: {  	_ =	shalt  }
0x3e: {  	_ =	shalt  }
0x3f: {  	_ =	shalt  }
0x40: {  	_ =	shalt  }
0x41: {  	_ =	shalt  }
0x42: {  	_ =	shalt  }
0x43: {  	_ =	shalt  }
0x44: {  	_ =	shalt  }
0x45: {  	_ =	shalt  }
0x46: {  	_ =	shalt  }
0x47: {  	_ =	shalt  }
0x48: {  	_ =	shalt  }
0x49: {  	_ =	shalt  }
0x4a: {  	_ =	shalt  }
0x4b: {  	_ =	shalt  }
0x4c: {  	_ =	shalt  }
0x4d: {  	_ =	shalt  }
0x4e: {  	_ =	shalt  }
0x4f: {  	_ =	shalt  }
0x50: {  	_ =	shalt  }
0x51: {  	_ =	shalt  }
0x52: {  	_ =	shalt  }
0x53: {  	_ =	shalt  }
0x54: {  	_ =	shalt  }
0x55: {  	_ =	shalt  }
0x56: {  	_ =	shalt  }
0x57: {  	_ =	shalt  }
0x58: {  	_ =	shalt  }
0x59: {  	_ =	shalt  }
0x5a: {  	_ =	shalt  }
0x5b: {  	_ =	shalt  }
0x5c: {  	_ =	shalt  }
0x5d: {  	_ =	shalt  }
0x5e: {  	_ =	shalt  }
0x5f: {  	_ =	shalt  }
0x60: {  	_ =	shalt  }
0x61: {  	_ =	shalt  }
0x62: {  	_ =	shalt  }
0x63: {  	_ =	shalt  }
0x64: {  	_ =	shalt  }
0x65: {  	_ =	shalt  }
0x66: {  	_ =	shalt  }
0x67: {  	_ =	shalt  }
0x68: {  	_ =	shalt  }
0x69: {  	_ =	shalt  }
0x6a: {  	_ =	shalt  }
0x6b: {  	_ =	shalt  }
0x6c: {  	_ =	shalt  }
0x6d: {  	_ =	shalt  }
0x6e: {  	_ =	shalt  }
0x6f: {  	_ =	shalt  }
0x70: {  	_ =	shalt  }
0x71: {  	_ =	shalt  }
0x72: {  	_ =	shalt  }
0x73: {  	_ =	shalt  }
0x74: {  	_ =	shalt  }
0x75: {  	_ =	shalt  }
0x76: {  	_ =	shalt  }
0x77: {  	_ =	shalt  }
0x78: {  	_ =	shalt  }
0x79: {  	_ =	shalt  }
0x7a: {  	_ =	shalt  }
0x7b: {  	_ =	shalt  }
0x7c: {  	_ =	shalt  }
0x7d: {  	_ =	shalt  }
0x7e: {  	_ =	shalt  }
0x7f: {  	_ =	shalt  }
0x80: {  	_ =	shalt  }
0x81: {  	_ =	shalt  }
0x82: {  	_ =	shalt  }
0x83: {  	_ =	shalt  }
0x84: {  	_ =	shalt  }
0x85: {  	_ =	shalt  }
0x86: {  	_ =	shalt  }
0x87: {  	_ =	shalt  }
.Lfunc_end0:
.L_simem_size_0:
called_computation_lowered:
.L_overlay_start_0:
0x88: {  	s2 =	sld [smem:$0x3FD9]  }
0x89: {  	s3 =	sld [smem:$0x3FFE];
	_ =	sdelay $0x1  }
0x8a: {  	s1 =	srdreg.scid  }
0x8b: {  	s0 =	sand.u32 $0x1, s1  }
0x8c: {  	s16 =	sshll.u32 s0, $0xA;
	s2 =	sadd.s32 s3, s2  }
0x8d: {  	s2 =	sadd.s32 s2, s16  }
0x8e: {  	[smem:$0x3FC0] =	sst s2  }
0x8f: {  	_ = 	snop  }
0x90: {  	(tm) =	ssettm $0x1  }
0x91: {  	s17 =	sld [smem:$0x3FFB];
	_ =	sdelay $0x3  }
0x92: {  	_ =	strace s17  }
0x93: {  	s2 =	sld [smem:$0x3FFC];
	_ =	sdelay $0x3  }
0x94: {  	_ =	strace s2  }
0x95: {  	s2 =	sld [smem:$0x3FFD];
	_ =	sdelay $0x3  }
0x96: {  	_ =	strace s2  }
0x97: {  	_ =	strace $0x8FFFFFFF  }
0x98: {  	s18 =	sld [smem:$0x3FDB];
	_ =	sdelay $0x1  }
0x99: {  	s19 =	simm.s32 $_scs_section_size  }
0x9a: {  	s4 =	simm.s32 $_size__tile_overlayer_lowered;
	s5 =	simm.s32 $_tile_overlayer_lowered  }
0x9b: {  	s22 =	simm.s32 $0x1BFF;
	s21 =	sshll.u32 s5, $0x1;
	s2 =	sadd.s32 s19, s18  }
0x9c: {  	s6 =	simm.s32 $0x0;
	s20 =	sshll.u32 s4, $0x1;
	s4 =	sadd.s32 s21, s2  }
0x9d: {  	[timem:s6], [sflag:s22] =	dma.local [hbm:s4], s20  }
0x9e: {  	_ =	swait.ge [sflag:s22], s20  }
0x9f: {  	s3 =	ssub.s32 $0x0, s20;
	[sflag:s22] =	ssyncset.done $0x0  }
0xa0: {  	[sflag:s22] =	ssyncadd.s32 s3;
	_ =	sdelay $0x1  }
0xa1: {  	s23 =	simm.s32 $0x1B8B  }
0xa2: {  	_ =	swait.ge [sflag:s23], $0x1  }
0xa3: {  	[sflag:s23] =	ssyncset.done $0x0  }
0xa4: {  	s25 =	simm.s32 $0x1B8E;
	s24 =	sld [smem:$0x3FFE];
	[sflag:s23] =	ssyncadd.s32 $0xFFFFFFFF  }
0xa5: {  	s26 =	simm.s32 $execute0_lowered;
	[smem:$0x3FD2] =	sst s25  }
0xa6: {  	s4 =	sshll.u32 s26, $0x1;
	_ =	strace $0x80000046;
	[dreg:$0x1] =	wrdreg $0xFFFFFFFF  }
0xa7: {  	s28 =	simm.s32 $_size_execute0_lowered;
	s2 =	sadd.s32 s2, s4;
	[dreg:$0x0] =	wrdreg $0x0  }
0xa8: {  	s4 =	sshll.u32 s28, $0x1;
	[dreg:$0x2] =	wrdreg s2  }
0xa9: {  	[dreg:$0x3] =	wrdreg s4  }
0xaa: {  	[dreg:$0x4] =	wrdreg $0xC0  }
0xab: {  	_ =	task [dreg:s6], $0x5FFFF  }
0xac: {  	[dreg:$0x1] =	wrdreg $0xFFFFFFFF  }
0xad: {  	[dreg:$0x0] =	wrdreg $0x60  }
0xae: {  	[dreg:$0x2] =	wrdreg s24  }
0xaf: {  	[dreg:$0x3] =	wrdreg $0x7BC00  }
0xb0: {  	[dreg:$0x4] =	wrdreg $0x9  }
0xb1: {  	_ =	task.clear_ibuf [dreg:s6], $0x5FFFF;
	_ =	strace $0x90000046  }
0xb2: {  	s29 =	simm.s32 $0x9;
	_ =	strace $0x80000048  }
0xb3: {  	_ =	swait.ge [sflag:s29], $0x1  }
0xb4: {  	[sflag:s29] =	ssyncadd.s32 $0xFFFFFFFF  }
0xb5: {  	_ =	strace $0x90000048  }
0xb6: {  	_ =	sfence  }
0xb7: {  	s30 =	sld [smem:$0x0];
	_ =	sdelay $0x2  }
0xb8: {  	s31 =	sshll.u32 s1, $0xD;
	s1 =	sshrl.u32 s1, $0x2  }
0xb9: {  	s3 =	sand.u32 $0x4000, s31;
	s1 =	sadd.s32 s1, s30  }
0xba: {  	s0 =	sor.u32 s3, s0;
	s1 =	sshll.u32 s1, $0x11  }
0xbb: {  	s0 =	sor.u32 s1, s0  }
0xbc: {  	s0 =	sadd.s32 $0x8F2B, s0  }
0xbd: {  	[sflag:s0] =	ssyncadd.remote.s32 $0x1  }
0xbe: {  	_ =	sfence.sel $0xFFFF  }
0xbf: {  	[dreg:$0x0] =	wrdreg $0xFFFFFFFF;
	(pc) =	sbr.abs _section_cstart, $3  }
0xc0: {  	[dreg:$0x1] =	wrdreg $0xFFFFFFFF  }
0xc1: {  	_ =	task.clear_ibuf [dreg:s6], $0x2FFFF;
	_ =	strace $0x9FFFFFFF  }
0xc2: {  	(tm) =	ssettm $0x7FFFFFFF  }
0xc3: {  	_ =	shalt  }
tec
execute0_lowered:
.L_overlay_start_1:
0x0: {  	(tag) =	ssettag $0x1  }
0x1: {  	s4 =	rddreg [dreg:$0x0]  }
0x2: {  	s2 =	rddreg [dreg:$0x1];
	s0 =	stileid.u32  }
0x3: {  	s3 =	srdreg.scid;
	s1 =	rddreg [dreg:$0x2];
	s11 =	simm.s32 $0x2760  }
0x4: {  	s12 =	simm.s32 $0x50;
	s13 =	simm.s32 $0x4EC0;
	s5 =	smul.u32 $0x7E, s0  }
0x5: {  	s6 =	sand.u32 $0x1, s3;
	s8 =	smul.u32 $0x2800, s0;
	s3 =	simm.s32 $0x0  }
0x6: {  	s14 =	sshll.u32 s0, $0x6;
	p0 =	seq.s32 s6, $0x0;
	s31 =	smul.u32 $0x28000, s6  }
0x7: {  	[smem:$0x7FF] =	sst s3;
	s6 =	ssub.s32 $0x2, s6;
	s7 =	sadd.s32 $0x7E0, s5  }
0x8: {  	s14 =	sor.u32 $0x1C01, s14;
	s7 =	smov.u32 @p0 s5;
	s5 =	sadd.s32 s8, s31  }
0x9: {  	s9 =	sshrl.u32 s6, $0x1;
	s7 =	smul.u32 $0xA, s7;
	s5 =	sshrl.u32 s5, $0x3  }
0xa: {  	_ =	strace $0x80000047;
	s9 =	ssub.s32 s6, s9;
	s10 =	sadd.s32 s5, s4  }
0xb: {  	s7 =	sadd.s32 s7, s4;
	s4 =	sadd.s32 s8, s2;
	s8 =	smax.u32 s9, $0x1  }
0xc: {  	s9 =	simm.s32 $0x53C0;
	s5 =	sadd.s32 $0xC200, s7;
	s6 =	sadd.s32 $0x1E00, s7  }
0xd: {  	v0 =	vimm.f32 $0.0e+00;
	v1 =	vimm.f32 $1.000000000e+00;
	s7 =	sadd.s32 $0x16600, s10;
	s10 =	simm.s32 $0x1;
	s15 =	sshrl.u32 s4, $0x3  }
.LBB2_1:
0xe: {  	s16 =	simm.s32 $0x40;
	s17 =	simm.s32 $0x0  }
.LBB2_2:
0xf: {  	p0 =	sne.s32 s16, $0x9FC0;
	[tilespmem:s17+$0x53C0] =	vst v0;
	s17 =	smov.u32 s16;
	s16 =	sadd.s32 $0x40, s16  }
.Ltmp0:
0x10: {  	(pc) =	sbr.rel @p0 .LBB2_2-.Ltmp0, $2  }
0x11: {  	_ =	sdelay $0x2  }
0x12: {  	s17 =	sshra.s32 s17, $0x2  }
0x13: {  	[tilespmem:s17+$0x53C0] =	vst v0  }
0x14: {  	[spmem:s4] =	stream.linear.scatter [tilespmem:s9], [sflag:$0x1], $0x2800, $0x38;
	[tilespmem:$0xA3C0] =	vst v63  }
0x15: {  	_ =	swait.ge [sflag:s10], $0x2800  }
0x16: {  	[sflag:s10] =	ssyncset.done $0x0  }
0x17: {  	s16 =	simm.s32 $0x40;
	s17 =	simm.s32 $0x0;
	[sflag:s10] =	ssyncadd.s32 $0xFFFFD800  }
.LBB2_4:
0x18: {  	p0 =	sne.s32 s16, $0x13C0;
	[tilespmem:s17+$0x4EC0] =	vst v1;
	s17 =	smov.u32 s16;
	s16 =	sadd.s32 $0x40, s16  }
.Ltmp1:
0x19: {  	(pc) =	sbr.rel @p0 .LBB2_4-.Ltmp1, $2  }
0x1a: {  	_ =	sdelay $0x2  }
0x1b: {  	s17 =	sshra.s32 s17, $0x2  }
0x1c: {  	[tilespmem:s17+$0x4EC0] =	vst v1;
	s16 =	simm.s32 $0x0  }
0x1d: {  	[tilespmem:s16], [sflag:$0x1] =	stream.linear.gather [hbm4b:s5+s16], $0x2760, $0x38;
	[tilespmem:$0xA3C0] =	vst v63  }
0x1e: {  	_ =	swait.ge [sflag:s10], $0x2760  }
0x1f: {  	[sflag:s10] =	ssyncset.done $0x0  }
0x20: {  	[sflag:s10] =	ssyncadd.s32 $0xFFFFD8A0  }
0x21: {  	[tilespmem:s11], [sflag:$0x1] =	stream.linear.gather [hbm4b:s6+s16], $0x2760, $0x38;
	[tilespmem:$0xA3C0] =	vst v63  }
0x22: {  	_ =	swait.ge [sflag:s10], $0x2760  }
0x23: {  	[sflag:s10] =	ssyncset.done $0x0  }
0x24: {  	[sflag:s10] =	ssyncadd.s32 $0xFFFFD8A0  }
0x25: {  	s31 =	simm.s32 $0x2760;
	[bflag:$0x0] =	sbarrier.arrive $0xFFFF  }
0x26: {  	[spmem:s2] =	stream.indirect.scatter.add.f32 [tilespmem:s13], [sflag:$0x1], $0x10, s31, s12, $0xb8;
	[tilespmem:$0xA3C0] =	vst v63  }
0x27: {  	s16 =	simm.s32 $0x140;
	_ =	swait.ge [sflag:s10], $0x500  }
.LBB2_6:
0x28: {  	s17 =	sshra.s32 s16, $0x2;
	[sflag:s10] =	ssyncset.done $0x0;
	p0 =	sne.s32 s16, $0x9C40  }
.Ltmp2:
0x29: {  	s17 =	sadd.s32 $0x2760, s17;
	[sflag:s10] =	ssyncadd.s32 $0xFFFFFB00;
	(pc) =	sbr.rel @p0 .LBB2_6-.Ltmp2, $3  }
0x2a: {  	[spmem:s2] =	stream.indirect.scatter.add.f32 [tilespmem:s13], [sflag:$0x1], $0x10, s17, s12, $0xb8;
	[tilespmem:$0xA3C0] =	vst v63  }
0x2b: {  	s16 =	sadd.s32 $0x140, s16;
	_ =	sdelay $0x1  }
0x2c: {  	_ =	swait.ge [sflag:s10], $0x500  }
0x2d: {  	[sflag:s10] =	ssyncset.done $0x0;
	s3 =	sadd.s32 $0x1, s3  }
0x2e: {  	[sflag:s10] =	ssyncadd.s32 $0xFFFFFB00;
	p0 =	sne.s32 s3, s8  }
.Ltmp3:
0x2f: {  	[bflag:$0x0] =	sbarrier.arrive $0xFFFF;
	(pc) =	sbr.rel @p0 .LBB2_1-.Ltmp3, $4  }
0x30: {  	[hbm:s7], [sflag:s14] =	dma.local [spmem:s15], $0x500  }
0x31: {  	_ =	swait.ge [sflag:s10], $0x500  }
0x32: {  	[sflag:s10] =	ssyncset.done $0x0  }
0x33: {  	[sflag:s10] =	ssyncadd.s32 $0xFFFFFB00  }
0x34: {  	_ =	sfence.sel $0x180000  }
0x35: {  	[bflag:$0x0] =	sbarrier.arrive $0xFFFF  }
0x36: {  	p0 =	sne.s32 s0, $0x0;
	_ =	strace $0x90000047  }
0x37: {  	s0 =	sadd.s32 @!p0 $0x100000, s1;
	[bflag:$0x2] =	sbarrier.arrive $0xFFFF  }
0x38: {  	[sflag:s0] =	ssyncadd.tile.s32 @!p0 $0x1;
	_ =	shalt  }
.Lfunc_end2:
_tile_overlayer_lowered:
.L_overlay_start_2:
0x39: {  	(tag) =	ssettag $0x2  }
0x3a: {  	s0 =	rddreg [dreg:$0x0];
	s2 =	stileid.u32  }
0x3b: {  	s1 =	rddreg [dreg:$0x1];
	p0 =	sne.s32 s2, $0x0  }
0x3c: {  	s3 =	rddreg [dreg:$0x2];
	[bflag:$0x3] =	sbarrier.arrive $0xFFFF;
	s2 =	simm.s32 @!p0 $0x1C01  }
0x3d: {  	[timem:s3], [sflag:s2] =	dma.local @!p0 [hbm:s0], s1  }
0x3e: {  	s0 =	simm.s32 @!p0 $0x1  }
0x3f: {  	_ =	swait.ge @!p0 [sflag:s0], s1  }
0x40: {  	s1 =	ssub.s32 @!p0 $0x0, s1;
	[sflag:s0] =	ssyncset.done @!p0 $0x0  }
0x41: {  	[sflag:s0] =	ssyncadd.s32 @!p0 s1  }
0x42: {  	[bflag:$0x3] =	sbarrier.arrive $0xFFFF  }
0x43: {  	_ =	shalt  }

// kernel: kernel.13.cloned.1.call-start
scs
__scs_entry_jumppad:
0x0: {  	(pc) =	sbr.rel $0x88, $3  }
0x1: {  	(tag) =	ssettag $0x0;
	lr =	simm.s32 $0x1  }
0x2: {  	[smem:$0x3F99] =	sst lr;
	_ =	strace $0xD0000000  }
0x3: {  	_ = 	snop  }
0x4: {  	_ = 	snop  }
0x5: {  	_ = 	snop  }
0x6: {  	_ = 	snop  }
0x7: {  	_ = 	snop  }
__scs_overlays_trampoline_lowered:
0x8: {  	[smem:$0x3FA8] =	sst s0  }
0x9: {  	[smem:$0x3FA9] =	sst s1  }
0xa: {  	[smem:$0x3FAA] =	sst s2  }
0xb: {  	[smem:$0x3FAB] =	sst s3  }
0xc: {  	[smem:$0x3FAC] =	sst s4  }
0xd: {  	[smem:$0x3FAD] =	sst s5  }
0xe: {  	[smem:$0x3FAE] =	sst s6  }
0xf: {  	[smem:$0x3FAF] =	sst s7  }
0x10: {  	[smem:$0x3FB0] =	sst s8  }
0x11: {  	[smem:$0x3FB1] =	sst s9;
	s0 =	simm.s32 @!p0 $0x0  }
0x12: {  	s1 =	sld [smem:$0x3F97];
	s0 =	simm.s32 @p0 $0x1  }
0x13: {  	[smem:$0x3FB2] =	sst s0;
	s0 =	simm.s32 @!p1 $0x0  }
0x14: {  	s2 =	sld [smem:$0x3F96];
	s0 =	simm.s32 @p1 $0x1  }
0x15: {  	[smem:$0x3FB3] =	sst s0;
	s0 =	simm.s32 @!p2 $0x0  }
0x16: {  	s3 =	sld [smem:$0x3FDB];
	s0 =	simm.s32 @p2 $0x1  }
0x17: {  	s4 =	simm.s32 $0x1BF5;
	[smem:$0x3FB5] =	sst s0  }
0x18: {  	s0 =	sld [smem:$0x3F98];
	_ =	swait.ge [sflag:s4], $0x0  }
0x19: {  	s7 =	sld [smem:$0x3F99]  }
0x1a: {  	s8 =	sadd.s32 $0xFFFFE003, lr  }
0x1b: {  	s9 =	sadd.s32 $0xFFFFFEF7, lr;
	s5 =	simm.s32 $0xFFFFFFFF;
	p2 =	slt.u32 s8, $0xFFFFF086  }
0x1c: {  	p1 =	slt.u32 s9, $0xF7A;
	s5 =	simm.s32 @!p2 $0x0  }
0x1d: {  	s5 =	simm.s32 @p1 $0x1;
	p0 =	seq.s32 s7, s2  }
0x1e: {  	s7 =	smul.u32 @!p0 $0xF7A, s2;
	p2 =	seq.s32 @!p0 s5, $0x0  }
0x1f: {  	s9 =	smul.u32 $0xF7A, s1;
	s8 =	simm.s32 @!p0 $0x1BF5;
	p2 =	por !p2, p0  }
0x20: {  	[sflag:s8] =	ssyncset.s32 @!p0 $0xFFFFF086;
	s6 =	sadd.s32 @!p0 s3, s7;
	s7 =	simm.s32 @!p0 $0x108  }
0x21: {  	s3 =	sadd.s32 s3, s9;
	s6 =	sadd.s32 @!p0 $0x88, s6;
	s7 =	simm.s32 @p2 $0x1082  }
0x22: {  	[simem:s7], [sflag:s8] =	dma.local @!p0 [hbm:s6], $0xF7A  }
0x23: {  	s9 =	sor.u32 $0xD0000000, s2;
	s6 =	simm.s32 $0x108;
	_ =	swait.ge @!p0 [sflag:s8], $0x0  }
0x24: {  	s3 =	sadd.s32 $0x88, s3;
	s6 =	simm.s32 @!p1 $0x1082;
	[sflag:s4] =	ssyncset.s32 $0xFFFFF086  }
0x25: {  	[simem:s6], [sflag:s4] =	dma.local [hbm:s3], $0xF7A  }
0x26: {  	[smem:$0x3F99] =	sst s1;
	(tag) =	ssettag s2;
	_ =	strace s9  }
0x27: {  	s1 =	sld [smem:$0x3FA9]  }
0x28: {  	s2 =	sld [smem:$0x3FAA]  }
0x29: {  	s4 =	sld [smem:$0x3FAC]  }
0x2a: {  	p0 =	seq.s32 s5, $0x0;
	s5 =	sld [smem:$0x3FAD]  }
0x2b: {  	s6 =	sld [smem:$0x3FAE]  }
0x2c: {  	s7 =	sld [smem:$0x3FAF]  }
0x2d: {  	s3 =	simm.s32 $0x108;
	s8 =	sld [smem:$0x3FB0]  }
0x2e: {  	s3 =	simm.s32 @!p0 $0x1082;
	s9 =	sld [smem:$0x3FB1]  }
0x2f: {  	lr =	sadd.s32 s0, s3;
	s0 =	sld [smem:$0x3FA8]  }
0x30: {  	s3 =	sld [smem:$0x3FAB]  }
0x31: {  	[smem:$0x3FB4] =	sst s10  }
0x32: {  	s10 =	sld [smem:$0x3FB2];
	_ =	sdelay $0x3  }
0x33: {  	p0 =	seq.s32 s10, $0x1;
	s10 =	sld [smem:$0x3FB4];
	_ =	sdelay $0x3  }
0x34: {  	[smem:$0x3FB4] =	sst s10  }
0x35: {  	s10 =	sld [smem:$0x3FB3];
	_ =	sdelay $0x3  }
0x36: {  	p1 =	seq.s32 s10, $0x1;
	s10 =	sld [smem:$0x3FB4];
	_ =	sdelay $0x3  }
0x37: {  	[smem:$0x3FB4] =	sst s10  }
0x38: {  	s10 =	sld [smem:$0x3FB5]  }
0x39: {  	_ = 	snop;
	(pc) =	sbr.ind lr, $3  }
0x3a: {  	_ = 	snop  }
0x3b: {  	_ = 	snop  }
0x3c: {  	p2 =	seq.s32 s10, $0x1;
	s10 =	sld [smem:$0x3FB4]  }
0x3d: {  	_ =	shalt  }
0x3e: {  	_ =	shalt  }
0x3f: {  	_ =	shalt  }
0x40: {  	_ =	shalt  }
0x41: {  	_ =	shalt  }
0x42: {  	_ =	shalt  }
0x43: {  	_ =	shalt  }
0x44: {  	_ =	shalt  }
0x45: {  	_ =	shalt  }
0x46: {  	_ =	shalt  }
0x47: {  	_ =	shalt  }
0x48: {  	_ =	shalt  }
0x49: {  	_ =	shalt  }
0x4a: {  	_ =	shalt  }
0x4b: {  	_ =	shalt  }
0x4c: {  	_ =	shalt  }
0x4d: {  	_ =	shalt  }
0x4e: {  	_ =	shalt  }
0x4f: {  	_ =	shalt  }
0x50: {  	_ =	shalt  }
0x51: {  	_ =	shalt  }
0x52: {  	_ =	shalt  }
0x53: {  	_ =	shalt  }
0x54: {  	_ =	shalt  }
0x55: {  	_ =	shalt  }
0x56: {  	_ =	shalt  }
0x57: {  	_ =	shalt  }
0x58: {  	_ =	shalt  }
0x59: {  	_ =	shalt  }
0x5a: {  	_ =	shalt  }
0x5b: {  	_ =	shalt  }
0x5c: {  	_ =	shalt  }
0x5d: {  	_ =	shalt  }
0x5e: {  	_ =	shalt  }
0x5f: {  	_ =	shalt  }
0x60: {  	_ =	shalt  }
0x61: {  	_ =	shalt  }
0x62: {  	_ =	shalt  }
0x63: {  	_ =	shalt  }
0x64: {  	_ =	shalt  }
0x65: {  	_ =	shalt  }
0x66: {  	_ =	shalt  }
0x67: {  	_ =	shalt  }
0x68: {  	_ =	shalt  }
0x69: {  	_ =	shalt  }
0x6a: {  	_ =	shalt  }
0x6b: {  	_ =	shalt  }
0x6c: {  	_ =	shalt  }
0x6d: {  	_ =	shalt  }
0x6e: {  	_ =	shalt  }
0x6f: {  	_ =	shalt  }
0x70: {  	_ =	shalt  }
0x71: {  	_ =	shalt  }
0x72: {  	_ =	shalt  }
0x73: {  	_ =	shalt  }
0x74: {  	_ =	shalt  }
0x75: {  	_ =	shalt  }
0x76: {  	_ =	shalt  }
0x77: {  	_ =	shalt  }
0x78: {  	_ =	shalt  }
0x79: {  	_ =	shalt  }
0x7a: {  	_ =	shalt  }
0x7b: {  	_ =	shalt  }
0x7c: {  	_ =	shalt  }
0x7d: {  	_ =	shalt  }
0x7e: {  	_ =	shalt  }
0x7f: {  	_ =	shalt  }
0x80: {  	_ =	shalt  }
0x81: {  	_ =	shalt  }
0x82: {  	_ =	shalt  }
0x83: {  	_ =	shalt  }
0x84: {  	_ =	shalt  }
0x85: {  	_ =	shalt  }
0x86: {  	_ =	shalt  }
0x87: {  	_ =	shalt  }
.Lfunc_end0:
.L_simem_size_0:
called_computation.1_lowered:
.L_overlay_start_0:
0x88: {  	s2 =	sld [smem:$0x3FD9]  }
0x89: {  	s3 =	sld [smem:$0x3FFE];
	_ =	sdelay $0x1  }
0x8a: {  	s1 =	srdreg.scid  }
0x8b: {  	s0 =	sand.u32 $0x1, s1  }
0x8c: {  	s16 =	sshll.u32 s0, $0xA;
	s2 =	sadd.s32 s3, s2  }
0x8d: {  	s2 =	sadd.s32 s2, s16  }
0x8e: {  	[smem:$0x3FC0] =	sst s2  }
0x8f: {  	_ = 	snop  }
0x90: {  	(tm) =	ssettm $0x1  }
0x91: {  	s17 =	sld [smem:$0x3FFB];
	_ =	sdelay $0x3  }
0x92: {  	_ =	strace s17  }
0x93: {  	s2 =	sld [smem:$0x3FFC];
	_ =	sdelay $0x3  }
0x94: {  	_ =	strace s2  }
0x95: {  	s2 =	sld [smem:$0x3FFD];
	_ =	sdelay $0x3  }
0x96: {  	_ =	strace s2  }
0x97: {  	_ =	strace $0x8FFFFFFF  }
0x98: {  	s18 =	sld [smem:$0x3FDB];
	_ =	sdelay $0x1  }
0x99: {  	s19 =	simm.s32 $_scs_section_size  }
0x9a: {  	s4 =	simm.s32 $_size__tile_overlayer_lowered;
	s5 =	simm.s32 $_tile_overlayer_lowered  }
0x9b: {  	s22 =	simm.s32 $0x1BFF;
	s21 =	sshll.u32 s5, $0x1;
	s2 =	sadd.s32 s19, s18  }
0x9c: {  	s6 =	simm.s32 $0x0;
	s20 =	sshll.u32 s4, $0x1;
	s4 =	sadd.s32 s21, s2  }
0x9d: {  	[timem:s6], [sflag:s22] =	dma.local [hbm:s4], s20  }
0x9e: {  	_ =	swait.ge [sflag:s22], s20  }
0x9f: {  	s3 =	ssub.s32 $0x0, s20;
	[sflag:s22] =	ssyncset.done $0x0  }
0xa0: {  	[sflag:s22] =	ssyncadd.s32 s3;
	_ =	sdelay $0x1  }
0xa1: {  	s23 =	simm.s32 $0x1B8B  }
0xa2: {  	_ =	swait.ge [sflag:s23], $0x1  }
0xa3: {  	[sflag:s23] =	ssyncset.done $0x0  }
0xa4: {  	s25 =	simm.s32 $0x1B8E;
	s24 =	sld [smem:$0x3FFE];
	[sflag:s23] =	ssyncadd.s32 $0xFFFFFFFF  }
0xa5: {  	s26 =	simm.s32 $execute0_lowered;
	[smem:$0x3FD2] =	sst s25  }
0xa6: {  	s4 =	sshll.u32 s26, $0x1;
	_ =	strace $0x80000049;
	[dreg:$0x1] =	wrdreg $0xFFFFFFFF  }
0xa7: {  	s28 =	simm.s32 $_size_execute0_lowered;
	s2 =	sadd.s32 s2, s4;
	[dreg:$0x0] =	wrdreg $0x0  }
0xa8: {  	s4 =	sshll.u32 s28, $0x1;
	[dreg:$0x2] =	wrdreg s2  }
0xa9: {  	[dreg:$0x3] =	wrdreg s4  }
0xaa: {  	[dreg:$0x4] =	wrdreg $0xC0  }
0xab: {  	_ =	task [dreg:s6], $0x5FFFF  }
0xac: {  	[dreg:$0x1] =	wrdreg $0xFFFFFFFF  }
0xad: {  	[dreg:$0x0] =	wrdreg $0x60  }
0xae: {  	[dreg:$0x2] =	wrdreg s24  }
0xaf: {  	[dreg:$0x3] =	wrdreg $0x12C000  }
0xb0: {  	[dreg:$0x4] =	wrdreg $0x9  }
0xb1: {  	_ =	task.clear_ibuf [dreg:s6], $0x5FFFF;
	_ =	strace $0x90000049  }
0xb2: {  	s29 =	simm.s32 $0x9;
	_ =	strace $0x8000004B  }
0xb3: {  	_ =	swait.ge [sflag:s29], $0x1  }
0xb4: {  	[sflag:s29] =	ssyncadd.s32 $0xFFFFFFFF  }
0xb5: {  	_ =	strace $0x9000004B  }
0xb6: {  	_ =	sfence  }
0xb7: {  	s30 =	sld [smem:$0x0];
	_ =	sdelay $0x2  }
0xb8: {  	s31 =	sshll.u32 s1, $0xD;
	s1 =	sshrl.u32 s1, $0x2  }
0xb9: {  	s3 =	sand.u32 $0x4000, s31;
	s1 =	sadd.s32 s1, s30  }
0xba: {  	s0 =	sor.u32 s3, s0;
	s1 =	sshll.u32 s1, $0x11  }
0xbb: {  	s0 =	sor.u32 s1, s0  }
0xbc: {  	s0 =	sadd.s32 $0x8F2B, s0  }
0xbd: {  	[sflag:s0] =	ssyncadd.remote.s32 $0x1  }
0xbe: {  	_ =	sfence.sel $0xFFFF  }
0xbf: {  	[dreg:$0x0] =	wrdreg $0xFFFFFFFF;
	(pc) =	sbr.abs _section_cstart, $3  }
0xc0: {  	[dreg:$0x1] =	wrdreg $0xFFFFFFFF  }
0xc1: {  	_ =	task.clear_ibuf [dreg:s6], $0x2FFFF;
	_ =	strace $0x9FFFFFFF  }
0xc2: {  	(tm) =	ssettm $0x7FFFFFFF  }
0xc3: {  	_ =	shalt  }
tec
execute0_lowered:
.L_overlay_start_1:
0x0: {  	(tag) =	ssettag $0x1  }
0x1: {  	s5 =	rddreg [dreg:$0x0]  }
0x2: {  	s2 =	rddreg [dreg:$0x1]  }
0x3: {  	s1 =	stileid.u32;
	s0 =	rddreg [dreg:$0x2];
	s3 =	simm.s32 $0x0  }
0x4: {  	s6 =	srdreg.scid;
	s12 =	simm.s32 $0x3200;
	s13 =	simm.s32 $0x50  }
0x5: {  	s14 =	simm.s32 $0x6400;
	s15 =	simm.s32 $0x1;
	s16 =	simm.s32 $0x7800  }
0x6: {  	s17 =	simm.s32 $0x2;
	s18 =	simm.s32 $0x31B0;
	s4 =	smul.u32 $0xA0, s1  }
0x7: {  	s19 =	simm.s32 $0x6360;
	s20 =	simm.s32 $0x63B0;
	s7 =	smul.u32 $0x5C, s1  }
0x8: {  	s21 =	simm.s32 $0x0;
	s10 =	sand.u32 $0x1, s6;
	s31 =	smul.u32 $0xA000, s1  }
0x9: {  	[smem:$0x7FF] =	sst s3;
	p0 =	seq.s32 s10, $0x0;
	s8 =	smul.u32 $0xA0000, s10  }
0xa: {  	_ =	strace $0x8000004A;
	s9 =	ssub.s32 $0x2, s10;
	s7 =	sadd.s32 $0xA00, s7  }
0xb: {  	s11 =	sshrl.u32 s9, $0x1;
	s7 =	smov.u32 @p0 s4;
	s8 =	sadd.s32 s31, s8  }
.Ltmp0:
0xc: {  	s4 =	sadd.s32 $0x16600, s5;
	s9 =	ssub.s32 s9, s11;
	(pc) =	sbr.rel .LBB2_1-.Ltmp0, $4  }
0xd: {  	p0 =	sne.s32 s10, $0x0;
	s10 =	simm.s32 $0x8C00;
	s7 =	smul.u32 $0xA, s7  }
0xe: {  	s11 =	simm.s32 $0x3;
	s8 =	sshrl.u32 s8, $0x3;
	s9 =	smax.u32 s9, $0x1  }
0xf: {  	s8 =	sadd.s32 s8, s5;
	s7 =	sadd.s32 s7, s5;
	s5 =	sadd.s32 s31, s2  }
0x10: {  	v0 =	vimm.f32 $0.0e+00;
	s8 =	sadd.s32 $0x2A000, s8;
	s6 =	sadd.s32 $0xC200, s7;
	s7 =	sadd.s32 $0x1E00, s7  }
.LBB2_9:
0x11: {  	s22 =	sshra.s32 s22, $0x2;
	[sflag:s11] =	ssyncadd.s32 $0xFFFFEC00  }
0x12: {  	[tilespmem:s14], [sflag:$0x1] =	stream.indirect.gather [hbm4b:s4+s13], $0x40, s22, s13, $0xb8;
	[tilespmem:$0x1CC00] =	vst v63  }
0x13: {  	_ =	swait.ge [sflag:s15], $0x1400  }
0x14: {  	[sflag:s15] =	ssyncset.done $0x0  }
0x15: {  	s22 =	sadd.s32 $0x3200, s22;
	[sflag:s15] =	ssyncadd.s32 $0xFFFFEC00  }
0x16: {  	[spmem:s2] =	stream.indirect.scatter.add.f32 [tilespmem:s14], [sflag:$0x3], $0x40, s22, s13, $0xb8;
	[tilespmem:$0x1CC00] =	vst v63  }
0x17: {  	_ =	swait.ge [sflag:s11], $0x1400  }
0x18: {  	[sflag:s11] =	ssyncset.done $0x0  }
0x19: {  	[sflag:s11] =	ssyncadd.s32 $0xFFFFEC00  }
.LBB2_10:
0x1a: {  	s21 =	sadd.s32 $0x1, s21  }
0x1b: {  	s22 =	sshll.u32 s1, $0x6;
	[bflag:$0x0] =	sbarrier.arrive $0xFFFF;
	p1 =	sne.s32 s21, s9  }
.Ltmp1:
0x1c: {  	s23 =	sshrl.u32 s5, $0x3;
	s22 =	sor.u32 $0x1C03, s22;
	(pc) =	sbr.rel @!p1 .LBB2_11-.Ltmp1, $4  }
0x1d: {  	[hbm:s8], [sflag:s22] =	dma.local [spmem:s23], $0x1400  }
0x1e: {  	_ =	swait.ge [sflag:s11], $0x1400  }
0x1f: {  	[sflag:s11] =	ssyncset.done $0x0  }
0x20: {  	[sflag:s11] =	ssyncadd.s32 $0xFFFFEC00  }
.LBB2_1:
0x21: {  	s23 =	simm.s32 $0x100;
	s22 =	simm.s32 $0x0  }
.LBB2_2:
0x22: {  	p1 =	sne.s32 s23, $0x27F00;
	[tilespmem:s22+$0x8C30] =	vst v0;
	s24 =	smov.u32 s23;
	s23 =	sadd.s32 $0x100, s23  }
.Ltmp2:
0x23: {  	[tilespmem:s22+$0x8C20] =	vst v0;
	(pc) =	sbr.rel @p1 .LBB2_2-.Ltmp2, $3  }
0x24: {  	[tilespmem:s22+$0x8C00] =	vst v0  }
0x25: {  	[tilespmem:s22+$0x8C10] =	vst v0;
	_ =	sdelay $0x1  }
0x26: {  	s22 =	sshra.s32 s24, $0x2  }
0x27: {  	[tilespmem:s22+$0x8C30] =	vst v0  }
0x28: {  	[tilespmem:s22+$0x8C20] =	vst v0  }
0x29: {  	[tilespmem:s22+$0x8C00] =	vst v0  }
0x2a: {  	[tilespmem:s22+$0x8C10] =	vst v0  }
0x2b: {  	[spmem:s5] =	stream.linear.scatter [tilespmem:s10], [sflag:$0x3], $0xA000, $0x38;
	[tilespmem:$0x1CC00] =	vst v63  }
0x2c: {  	_ =	swait.ge [sflag:s11], $0xA000  }
0x2d: {  	[sflag:s11] =	ssyncset.done $0x0  }
0x2e: {  	s22 =	simm.s32 $0x0;
	[sflag:s11] =	ssyncadd.s32 $0xFFFF6000  }
0x2f: {  	[tilespmem:s22], [sflag:$0x3] =	stream.linear.gather [hbm4b:s6+s22], $0x3200, $0x38;
	[tilespmem:$0x1CC00] =	vst v63  }
0x30: {  	_ =	swait.ge [sflag:s11], $0x3200  }
0x31: {  	[sflag:s11] =	ssyncset.done $0x0  }
0x32: {  	[sflag:s11] =	ssyncadd.s32 $0xFFFFCE00  }
0x33: {  	[tilespmem:s12], [sflag:$0x3] =	stream.linear.gather [hbm4b:s7+s22], $0x3200, $0x38;
	[tilespmem:$0x1CC00] =	vst v63  }
.Ltmp3:
0x34: {  	_ =	swait.ge [sflag:s11], $0x3200;
	(pc) =	sbr.rel @p0 .LBB2_7-.Ltmp3, $3  }
0x35: {  	[sflag:s11] =	ssyncset.done $0x0  }
0x36: {  	[sflag:s11] =	ssyncadd.s32 $0xFFFFCE00  }
0x37: {  	[bflag:$0x0] =	sbarrier.arrive $0xFFFF;
	_ =	sdelay $0x1  }
0x38: {  	[tilespmem:s14], [sflag:$0x1] =	stream.indirect.gather [hbm4b:s4+s13], $0x40, s22, s13, $0xb8;
	[tilespmem:$0x1CC00] =	vst v63  }
0x39: {  	_ =	swait.ge [sflag:s15], $0x1400  }
0x3a: {  	[sflag:s15] =	ssyncset.done $0x0  }
0x3b: {  	s28 =	simm.s32 $0x50;
	[sflag:s15] =	ssyncadd.s32 $0xFFFFEC00  }
0x3c: {  	[tilespmem:s16], [sflag:$0x2] =	stream.indirect.gather [hbm4b:s4+s13], $0x40, s28, s13, $0xb8;
	[tilespmem:$0x1CC00] =	vst v63  }
0x3d: {  	s29 =	simm.s32 $0x3200  }
0x3e: {  	[spmem:s2] =	stream.indirect.scatter.add.f32 [tilespmem:s14], [sflag:$0x3], $0x40, s29, s13, $0xb8;
	[tilespmem:$0x1CC00] =	vst v63  }
0x3f: {  	_ =	swait.ge [sflag:s11], $0x1400  }
0x40: {  	[sflag:s11] =	ssyncset.done $0x0  }
0x41: {  	s30 =	simm.s32 $0xA0;
	[sflag:s11] =	ssyncadd.s32 $0xFFFFEC00  }
0x42: {  	[tilespmem:s14], [sflag:$0x1] =	stream.indirect.gather [hbm4b:s4+s13], $0x40, s30, s13, $0xb8;
	[tilespmem:$0x1CC00] =	vst v63  }
0x43: {  	_ =	swait.ge [sflag:s17], $0x1400  }
0x44: {  	[sflag:s17] =	ssyncset.done $0x0  }
0x45: {  	s31 =	simm.s32 $0x3250;
	[sflag:s17] =	ssyncadd.s32 $0xFFFFEC00  }
0x46: {  	[spmem:s2] =	stream.indirect.scatter.add.f32 [tilespmem:s16], [sflag:$0x3], $0x40, s31, s13, $0xb8;
	[tilespmem:$0x1CC00] =	vst v63  }
0x47: {  	_ =	swait.ge [sflag:s11], $0x1400  }
0x48: {  	s22 =	simm.s32 $0x280;
	[sflag:s11] =	ssyncset.done $0x0  }
.LBB2_5:
0x49: {  	p1 =	sne.s32 s22, $0xC300  }
0x4a: {  	[sflag:s11] =	ssyncadd.s32 $0xFFFFEC00;
	s23 =	smov.u32 s22;
	s22 =	sadd.s32 $0x280, s22  }
0x4b: {  	_ =	swait.ge [sflag:s15], $0x1400  }
0x4c: {  	s23 =	sshra.s32 s23, $0x2;
	[sflag:s15] =	ssyncset.done $0x0  }
0x4d: {  	s24 =	sadd.s32 $0x50, s23;
	[sflag:s15] =	ssyncadd.s32 $0xFFFFEC00  }
0x4e: {  	[tilespmem:s16], [sflag:$0x2] =	stream.indirect.gather [hbm4b:s4+s13], $0x40, s24, s13, $0xb8;
	[tilespmem:$0x1CC00] =	vst v63  }
0x4f: {  	s24 =	sadd.s32 $0x3200, s23  }
0x50: {  	[spmem:s2] =	stream.indirect.scatter.add.f32 [tilespmem:s14], [sflag:$0x3], $0x40, s24, s13, $0xb8;
	[tilespmem:$0x1CC00] =	vst v63  }
0x51: {  	_ =	swait.ge [sflag:s11], $0x1400  }
0x52: {  	[sflag:s11] =	ssyncset.done $0x0  }
0x53: {  	s24 =	sadd.s32 $0xA0, s23;
	[sflag:s11] =	ssyncadd.s32 $0xFFFFEC00  }
0x54: {  	[tilespmem:s14], [sflag:$0x1] =	stream.indirect.gather [hbm4b:s4+s13], $0x40, s24, s13, $0xb8;
	[tilespmem:$0x1CC00] =	vst v63  }
0x55: {  	_ =	swait.ge [sflag:s17], $0x1400  }
.Ltmp4:
0x56: {  	[sflag:s17] =	ssyncset.done $0x0;
	(pc) =	sbr.rel @p1 .LBB2_5-.Ltmp4, $4  }
0x57: {  	s23 =	sadd.s32 $0x3250, s23;
	[sflag:s17] =	ssyncadd.s32 $0xFFFFEC00  }
0x58: {  	[spmem:s2] =	stream.indirect.scatter.add.f32 [tilespmem:s16], [sflag:$0x3], $0x40, s23, s13, $0xb8;
	[tilespmem:$0x1CC00] =	vst v63  }
0x59: {  	_ =	swait.ge [sflag:s11], $0x1400  }
0x5a: {  	[sflag:s11] =	ssyncset.done $0x0  }
0x5b: {  	[sflag:s11] =	ssyncadd.s32 $0xFFFFEC00  }
0x5c: {  	_ =	swait.ge [sflag:s15], $0x1400  }
0x5d: {  	[sflag:s15] =	ssyncset.done $0x0  }
0x5e: {  	[sflag:s15] =	ssyncadd.s32 $0xFFFFEC00  }
0x5f: {  	[tilespmem:s16], [sflag:$0x2] =	stream.indirect.gather [hbm4b:s4+s13], $0x40, s18, s13, $0xb8;
	[tilespmem:$0x1CC00] =	vst v63  }
0x60: {  	_ = 	snop  }
0x61: {  	[spmem:s2] =	stream.indirect.scatter.add.f32 [tilespmem:s14], [sflag:$0x3], $0x40, s19, s13, $0xb8;
	[tilespmem:$0x1CC00] =	vst v63  }
0x62: {  	_ =	swait.ge [sflag:s11], $0x1400  }
0x63: {  	[sflag:s11] =	ssyncset.done $0x0  }
0x64: {  	[sflag:s11] =	ssyncadd.s32 $0xFFFFEC00  }
0x65: {  	[tilespmem:s14], [sflag:$0x1] =	stream.indirect.gather [hbm4b:s4+s13], $0x40, s3, s13, $0xb8;
	[tilespmem:$0x1CC00] =	vst v63  }
0x66: {  	_ =	swait.ge [sflag:s17], $0x1400  }
0x67: {  	[sflag:s17] =	ssyncset.done $0x0  }
0x68: {  	[sflag:s17] =	ssyncadd.s32 $0xFFFFEC00  }
0x69: {  	[spmem:s2] =	stream.indirect.scatter.add.f32 [tilespmem:s16], [sflag:$0x3], $0x40, s20, s13, $0xb8;
	[tilespmem:$0x1CC00] =	vst v63  }
0x6a: {  	_ =	swait.ge [sflag:s11], $0x1400  }
.Ltmp5:
0x6b: {  	[sflag:s11] =	ssyncset.done $0x0;
	(pc) =	sbr.rel .LBB2_10-.Ltmp5, $4  }
0x6c: {  	[sflag:s11] =	ssyncadd.s32 $0xFFFFEC00  }
0x6d: {  	_ =	swait.ge [sflag:s15], $0x1400  }
0x6e: {  	[sflag:s15] =	ssyncset.done $0x0  }
0x6f: {  	[sflag:s15] =	ssyncadd.s32 $0xFFFFEC00  }
.LBB2_7:
0x70: {  	s22 =	simm.s32 $0x0  }
0x71: {  	[tilespmem:s14], [sflag:$0x1] =	stream.indirect.gather [hbm4b:s4+s13], $0x40, s22, s13, $0xb8;
	[tilespmem:$0x1CC00] =	vst v63  }
0x72: {  	_ =	swait.ge [sflag:s15], $0x1400  }
0x73: {  	[sflag:s15] =	ssyncset.done $0x0  }
0x74: {  	s31 =	simm.s32 $0x3200;
	[sflag:s15] =	ssyncadd.s32 $0xFFFFEC00  }
0x75: {  	[spmem:s2] =	stream.indirect.scatter.add.f32 [tilespmem:s14], [sflag:$0x3], $0x40, s31, s13, $0xb8;
	[tilespmem:$0x1CC00] =	vst v63  }
0x76: {  	_ =	swait.ge [sflag:s11], $0x1400  }
0x77: {  	s23 =	simm.s32 $0x280;
	s22 =	simm.s32 $0x140;
	[sflag:s11] =	ssyncset.done $0x0  }
.LBB2_8:
0x78: {  	s24 =	sshra.s32 s22, $0x2  }
0x79: {  	[sflag:s11] =	ssyncadd.s32 $0xFFFFEC00;
	s22 =	smov.u32 s23;
	s25 =	sadd.s32 $0x140, s23  }
0x7a: {  	[tilespmem:s14], [sflag:$0x1] =	stream.indirect.gather [hbm4b:s4+s13], $0x40, s24, s13, $0xb8;
	[tilespmem:$0x1CC00] =	vst v63  }
0x7b: {  	p1 =	sne.s32 s23, $0x71C0;
	_ =	swait.ge [sflag:s15], $0x1400  }
.Ltmp6:
0x7c: {  	[sflag:s15] =	ssyncset.done $0x0;
	(pc) =	sbr.rel @p1 .LBB2_8-.Ltmp6, $4  }
0x7d: {  	s23 =	sadd.s32 $0x3200, s24;
	[sflag:s15] =	ssyncadd.s32 $0xFFFFEC00  }
0x7e: {  	[spmem:s2] =	stream.indirect.scatter.add.f32 [tilespmem:s14], [sflag:$0x3], $0x40, s23, s13, $0xb8;
	[tilespmem:$0x1CC00] =	vst v63  }
0x7f: {  	_ =	swait.ge [sflag:s11], $0x1400  }
0x80: {  	s23 =	smov.u32 s25;
	[sflag:s11] =	ssyncset.done $0x0  }
.Ltmp7:
0x81: {  	_ = 	snop;
	(pc) =	sbr.rel .LBB2_9-.Ltmp7, $1  }
0x82: {  	_ =	sdelay $0x3  }
.LBB2_11:
0x83: {  	_ =	sfence.sel $0x180000  }
0x84: {  	[bflag:$0x0] =	sbarrier.arrive $0xFFFF  }
0x85: {  	p0 =	sne.s32 s1, $0x0;
	_ =	strace $0x9000004A  }
0x86: {  	s0 =	sadd.s32 @!p0 $0x100000, s0;
	[bflag:$0x2] =	sbarrier.arrive $0xFFFF  }
0x87: {  	[sflag:s0] =	ssyncadd.tile.s32 @!p0 $0x1;
	_ =	shalt  }
.Lfunc_end2:
_tile_overlayer_lowered:
.L_overlay_start_2:
0x88: {  	(tag) =	ssettag $0x2  }
0x89: {  	s0 =	rddreg [dreg:$0x0];
	s2 =	stileid.u32  }
0x8a: {  	s1 =	rddreg [dreg:$0x1];
	p0 =	sne.s32 s2, $0x0  }
0x8b: {  	s3 =	rddreg [dreg:$0x2];
	[bflag:$0x3] =	sbarrier.arrive $0xFFFF;
	s2 =	simm.s32 @!p0 $0x1C03  }
0x8c: {  	[timem:s3], [sflag:s2] =	dma.local @!p0 [hbm:s0], s1  }
0x8d: {  	s0 =	simm.s32 @!p0 $0x3  }
0x8e: {  	_ =	swait.ge @!p0 [sflag:s0], s1  }
0x8f: {  	s1 =	ssub.s32 @!p0 $0x0, s1;
	[sflag:s0] =	ssyncset.done @!p0 $0x0  }
0x90: {  	[sflag:s0] =	ssyncadd.s32 @!p0 s1  }
0x91: {  	[bflag:$0x3] =	sbarrier.arrive $0xFFFF  }
0x92: {  	_ =	shalt  }

// kernel: kernel.16.cloned.1.call-start
scs
__scs_entry_jumppad:
0x0: {  	(pc) =	sbr.rel $0x88, $3  }
0x1: {  	(tag) =	ssettag $0x0;
	lr =	simm.s32 $0x1  }
0x2: {  	[smem:$0x3F99] =	sst lr;
	_ =	strace $0xD0000000  }
0x3: {  	_ = 	snop  }
0x4: {  	_ = 	snop  }
0x5: {  	_ = 	snop  }
0x6: {  	_ = 	snop  }
0x7: {  	_ = 	snop  }
__scs_overlays_trampoline_lowered:
0x8: {  	[smem:$0x3FA8] =	sst s0  }
0x9: {  	[smem:$0x3FA9] =	sst s1  }
0xa: {  	[smem:$0x3FAA] =	sst s2  }
0xb: {  	[smem:$0x3FAB] =	sst s3  }
0xc: {  	[smem:$0x3FAC] =	sst s4  }
0xd: {  	[smem:$0x3FAD] =	sst s5  }
0xe: {  	[smem:$0x3FAE] =	sst s6  }
0xf: {  	[smem:$0x3FAF] =	sst s7  }
0x10: {  	[smem:$0x3FB0] =	sst s8  }
0x11: {  	[smem:$0x3FB1] =	sst s9;
	s0 =	simm.s32 @!p0 $0x0  }
0x12: {  	s1 =	sld [smem:$0x3F97];
	s0 =	simm.s32 @p0 $0x1  }
0x13: {  	[smem:$0x3FB2] =	sst s0;
	s0 =	simm.s32 @!p1 $0x0  }
0x14: {  	s2 =	sld [smem:$0x3F96];
	s0 =	simm.s32 @p1 $0x1  }
0x15: {  	[smem:$0x3FB3] =	sst s0;
	s0 =	simm.s32 @!p2 $0x0  }
0x16: {  	s3 =	sld [smem:$0x3FDB];
	s0 =	simm.s32 @p2 $0x1  }
0x17: {  	s4 =	simm.s32 $0x1BF5;
	[smem:$0x3FB5] =	sst s0  }
0x18: {  	s0 =	sld [smem:$0x3F98];
	_ =	swait.ge [sflag:s4], $0x0  }
0x19: {  	s7 =	sld [smem:$0x3F99]  }
0x1a: {  	s8 =	sadd.s32 $0xFFFFE003, lr  }
0x1b: {  	s9 =	sadd.s32 $0xFFFFFEF7, lr;
	s5 =	simm.s32 $0xFFFFFFFF;
	p2 =	slt.u32 s8, $0xFFFFF086  }
0x1c: {  	p1 =	slt.u32 s9, $0xF7A;
	s5 =	simm.s32 @!p2 $0x0  }
0x1d: {  	s5 =	simm.s32 @p1 $0x1;
	p0 =	seq.s32 s7, s2  }
0x1e: {  	s7 =	smul.u32 @!p0 $0xF7A, s2;
	p2 =	seq.s32 @!p0 s5, $0x0  }
0x1f: {  	s9 =	smul.u32 $0xF7A, s1;
	s8 =	simm.s32 @!p0 $0x1BF5;
	p2 =	por !p2, p0  }
0x20: {  	[sflag:s8] =	ssyncset.s32 @!p0 $0xFFFFF086;
	s6 =	sadd.s32 @!p0 s3, s7;
	s7 =	simm.s32 @!p0 $0x108  }
0x21: {  	s3 =	sadd.s32 s3, s9;
	s6 =	sadd.s32 @!p0 $0x88, s6;
	s7 =	simm.s32 @p2 $0x1082  }
0x22: {  	[simem:s7], [sflag:s8] =	dma.local @!p0 [hbm:s6], $0xF7A  }
0x23: {  	s9 =	sor.u32 $0xD0000000, s2;
	s6 =	simm.s32 $0x108;
	_ =	swait.ge @!p0 [sflag:s8], $0x0  }
0x24: {  	s3 =	sadd.s32 $0x88, s3;
	s6 =	simm.s32 @!p1 $0x1082;
	[sflag:s4] =	ssyncset.s32 $0xFFFFF086  }
0x25: {  	[simem:s6], [sflag:s4] =	dma.local [hbm:s3], $0xF7A  }
0x26: {  	[smem:$0x3F99] =	sst s1;
	(tag) =	ssettag s2;
	_ =	strace s9  }
0x27: {  	s1 =	sld [smem:$0x3FA9]  }
0x28: {  	s2 =	sld [smem:$0x3FAA]  }
0x29: {  	s4 =	sld [smem:$0x3FAC]  }
0x2a: {  	p0 =	seq.s32 s5, $0x0;
	s5 =	sld [smem:$0x3FAD]  }
0x2b: {  	s6 =	sld [smem:$0x3FAE]  }
0x2c: {  	s7 =	sld [smem:$0x3FAF]  }
0x2d: {  	s3 =	simm.s32 $0x108;
	s8 =	sld [smem:$0x3FB0]  }
0x2e: {  	s3 =	simm.s32 @!p0 $0x1082;
	s9 =	sld [smem:$0x3FB1]  }
0x2f: {  	lr =	sadd.s32 s0, s3;
	s0 =	sld [smem:$0x3FA8]  }
0x30: {  	s3 =	sld [smem:$0x3FAB]  }
0x31: {  	[smem:$0x3FB4] =	sst s10  }
0x32: {  	s10 =	sld [smem:$0x3FB2];
	_ =	sdelay $0x3  }
0x33: {  	p0 =	seq.s32 s10, $0x1;
	s10 =	sld [smem:$0x3FB4];
	_ =	sdelay $0x3  }
0x34: {  	[smem:$0x3FB4] =	sst s10  }
0x35: {  	s10 =	sld [smem:$0x3FB3];
	_ =	sdelay $0x3  }
0x36: {  	p1 =	seq.s32 s10, $0x1;
	s10 =	sld [smem:$0x3FB4];
	_ =	sdelay $0x3  }
0x37: {  	[smem:$0x3FB4] =	sst s10  }
0x38: {  	s10 =	sld [smem:$0x3FB5]  }
0x39: {  	_ = 	snop;
	(pc) =	sbr.ind lr, $3  }
0x3a: {  	_ = 	snop  }
0x3b: {  	_ = 	snop  }
0x3c: {  	p2 =	seq.s32 s10, $0x1;
	s10 =	sld [smem:$0x3FB4]  }
0x3d: {  	_ =	shalt  }
0x3e: {  	_ =	shalt  }
0x3f: {  	_ =	shalt  }
0x40: {  	_ =	shalt  }
0x41: {  	_ =	shalt  }
0x42: {  	_ =	shalt  }
0x43: {  	_ =	shalt  }
0x44: {  	_ =	shalt  }
0x45: {  	_ =	shalt  }
0x46: {  	_ =	shalt  }
0x47: {  	_ =	shalt  }
0x48: {  	_ =	shalt  }
0x49: {  	_ =	shalt  }
0x4a: {  	_ =	shalt  }
0x4b: {  	_ =	shalt  }
0x4c: {  	_ =	shalt  }
0x4d: {  	_ =	shalt  }
0x4e: {  	_ =	shalt  }
0x4f: {  	_ =	shalt  }
0x50: {  	_ =	shalt  }
0x51: {  	_ =	shalt  }
0x52: {  	_ =	shalt  }
0x53: {  	_ =	shalt  }
0x54: {  	_ =	shalt  }
0x55: {  	_ =	shalt  }
0x56: {  	_ =	shalt  }
0x57: {  	_ =	shalt  }
0x58: {  	_ =	shalt  }
0x59: {  	_ =	shalt  }
0x5a: {  	_ =	shalt  }
0x5b: {  	_ =	shalt  }
0x5c: {  	_ =	shalt  }
0x5d: {  	_ =	shalt  }
0x5e: {  	_ =	shalt  }
0x5f: {  	_ =	shalt  }
0x60: {  	_ =	shalt  }
0x61: {  	_ =	shalt  }
0x62: {  	_ =	shalt  }
0x63: {  	_ =	shalt  }
0x64: {  	_ =	shalt  }
0x65: {  	_ =	shalt  }
0x66: {  	_ =	shalt  }
0x67: {  	_ =	shalt  }
0x68: {  	_ =	shalt  }
0x69: {  	_ =	shalt  }
0x6a: {  	_ =	shalt  }
0x6b: {  	_ =	shalt  }
0x6c: {  	_ =	shalt  }
0x6d: {  	_ =	shalt  }
0x6e: {  	_ =	shalt  }
0x6f: {  	_ =	shalt  }
0x70: {  	_ =	shalt  }
0x71: {  	_ =	shalt  }
0x72: {  	_ =	shalt  }
0x73: {  	_ =	shalt  }
0x74: {  	_ =	shalt  }
0x75: {  	_ =	shalt  }
0x76: {  	_ =	shalt  }
0x77: {  	_ =	shalt  }
0x78: {  	_ =	shalt  }
0x79: {  	_ =	shalt  }
0x7a: {  	_ =	shalt  }
0x7b: {  	_ =	shalt  }
0x7c: {  	_ =	shalt  }
0x7d: {  	_ =	shalt  }
0x7e: {  	_ =	shalt  }
0x7f: {  	_ =	shalt  }
0x80: {  	_ =	shalt  }
0x81: {  	_ =	shalt  }
0x82: {  	_ =	shalt  }
0x83: {  	_ =	shalt  }
0x84: {  	_ =	shalt  }
0x85: {  	_ =	shalt  }
0x86: {  	_ =	shalt  }
0x87: {  	_ =	shalt  }
.Lfunc_end0:
.L_simem_size_0:
called_computation.2_lowered:
.L_overlay_start_0:
0x88: {  	s2 =	sld [smem:$0x3FD9]  }
0x89: {  	s3 =	sld [smem:$0x3FFE];
	_ =	sdelay $0x1  }
0x8a: {  	s1 =	srdreg.scid  }
0x8b: {  	s0 =	sand.u32 $0x1, s1  }
0x8c: {  	s16 =	sshll.u32 s0, $0xA;
	s2 =	sadd.s32 s3, s2  }
0x8d: {  	s2 =	sadd.s32 s2, s16  }
0x8e: {  	[smem:$0x3FC0] =	sst s2  }
0x8f: {  	_ = 	snop  }
0x90: {  	(tm) =	ssettm $0x1  }
0x91: {  	s17 =	sld [smem:$0x3FFB];
	_ =	sdelay $0x3  }
0x92: {  	_ =	strace s17  }
0x93: {  	s2 =	sld [smem:$0x3FFC];
	_ =	sdelay $0x3  }
0x94: {  	_ =	strace s2  }
0x95: {  	s2 =	sld [smem:$0x3FFD];
	_ =	sdelay $0x3  }
0x96: {  	_ =	strace s2  }
0x97: {  	_ =	strace $0x8FFFFFFF  }
0x98: {  	s18 =	sld [smem:$0x3FDB];
	_ =	sdelay $0x1  }
0x99: {  	s19 =	simm.s32 $_scs_section_size  }
0x9a: {  	s4 =	simm.s32 $_size__tile_overlayer_lowered;
	s5 =	simm.s32 $_tile_overlayer_lowered  }
0x9b: {  	s22 =	simm.s32 $0x1BFF;
	s21 =	sshll.u32 s5, $0x1;
	s2 =	sadd.s32 s19, s18  }
0x9c: {  	s6 =	simm.s32 $0x0;
	s20 =	sshll.u32 s4, $0x1;
	s4 =	sadd.s32 s21, s2  }
0x9d: {  	[timem:s6], [sflag:s22] =	dma.local [hbm:s4], s20  }
0x9e: {  	_ =	swait.ge [sflag:s22], s20  }
0x9f: {  	s3 =	ssub.s32 $0x0, s20;
	[sflag:s22] =	ssyncset.done $0x0  }
0xa0: {  	[sflag:s22] =	ssyncadd.s32 s3;
	_ =	sdelay $0x1  }
0xa1: {  	s23 =	simm.s32 $0x1B8B  }
0xa2: {  	_ =	swait.ge [sflag:s23], $0x1  }
0xa3: {  	[sflag:s23] =	ssyncset.done $0x0  }
0xa4: {  	s25 =	simm.s32 $0x1B8E;
	s24 =	sld [smem:$0x3FFE];
	[sflag:s23] =	ssyncadd.s32 $0xFFFFFFFF  }
0xa5: {  	s26 =	simm.s32 $execute0_lowered;
	[smem:$0x3FD2] =	sst s25  }
0xa6: {  	s4 =	sshll.u32 s26, $0x1;
	_ =	strace $0x8000004C;
	[dreg:$0x1] =	wrdreg $0xFFFFFFFF  }
0xa7: {  	s28 =	simm.s32 $_size_execute0_lowered;
	s2 =	sadd.s32 s2, s4;
	[dreg:$0x0] =	wrdreg $0x0  }
0xa8: {  	s4 =	sshll.u32 s28, $0x1;
	[dreg:$0x2] =	wrdreg s2  }
0xa9: {  	[dreg:$0x3] =	wrdreg s4  }
0xaa: {  	[dreg:$0x4] =	wrdreg $0xC0  }
0xab: {  	_ =	task [dreg:s6], $0x5FFFF  }
0xac: {  	[dreg:$0x1] =	wrdreg $0xFFFFFFFF  }
0xad: {  	[dreg:$0x0] =	wrdreg $0x60  }
0xae: {  	[dreg:$0x2] =	wrdreg s24  }
0xaf: {  	[dreg:$0x3] =	wrdreg $0x12C000  }
0xb0: {  	[dreg:$0x4] =	wrdreg $0x9  }
0xb1: {  	_ =	task.clear_ibuf [dreg:s6], $0x5FFFF;
	_ =	strace $0x9000004C  }
0xb2: {  	s29 =	simm.s32 $0x9;
	_ =	strace $0x8000004E  }
0xb3: {  	_ =	swait.ge [sflag:s29], $0x1  }
0xb4: {  	[sflag:s29] =	ssyncadd.s32 $0xFFFFFFFF  }
0xb5: {  	_ =	strace $0x9000004E  }
0xb6: {  	_ =	sfence  }
0xb7: {  	s30 =	sld [smem:$0x0];
	_ =	sdelay $0x2  }
0xb8: {  	s31 =	sshll.u32 s1, $0xD;
	s1 =	sshrl.u32 s1, $0x2  }
0xb9: {  	s3 =	sand.u32 $0x4000, s31;
	s1 =	sadd.s32 s1, s30  }
0xba: {  	s0 =	sor.u32 s3, s0;
	s1 =	sshll.u32 s1, $0x11  }
0xbb: {  	s0 =	sor.u32 s1, s0  }
0xbc: {  	s0 =	sadd.s32 $0x8F2B, s0  }
0xbd: {  	[sflag:s0] =	ssyncadd.remote.s32 $0x1  }
0xbe: {  	_ =	sfence.sel $0xFFFF  }
0xbf: {  	[dreg:$0x0] =	wrdreg $0xFFFFFFFF;
	(pc) =	sbr.abs _section_cstart, $3  }
0xc0: {  	[dreg:$0x1] =	wrdreg $0xFFFFFFFF  }
0xc1: {  	_ =	task.clear_ibuf [dreg:s6], $0x2FFFF;
	_ =	strace $0x9FFFFFFF  }
0xc2: {  	(tm) =	ssettm $0x7FFFFFFF  }
0xc3: {  	_ =	shalt  }
tec
execute0_lowered:
.L_overlay_start_1:
0x0: {  	(tag) =	ssettag $0x1  }
0x1: {  	s5 =	rddreg [dreg:$0x0]  }
0x2: {  	s2 =	rddreg [dreg:$0x1]  }
0x3: {  	s1 =	stileid.u32;
	s0 =	rddreg [dreg:$0x2];
	s3 =	simm.s32 $0x0  }
0x4: {  	s6 =	srdreg.scid;
	s12 =	simm.s32 $0x3200;
	s13 =	simm.s32 $0x50  }
0x5: {  	s14 =	simm.s32 $0x6400;
	s15 =	simm.s32 $0x1;
	s16 =	simm.s32 $0x7800  }
0x6: {  	s17 =	simm.s32 $0x2;
	s18 =	simm.s32 $0x31B0;
	s4 =	smul.u32 $0xA0, s1  }
0x7: {  	s19 =	simm.s32 $0x6360;
	s20 =	simm.s32 $0x63B0;
	s7 =	smul.u32 $0x5C, s1  }
0x8: {  	s21 =	simm.s32 $0x0;
	s10 =	sand.u32 $0x1, s6;
	s31 =	smul.u32 $0xA000, s1  }
0x9: {  	[smem:$0x7FF] =	sst s3;
	p0 =	seq.s32 s10, $0x0;
	s8 =	smul.u32 $0xA0000, s10  }
0xa: {  	_ =	strace $0x8000004D;
	s9 =	ssub.s32 $0x2, s10;
	s7 =	sadd.s32 $0xA00, s7  }
0xb: {  	s11 =	sshrl.u32 s9, $0x1;
	s7 =	smov.u32 @p0 s4;
	s8 =	sadd.s32 s31, s8  }
.Ltmp0:
0xc: {  	s4 =	sadd.s32 $0x16600, s5;
	s9 =	ssub.s32 s9, s11;
	(pc) =	sbr.rel .LBB2_1-.Ltmp0, $4  }
0xd: {  	p0 =	sne.s32 s10, $0x0;
	s10 =	simm.s32 $0x8C00;
	s7 =	smul.u32 $0xA, s7  }
0xe: {  	s11 =	simm.s32 $0x3;
	s8 =	sshrl.u32 s8, $0x3;
	s9 =	smax.u32 s9, $0x1  }
0xf: {  	s8 =	sadd.s32 s8, s5;
	s7 =	sadd.s32 s7, s5;
	s5 =	sadd.s32 s31, s2  }
0x10: {  	v0 =	vimm.f32 $0.0e+00;
	s8 =	sadd.s32 $0x2A000, s8;
	s6 =	sadd.s32 $0xC200, s7;
	s7 =	sadd.s32 $0x1E00, s7  }
.LBB2_9:
0x11: {  	s22 =	sshra.s32 s22, $0x2;
	[sflag:s11] =	ssyncadd.s32 $0xFFFFEC00  }
0x12: {  	[tilespmem:s14], [sflag:$0x1] =	stream.indirect.gather [hbm4b:s4+s13], $0x40, s22, s13, $0xb8;
	[tilespmem:$0x1CC00] =	vst v63  }
0x13: {  	_ =	swait.ge [sflag:s15], $0x1400  }
0x14: {  	[sflag:s15] =	ssyncset.done $0x0  }
0x15: {  	s22 =	sadd.s32 $0x3200, s22;
	[sflag:s15] =	ssyncadd.s32 $0xFFFFEC00  }
0x16: {  	[spmem:s2] =	stream.indirect.scatter.add.f32 [tilespmem:s14], [sflag:$0x3], $0x40, s22, s13, $0xb8;
	[tilespmem:$0x1CC00] =	vst v63  }
0x17: {  	_ =	swait.ge [sflag:s11], $0x1400  }
0x18: {  	[sflag:s11] =	ssyncset.done $0x0  }
0x19: {  	[sflag:s11] =	ssyncadd.s32 $0xFFFFEC00  }
.LBB2_10:
0x1a: {  	s21 =	sadd.s32 $0x1, s21  }
0x1b: {  	s22 =	sshll.u32 s1, $0x6;
	[bflag:$0x0] =	sbarrier.arrive $0xFFFF;
	p1 =	sne.s32 s21, s9  }
.Ltmp1:
0x1c: {  	s23 =	sshrl.u32 s5, $0x3;
	s22 =	sor.u32 $0x1C03, s22;
	(pc) =	sbr.rel @!p1 .LBB2_11-.Ltmp1, $4  }
0x1d: {  	[hbm:s8], [sflag:s22] =	dma.local [spmem:s23], $0x1400  }
0x1e: {  	_ =	swait.ge [sflag:s11], $0x1400  }
0x1f: {  	[sflag:s11] =	ssyncset.done $0x0  }
0x20: {  	[sflag:s11] =	ssyncadd.s32 $0xFFFFEC00  }
.LBB2_1:
0x21: {  	s23 =	simm.s32 $0x100;
	s22 =	simm.s32 $0x0  }
.LBB2_2:
0x22: {  	p1 =	sne.s32 s23, $0x27F00;
	[tilespmem:s22+$0x8C30] =	vst v0;
	s24 =	smov.u32 s23;
	s23 =	sadd.s32 $0x100, s23  }
.Ltmp2:
0x23: {  	[tilespmem:s22+$0x8C20] =	vst v0;
	(pc) =	sbr.rel @p1 .LBB2_2-.Ltmp2, $3  }
0x24: {  	[tilespmem:s22+$0x8C00] =	vst v0  }
0x25: {  	[tilespmem:s22+$0x8C10] =	vst v0;
	_ =	sdelay $0x1  }
0x26: {  	s22 =	sshra.s32 s24, $0x2  }
0x27: {  	[tilespmem:s22+$0x8C30] =	vst v0  }
0x28: {  	[tilespmem:s22+$0x8C20] =	vst v0  }
0x29: {  	[tilespmem:s22+$0x8C00] =	vst v0  }
0x2a: {  	[tilespmem:s22+$0x8C10] =	vst v0  }
0x2b: {  	[spmem:s5] =	stream.linear.scatter [tilespmem:s10], [sflag:$0x3], $0xA000, $0x38;
	[tilespmem:$0x1CC00] =	vst v63  }
0x2c: {  	_ =	swait.ge [sflag:s11], $0xA000  }
0x2d: {  	[sflag:s11] =	ssyncset.done $0x0  }
0x2e: {  	s22 =	simm.s32 $0x0;
	[sflag:s11] =	ssyncadd.s32 $0xFFFF6000  }
0x2f: {  	[tilespmem:s22], [sflag:$0x3] =	stream.linear.gather [hbm4b:s6+s22], $0x3200, $0x38;
	[tilespmem:$0x1CC00] =	vst v63  }
0x30: {  	_ =	swait.ge [sflag:s11], $0x3200  }
0x31: {  	[sflag:s11] =	ssyncset.done $0x0  }
0x32: {  	[sflag:s11] =	ssyncadd.s32 $0xFFFFCE00  }
0x33: {  	[tilespmem:s12], [sflag:$0x3] =	stream.linear.gather [hbm4b:s7+s22], $0x3200, $0x38;
	[tilespmem:$0x1CC00] =	vst v63  }
.Ltmp3:
0x34: {  	_ =	swait.ge [sflag:s11], $0x3200;
	(pc) =	sbr.rel @p0 .LBB2_7-.Ltmp3, $3  }
0x35: {  	[sflag:s11] =	ssyncset.done $0x0  }
0x36: {  	[sflag:s11] =	ssyncadd.s32 $0xFFFFCE00  }
0x37: {  	[bflag:$0x0] =	sbarrier.arrive $0xFFFF;
	_ =	sdelay $0x1  }
0x38: {  	[tilespmem:s14], [sflag:$0x1] =	stream.indirect.gather [hbm4b:s4+s13], $0x40, s22, s13, $0xb8;
	[tilespmem:$0x1CC00] =	vst v63  }
0x39: {  	_ =	swait.ge [sflag:s15], $0x1400  }
0x3a: {  	[sflag:s15] =	ssyncset.done $0x0  }
0x3b: {  	s28 =	simm.s32 $0x50;
	[sflag:s15] =	ssyncadd.s32 $0xFFFFEC00  }
0x3c: {  	[tilespmem:s16], [sflag:$0x2] =	stream.indirect.gather [hbm4b:s4+s13], $0x40, s28, s13, $0xb8;
	[tilespmem:$0x1CC00] =	vst v63  }
0x3d: {  	s29 =	simm.s32 $0x3200  }
0x3e: {  	[spmem:s2] =	stream.indirect.scatter.add.f32 [tilespmem:s14], [sflag:$0x3], $0x40, s29, s13, $0xb8;
	[tilespmem:$0x1CC00] =	vst v63  }
0x3f: {  	_ =	swait.ge [sflag:s11], $0x1400  }
0x40: {  	[sflag:s11] =	ssyncset.done $0x0  }
0x41: {  	s30 =	simm.s32 $0xA0;
	[sflag:s11] =	ssyncadd.s32 $0xFFFFEC00  }
0x42: {  	[tilespmem:s14], [sflag:$0x1] =	stream.indirect.gather [hbm4b:s4+s13], $0x40, s30, s13, $0xb8;
	[tilespmem:$0x1CC00] =	vst v63  }
0x43: {  	_ =	swait.ge [sflag:s17], $0x1400  }
0x44: {  	[sflag:s17] =	ssyncset.done $0x0  }
0x45: {  	s31 =	simm.s32 $0x3250;
	[sflag:s17] =	ssyncadd.s32 $0xFFFFEC00  }
0x46: {  	[spmem:s2] =	stream.indirect.scatter.add.f32 [tilespmem:s16], [sflag:$0x3], $0x40, s31, s13, $0xb8;
	[tilespmem:$0x1CC00] =	vst v63  }
0x47: {  	_ =	swait.ge [sflag:s11], $0x1400  }
0x48: {  	s22 =	simm.s32 $0x280;
	[sflag:s11] =	ssyncset.done $0x0  }
.LBB2_5:
0x49: {  	p1 =	sne.s32 s22, $0xC300  }
0x4a: {  	[sflag:s11] =	ssyncadd.s32 $0xFFFFEC00;
	s23 =	smov.u32 s22;
	s22 =	sadd.s32 $0x280, s22  }
0x4b: {  	_ =	swait.ge [sflag:s15], $0x1400  }
0x4c: {  	s23 =	sshra.s32 s23, $0x2;
	[sflag:s15] =	ssyncset.done $0x0  }
0x4d: {  	s24 =	sadd.s32 $0x50, s23;
	[sflag:s15] =	ssyncadd.s32 $0xFFFFEC00  }
0x4e: {  	[tilespmem:s16], [sflag:$0x2] =	stream.indirect.gather [hbm4b:s4+s13], $0x40, s24, s13, $0xb8;
	[tilespmem:$0x1CC00] =	vst v63  }
0x4f: {  	s24 =	sadd.s32 $0x3200, s23  }
0x50: {  	[spmem:s2] =	stream.indirect.scatter.add.f32 [tilespmem:s14], [sflag:$0x3], $0x40, s24, s13, $0xb8;
	[tilespmem:$0x1CC00] =	vst v63  }
0x51: {  	_ =	swait.ge [sflag:s11], $0x1400  }
0x52: {  	[sflag:s11] =	ssyncset.done $0x0  }
0x53: {  	s24 =	sadd.s32 $0xA0, s23;
	[sflag:s11] =	ssyncadd.s32 $0xFFFFEC00  }
0x54: {  	[tilespmem:s14], [sflag:$0x1] =	stream.indirect.gather [hbm4b:s4+s13], $0x40, s24, s13, $0xb8;
	[tilespmem:$0x1CC00] =	vst v63  }
0x55: {  	_ =	swait.ge [sflag:s17], $0x1400  }
.Ltmp4:
0x56: {  	[sflag:s17] =	ssyncset.done $0x0;
	(pc) =	sbr.rel @p1 .LBB2_5-.Ltmp4, $4  }
0x57: {  	s23 =	sadd.s32 $0x3250, s23;
	[sflag:s17] =	ssyncadd.s32 $0xFFFFEC00  }
0x58: {  	[spmem:s2] =	stream.indirect.scatter.add.f32 [tilespmem:s16], [sflag:$0x3], $0x40, s23, s13, $0xb8;
	[tilespmem:$0x1CC00] =	vst v63  }
0x59: {  	_ =	swait.ge [sflag:s11], $0x1400  }
0x5a: {  	[sflag:s11] =	ssyncset.done $0x0  }
0x5b: {  	[sflag:s11] =	ssyncadd.s32 $0xFFFFEC00  }
0x5c: {  	_ =	swait.ge [sflag:s15], $0x1400  }
0x5d: {  	[sflag:s15] =	ssyncset.done $0x0  }
0x5e: {  	[sflag:s15] =	ssyncadd.s32 $0xFFFFEC00  }
0x5f: {  	[tilespmem:s16], [sflag:$0x2] =	stream.indirect.gather [hbm4b:s4+s13], $0x40, s18, s13, $0xb8;
	[tilespmem:$0x1CC00] =	vst v63  }
0x60: {  	_ = 	snop  }
0x61: {  	[spmem:s2] =	stream.indirect.scatter.add.f32 [tilespmem:s14], [sflag:$0x3], $0x40, s19, s13, $0xb8;
	[tilespmem:$0x1CC00] =	vst v63  }
0x62: {  	_ =	swait.ge [sflag:s11], $0x1400  }
0x63: {  	[sflag:s11] =	ssyncset.done $0x0  }
0x64: {  	[sflag:s11] =	ssyncadd.s32 $0xFFFFEC00  }
0x65: {  	[tilespmem:s14], [sflag:$0x1] =	stream.indirect.gather [hbm4b:s4+s13], $0x40, s3, s13, $0xb8;
	[tilespmem:$0x1CC00] =	vst v63  }
0x66: {  	_ =	swait.ge [sflag:s17], $0x1400  }
0x67: {  	[sflag:s17] =	ssyncset.done $0x0  }
0x68: {  	[sflag:s17] =	ssyncadd.s32 $0xFFFFEC00  }
0x69: {  	[spmem:s2] =	stream.indirect.scatter.add.f32 [tilespmem:s16], [sflag:$0x3], $0x40, s20, s13, $0xb8;
	[tilespmem:$0x1CC00] =	vst v63  }
0x6a: {  	_ =	swait.ge [sflag:s11], $0x1400  }
.Ltmp5:
0x6b: {  	[sflag:s11] =	ssyncset.done $0x0;
	(pc) =	sbr.rel .LBB2_10-.Ltmp5, $4  }
0x6c: {  	[sflag:s11] =	ssyncadd.s32 $0xFFFFEC00  }
0x6d: {  	_ =	swait.ge [sflag:s15], $0x1400  }
0x6e: {  	[sflag:s15] =	ssyncset.done $0x0  }
0x6f: {  	[sflag:s15] =	ssyncadd.s32 $0xFFFFEC00  }
.LBB2_7:
0x70: {  	s22 =	simm.s32 $0x0  }
0x71: {  	[tilespmem:s14], [sflag:$0x1] =	stream.indirect.gather [hbm4b:s4+s13], $0x40, s22, s13, $0xb8;
	[tilespmem:$0x1CC00] =	vst v63  }
0x72: {  	_ =	swait.ge [sflag:s15], $0x1400  }
0x73: {  	[sflag:s15] =	ssyncset.done $0x0  }
0x74: {  	s31 =	simm.s32 $0x3200;
	[sflag:s15] =	ssyncadd.s32 $0xFFFFEC00  }
0x75: {  	[spmem:s2] =	stream.indirect.scatter.add.f32 [tilespmem:s14], [sflag:$0x3], $0x40, s31, s13, $0xb8;
	[tilespmem:$0x1CC00] =	vst v63  }
0x76: {  	_ =	swait.ge [sflag:s11], $0x1400  }
0x77: {  	s23 =	simm.s32 $0x280;
	s22 =	simm.s32 $0x140;
	[sflag:s11] =	ssyncset.done $0x0  }
.LBB2_8:
0x78: {  	s24 =	sshra.s32 s22, $0x2  }
0x79: {  	[sflag:s11] =	ssyncadd.s32 $0xFFFFEC00;
	s22 =	smov.u32 s23;
	s25 =	sadd.s32 $0x140, s23  }
0x7a: {  	[tilespmem:s14], [sflag:$0x1] =	stream.indirect.gather [hbm4b:s4+s13], $0x40, s24, s13, $0xb8;
	[tilespmem:$0x1CC00] =	vst v63  }
0x7b: {  	p1 =	sne.s32 s23, $0x71C0;
	_ =	swait.ge [sflag:s15], $0x1400  }
.Ltmp6:
0x7c: {  	[sflag:s15] =	ssyncset.done $0x0;
	(pc) =	sbr.rel @p1 .LBB2_8-.Ltmp6, $4  }
0x7d: {  	s23 =	sadd.s32 $0x3200, s24;
	[sflag:s15] =	ssyncadd.s32 $0xFFFFEC00  }
0x7e: {  	[spmem:s2] =	stream.indirect.scatter.add.f32 [tilespmem:s14], [sflag:$0x3], $0x40, s23, s13, $0xb8;
	[tilespmem:$0x1CC00] =	vst v63  }
0x7f: {  	_ =	swait.ge [sflag:s11], $0x1400  }
0x80: {  	s23 =	smov.u32 s25;
	[sflag:s11] =	ssyncset.done $0x0  }
.Ltmp7:
0x81: {  	_ = 	snop;
	(pc) =	sbr.rel .LBB2_9-.Ltmp7, $1  }
0x82: {  	_ =	sdelay $0x3  }
.LBB2_11:
0x83: {  	_ =	sfence.sel $0x180000  }
0x84: {  	[bflag:$0x0] =	sbarrier.arrive $0xFFFF  }
0x85: {  	p0 =	sne.s32 s1, $0x0;
	_ =	strace $0x9000004D  }
0x86: {  	s0 =	sadd.s32 @!p0 $0x100000, s0;
	[bflag:$0x2] =	sbarrier.arrive $0xFFFF  }
0x87: {  	[sflag:s0] =	ssyncadd.tile.s32 @!p0 $0x1;
	_ =	shalt  }
.Lfunc_end2:
_tile_overlayer_lowered:
.L_overlay_start_2:
0x88: {  	(tag) =	ssettag $0x2  }
0x89: {  	s0 =	rddreg [dreg:$0x0];
	s2 =	stileid.u32  }
0x8a: {  	s1 =	rddreg [dreg:$0x1];
	p0 =	sne.s32 s2, $0x0  }
0x8b: {  	s3 =	rddreg [dreg:$0x2];
	[bflag:$0x3] =	sbarrier.arrive $0xFFFF;
	s2 =	simm.s32 @!p0 $0x1C03  }
0x8c: {  	[timem:s3], [sflag:s2] =	dma.local @!p0 [hbm:s0], s1  }
0x8d: {  	s0 =	simm.s32 @!p0 $0x3  }
0x8e: {  	_ =	swait.ge @!p0 [sflag:s0], s1  }
0x8f: {  	s1 =	ssub.s32 @!p0 $0x0, s1;
	[sflag:s0] =	ssyncset.done @!p0 $0x0  }
0x90: {  	[sflag:s0] =	ssyncadd.s32 @!p0 s1  }
0x91: {  	[bflag:$0x3] =	sbarrier.arrive $0xFFFF  }
0x92: {  	_ =	shalt  }

// kernel: kernel.19.cloned.1.call-start
scs
__scs_entry_jumppad:
0x0: {  	(pc) =	sbr.rel $0x88, $3  }
0x1: {  	(tag) =	ssettag $0x0;
	lr =	simm.s32 $0x1  }
0x2: {  	[smem:$0x3F99] =	sst lr;
	_ =	strace $0xD0000000  }
0x3: {  	_ = 	snop  }
0x4: {  	_ = 	snop  }
0x5: {  	_ = 	snop  }
0x6: {  	_ = 	snop  }
0x7: {  	_ = 	snop  }
__scs_overlays_trampoline_lowered:
0x8: {  	[smem:$0x3FA8] =	sst s0  }
0x9: {  	[smem:$0x3FA9] =	sst s1  }
0xa: {  	[smem:$0x3FAA] =	sst s2  }
0xb: {  	[smem:$0x3FAB] =	sst s3  }
0xc: {  	[smem:$0x3FAC] =	sst s4  }
0xd: {  	[smem:$0x3FAD] =	sst s5  }
0xe: {  	[smem:$0x3FAE] =	sst s6  }
0xf: {  	[smem:$0x3FAF] =	sst s7  }
0x10: {  	[smem:$0x3FB0] =	sst s8  }
0x11: {  	[smem:$0x3FB1] =	sst s9;
	s0 =	simm.s32 @!p0 $0x0  }
0x12: {  	s1 =	sld [smem:$0x3F97];
	s0 =	simm.s32 @p0 $0x1  }
0x13: {  	[smem:$0x3FB2] =	sst s0;
	s0 =	simm.s32 @!p1 $0x0  }
0x14: {  	s2 =	sld [smem:$0x3F96];
	s0 =	simm.s32 @p1 $0x1  }
0x15: {  	[smem:$0x3FB3] =	sst s0;
	s0 =	simm.s32 @!p2 $0x0  }
0x16: {  	s3 =	sld [smem:$0x3FDB];
	s0 =	simm.s32 @p2 $0x1  }
0x17: {  	s4 =	simm.s32 $0x1BF5;
	[smem:$0x3FB5] =	sst s0  }
0x18: {  	s0 =	sld [smem:$0x3F98];
	_ =	swait.ge [sflag:s4], $0x0  }
0x19: {  	s7 =	sld [smem:$0x3F99]  }
0x1a: {  	s8 =	sadd.s32 $0xFFFFE003, lr  }
0x1b: {  	s9 =	sadd.s32 $0xFFFFFEF7, lr;
	s5 =	simm.s32 $0xFFFFFFFF;
	p2 =	slt.u32 s8, $0xFFFFF086  }
0x1c: {  	p1 =	slt.u32 s9, $0xF7A;
	s5 =	simm.s32 @!p2 $0x0  }
0x1d: {  	s5 =	simm.s32 @p1 $0x1;
	p0 =	seq.s32 s7, s2  }
0x1e: {  	s7 =	smul.u32 @!p0 $0xF7A, s2;
	p2 =	seq.s32 @!p0 s5, $0x0  }
0x1f: {  	s9 =	smul.u32 $0xF7A, s1;
	s8 =	simm.s32 @!p0 $0x1BF5;
	p2 =	por !p2, p0  }
0x20: {  	[sflag:s8] =	ssyncset.s32 @!p0 $0xFFFFF086;
	s6 =	sadd.s32 @!p0 s3, s7;
	s7 =	simm.s32 @!p0 $0x108  }
0x21: {  	s3 =	sadd.s32 s3, s9;
	s6 =	sadd.s32 @!p0 $0x88, s6;
	s7 =	simm.s32 @p2 $0x1082  }
0x22: {  	[simem:s7], [sflag:s8] =	dma.local @!p0 [hbm:s6], $0xF7A  }
0x23: {  	s9 =	sor.u32 $0xD0000000, s2;
	s6 =	simm.s32 $0x108;
	_ =	swait.ge @!p0 [sflag:s8], $0x0  }
0x24: {  	s3 =	sadd.s32 $0x88, s3;
	s6 =	simm.s32 @!p1 $0x1082;
	[sflag:s4] =	ssyncset.s32 $0xFFFFF086  }
0x25: {  	[simem:s6], [sflag:s4] =	dma.local [hbm:s3], $0xF7A  }
0x26: {  	[smem:$0x3F99] =	sst s1;
	(tag) =	ssettag s2;
	_ =	strace s9  }
0x27: {  	s1 =	sld [smem:$0x3FA9]  }
0x28: {  	s2 =	sld [smem:$0x3FAA]  }
0x29: {  	s4 =	sld [smem:$0x3FAC]  }
0x2a: {  	p0 =	seq.s32 s5, $0x0;
	s5 =	sld [smem:$0x3FAD]  }
0x2b: {  	s6 =	sld [smem:$0x3FAE]  }
0x2c: {  	s7 =	sld [smem:$0x3FAF]  }
0x2d: {  	s3 =	simm.s32 $0x108;
	s8 =	sld [smem:$0x3FB0]  }
0x2e: {  	s3 =	simm.s32 @!p0 $0x1082;
	s9 =	sld [smem:$0x3FB1]  }
0x2f: {  	lr =	sadd.s32 s0, s3;
	s0 =	sld [smem:$0x3FA8]  }
0x30: {  	s3 =	sld [smem:$0x3FAB]  }
0x31: {  	[smem:$0x3FB4] =	sst s10  }
0x32: {  	s10 =	sld [smem:$0x3FB2];
	_ =	sdelay $0x3  }
0x33: {  	p0 =	seq.s32 s10, $0x1;
	s10 =	sld [smem:$0x3FB4];
	_ =	sdelay $0x3  }
0x34: {  	[smem:$0x3FB4] =	sst s10  }
0x35: {  	s10 =	sld [smem:$0x3FB3];
	_ =	sdelay $0x3  }
0x36: {  	p1 =	seq.s32 s10, $0x1;
	s10 =	sld [smem:$0x3FB4];
	_ =	sdelay $0x3  }
0x37: {  	[smem:$0x3FB4] =	sst s10  }
0x38: {  	s10 =	sld [smem:$0x3FB5]  }
0x39: {  	_ = 	snop;
	(pc) =	sbr.ind lr, $3  }
0x3a: {  	_ = 	snop  }
0x3b: {  	_ = 	snop  }
0x3c: {  	p2 =	seq.s32 s10, $0x1;
	s10 =	sld [smem:$0x3FB4]  }
0x3d: {  	_ =	shalt  }
0x3e: {  	_ =	shalt  }
0x3f: {  	_ =	shalt  }
0x40: {  	_ =	shalt  }
0x41: {  	_ =	shalt  }
0x42: {  	_ =	shalt  }
0x43: {  	_ =	shalt  }
0x44: {  	_ =	shalt  }
0x45: {  	_ =	shalt  }
0x46: {  	_ =	shalt  }
0x47: {  	_ =	shalt  }
0x48: {  	_ =	shalt  }
0x49: {  	_ =	shalt  }
0x4a: {  	_ =	shalt  }
0x4b: {  	_ =	shalt  }
0x4c: {  	_ =	shalt  }
0x4d: {  	_ =	shalt  }
0x4e: {  	_ =	shalt  }
0x4f: {  	_ =	shalt  }
0x50: {  	_ =	shalt  }
0x51: {  	_ =	shalt  }
0x52: {  	_ =	shalt  }
0x53: {  	_ =	shalt  }
0x54: {  	_ =	shalt  }
0x55: {  	_ =	shalt  }
0x56: {  	_ =	shalt  }
0x57: {  	_ =	shalt  }
0x58: {  	_ =	shalt  }
0x59: {  	_ =	shalt  }
0x5a: {  	_ =	shalt  }
0x5b: {  	_ =	shalt  }
0x5c: {  	_ =	shalt  }
0x5d: {  	_ =	shalt  }
0x5e: {  	_ =	shalt  }
0x5f: {  	_ =	shalt  }
0x60: {  	_ =	shalt  }
0x61: {  	_ =	shalt  }
0x62: {  	_ =	shalt  }
0x63: {  	_ =	shalt  }
0x64: {  	_ =	shalt  }
0x65: {  	_ =	shalt  }
0x66: {  	_ =	shalt  }
0x67: {  	_ =	shalt  }
0x68: {  	_ =	shalt  }
0x69: {  	_ =	shalt  }
0x6a: {  	_ =	shalt  }
0x6b: {  	_ =	shalt  }
0x6c: {  	_ =	shalt  }
0x6d: {  	_ =	shalt  }
0x6e: {  	_ =	shalt  }
0x6f: {  	_ =	shalt  }
0x70: {  	_ =	shalt  }
0x71: {  	_ =	shalt  }
0x72: {  	_ =	shalt  }
0x73: {  	_ =	shalt  }
0x74: {  	_ =	shalt  }
0x75: {  	_ =	shalt  }
0x76: {  	_ =	shalt  }
0x77: {  	_ =	shalt  }
0x78: {  	_ =	shalt  }
0x79: {  	_ =	shalt  }
0x7a: {  	_ =	shalt  }
0x7b: {  	_ =	shalt  }
0x7c: {  	_ =	shalt  }
0x7d: {  	_ =	shalt  }
0x7e: {  	_ =	shalt  }
0x7f: {  	_ =	shalt  }
0x80: {  	_ =	shalt  }
0x81: {  	_ =	shalt  }
0x82: {  	_ =	shalt  }
0x83: {  	_ =	shalt  }
0x84: {  	_ =	shalt  }
0x85: {  	_ =	shalt  }
0x86: {  	_ =	shalt  }
0x87: {  	_ =	shalt  }
.Lfunc_end0:
.L_simem_size_0:
called_computation.3_lowered:
.L_overlay_start_0:
0x88: {  	s2 =	sld [smem:$0x3FD9]  }
0x89: {  	s3 =	sld [smem:$0x3FFE];
	_ =	sdelay $0x1  }
0x8a: {  	s1 =	srdreg.scid  }
0x8b: {  	s0 =	sand.u32 $0x1, s1  }
0x8c: {  	s16 =	sshll.u32 s0, $0xA;
	s2 =	sadd.s32 s3, s2  }
0x8d: {  	s2 =	sadd.s32 s2, s16  }
0x8e: {  	[smem:$0x3FC0] =	sst s2  }
0x8f: {  	_ = 	snop  }
0x90: {  	(tm) =	ssettm $0x1  }
0x91: {  	s17 =	sld [smem:$0x3FFB];
	_ =	sdelay $0x3  }
0x92: {  	_ =	strace s17  }
0x93: {  	s2 =	sld [smem:$0x3FFC];
	_ =	sdelay $0x3  }
0x94: {  	_ =	strace s2  }
0x95: {  	s2 =	sld [smem:$0x3FFD];
	_ =	sdelay $0x3  }
0x96: {  	_ =	strace s2  }
0x97: {  	_ =	strace $0x8FFFFFFF  }
0x98: {  	s18 =	sld [smem:$0x3FDB];
	_ =	sdelay $0x1  }
0x99: {  	s19 =	simm.s32 $_scs_section_size  }
0x9a: {  	s4 =	simm.s32 $_size__tile_overlayer_lowered;
	s5 =	simm.s32 $_tile_overlayer_lowered  }
0x9b: {  	s22 =	simm.s32 $0x1BFF;
	s21 =	sshll.u32 s5, $0x1;
	s2 =	sadd.s32 s19, s18  }
0x9c: {  	s6 =	simm.s32 $0x0;
	s20 =	sshll.u32 s4, $0x1;
	s4 =	sadd.s32 s21, s2  }
0x9d: {  	[timem:s6], [sflag:s22] =	dma.local [hbm:s4], s20  }
0x9e: {  	_ =	swait.ge [sflag:s22], s20  }
0x9f: {  	s3 =	ssub.s32 $0x0, s20;
	[sflag:s22] =	ssyncset.done $0x0  }
0xa0: {  	[sflag:s22] =	ssyncadd.s32 s3;
	_ =	sdelay $0x1  }
0xa1: {  	s23 =	simm.s32 $0x1B8B  }
0xa2: {  	_ =	swait.ge [sflag:s23], $0x1  }
0xa3: {  	[sflag:s23] =	ssyncset.done $0x0  }
0xa4: {  	s25 =	simm.s32 $0x1B8E;
	s24 =	sld [smem:$0x3FFE];
	[sflag:s23] =	ssyncadd.s32 $0xFFFFFFFF  }
0xa5: {  	s26 =	simm.s32 $execute0_lowered;
	[smem:$0x3FD2] =	sst s25  }
0xa6: {  	s4 =	sshll.u32 s26, $0x1;
	_ =	strace $0x8000004F;
	[dreg:$0x1] =	wrdreg $0xFFFFFFFF  }
0xa7: {  	s28 =	simm.s32 $_size_execute0_lowered;
	s2 =	sadd.s32 s2, s4;
	[dreg:$0x0] =	wrdreg $0x0  }
0xa8: {  	s4 =	sshll.u32 s28, $0x1;
	[dreg:$0x2] =	wrdreg s2  }
0xa9: {  	[dreg:$0x3] =	wrdreg s4  }
0xaa: {  	[dreg:$0x4] =	wrdreg $0xC0  }
0xab: {  	_ =	task [dreg:s6], $0x5FFFF  }
0xac: {  	[dreg:$0x1] =	wrdreg $0xFFFFFFFF  }
0xad: {  	[dreg:$0x0] =	wrdreg $0x60  }
0xae: {  	[dreg:$0x2] =	wrdreg s24  }
0xaf: {  	[dreg:$0x3] =	wrdreg $0x98800  }
0xb0: {  	[dreg:$0x4] =	wrdreg $0x9  }
0xb1: {  	_ =	task.clear_ibuf [dreg:s6], $0x5FFFF;
	_ =	strace $0x9000004F  }
0xb2: {  	s29 =	simm.s32 $0x9;
	_ =	strace $0x80000051  }
0xb3: {  	_ =	swait.ge [sflag:s29], $0x1  }
0xb4: {  	[sflag:s29] =	ssyncadd.s32 $0xFFFFFFFF  }
0xb5: {  	_ =	strace $0x90000051  }
0xb6: {  	_ =	sfence  }
0xb7: {  	s30 =	sld [smem:$0x0];
	_ =	sdelay $0x2  }
0xb8: {  	s31 =	sshll.u32 s1, $0xD;
	s1 =	sshrl.u32 s1, $0x2  }
0xb9: {  	s3 =	sand.u32 $0x4000, s31;
	s1 =	sadd.s32 s1, s30  }
0xba: {  	s0 =	sor.u32 s3, s0;
	s1 =	sshll.u32 s1, $0x11  }
0xbb: {  	s0 =	sor.u32 s1, s0  }
0xbc: {  	s0 =	sadd.s32 $0x8F2B, s0  }
0xbd: {  	[sflag:s0] =	ssyncadd.remote.s32 $0x1  }
0xbe: {  	_ =	sfence.sel $0xFFFF  }
0xbf: {  	[dreg:$0x0] =	wrdreg $0xFFFFFFFF;
	(pc) =	sbr.abs _section_cstart, $3  }
0xc0: {  	[dreg:$0x1] =	wrdreg $0xFFFFFFFF  }
0xc1: {  	_ =	task.clear_ibuf [dreg:s6], $0x2FFFF;
	_ =	strace $0x9FFFFFFF  }
0xc2: {  	(tm) =	ssettm $0x7FFFFFFF  }
0xc3: {  	_ =	shalt  }
tec
execute0_lowered:
.L_overlay_start_1:
0x0: {  	(tag) =	ssettag $0x1  }
0x1: {  	s5 =	rddreg [dreg:$0x0]  }
0x2: {  	s2 =	rddreg [dreg:$0x1]  }
0x3: {  	s1 =	stileid.u32;
	s0 =	rddreg [dreg:$0x2]  }
0x4: {  	s6 =	srdreg.scid;
	s3 =	simm.s32 $0x0;
	s11 =	simm.s32 $0x3  }
0x5: {  	s12 =	simm.s32 $0x3340;
	s13 =	simm.s32 $0x50;
	s14 =	simm.s32 $0x6680  }
0x6: {  	s15 =	simm.s32 $0x1;
	s16 =	simm.s32 $0x6B80;
	s17 =	simm.s32 $0x2  }
0x7: {  	s18 =	simm.s32 $0x32F0;
	s19 =	simm.s32 $0x65E0;
	s4 =	smul.u32 $0xA4, s1  }
0x8: {  	s20 =	simm.s32 $0x6630;
	s22 =	simm.s32 $0x0;
	s7 =	smul.u32 $0x58, s1  }
0x9: {  	s10 =	sand.u32 $0x1, s6;
	s30 =	smul.u32 $0x2800, s1;
	[smem:$0x7FF] =	sst s3  }
0xa: {  	s21 =	sshll.u32 s1, $0x6;
	p0 =	seq.s32 s10, $0x0;
	s8 =	smul.u32 $0x28000, s10  }
0xb: {  	_ =	strace $0x80000050;
	s9 =	ssub.s32 $0x2, s10;
	s7 =	sadd.s32 $0xA40, s7  }
0xc: {  	s21 =	sor.u32 $0x1C03, s21;
	s31 =	sshrl.u32 s9, $0x1;
	s7 =	smov.u32 @p0 s4  }
.Ltmp0:
0xd: {  	s8 =	sadd.s32 s30, s8;
	s4 =	sadd.s32 $0x16600, s5;
	(pc) =	sbr.rel .LBB2_1-.Ltmp0, $4  }
0xe: {  	s9 =	ssub.s32 s9, s31;
	p0 =	sne.s32 s10, $0x0;
	s7 =	smul.u32 $0xA, s7  }
0xf: {  	s10 =	simm.s32 $0x7080;
	s8 =	sshrl.u32 s8, $0x3;
	s9 =	smax.u32 s9, $0x1  }
0x10: {  	s8 =	sadd.s32 s8, s5;
	s7 =	sadd.s32 s7, s5;
	s5 =	sadd.s32 s30, s2  }
0x11: {  	v0 =	vimm.f32 $0.0e+00;
	s8 =	sadd.s32 $0x1B600, s8;
	s6 =	sadd.s32 $0xC200, s7;
	s7 =	sadd.s32 $0x1E00, s7  }
.LBB2_9:
0x12: {  	s23 =	sshra.s32 s23, $0x2;
	[sflag:s11] =	ssyncadd.s32 $0xFFFFFB00  }
0x13: {  	[tilespmem:s14], [sflag:$0x1] =	stream.indirect.gather [hbm4b:s4+s13], $0x10, s23, s13, $0xb8;
	[tilespmem:$0xC080] =	vst v63  }
0x14: {  	_ =	swait.ge [sflag:s15], $0x500  }
0x15: {  	[sflag:s15] =	ssyncset.done $0x0  }
0x16: {  	s23 =	sadd.s32 $0x3340, s23;
	[sflag:s15] =	ssyncadd.s32 $0xFFFFFB00  }
0x17: {  	[spmem:s2] =	stream.indirect.scatter.add.f32 [tilespmem:s14], [sflag:$0x3], $0x10, s23, s13, $0xb8;
	[tilespmem:$0xC080] =	vst v63  }
0x18: {  	_ =	swait.ge [sflag:s11], $0x500  }
0x19: {  	[sflag:s11] =	ssyncset.done $0x0  }
0x1a: {  	[sflag:s11] =	ssyncadd.s32 $0xFFFFFB00  }
.LBB2_10:
0x1b: {  	s22 =	sadd.s32 $0x1, s22  }
0x1c: {  	p1 =	sne.s32 s22, s9  }
.Ltmp1:
0x1d: {  	[bflag:$0x0] =	sbarrier.arrive $0xFFFF;
	s23 =	sshrl.u32 s5, $0x3;
	(pc) =	sbr.rel @!p1 .LBB2_11-.Ltmp1, $4  }
0x1e: {  	[hbm:s8], [sflag:s21] =	dma.local [spmem:s23], $0x500  }
0x1f: {  	_ =	swait.ge [sflag:s11], $0x500  }
0x20: {  	[sflag:s11] =	ssyncset.done $0x0  }
0x21: {  	[sflag:s11] =	ssyncadd.s32 $0xFFFFFB00  }
.LBB2_1:
0x22: {  	s23 =	simm.s32 $0x40;
	s24 =	simm.s32 $0x0  }
.LBB2_2:
0x23: {  	p1 =	sne.s32 s23, $0x9FC0;
	[tilespmem:s24+$0x7080] =	vst v0;
	s24 =	smov.u32 s23;
	s23 =	sadd.s32 $0x40, s23  }
.Ltmp2:
0x24: {  	(pc) =	sbr.rel @p1 .LBB2_2-.Ltmp2, $2  }
0x25: {  	_ =	sdelay $0x2  }
0x26: {  	s24 =	sshra.s32 s24, $0x2  }
0x27: {  	[tilespmem:s24+$0x7080] =	vst v0  }
0x28: {  	[spmem:s5] =	stream.linear.scatter [tilespmem:s10], [sflag:$0x3], $0x2800, $0x38;
	[tilespmem:$0xC080] =	vst v63  }
0x29: {  	_ =	swait.ge [sflag:s11], $0x2800  }
0x2a: {  	[sflag:s11] =	ssyncset.done $0x0  }
0x2b: {  	s23 =	simm.s32 $0x0;
	[sflag:s11] =	ssyncadd.s32 $0xFFFFD800  }
0x2c: {  	[tilespmem:s23], [sflag:$0x3] =	stream.linear.gather [hbm4b:s6+s23], $0x3340, $0x38;
	[tilespmem:$0xC080] =	vst v63  }
0x2d: {  	_ =	swait.ge [sflag:s11], $0x3340  }
0x2e: {  	[sflag:s11] =	ssyncset.done $0x0  }
0x2f: {  	[sflag:s11] =	ssyncadd.s32 $0xFFFFCCC0  }
0x30: {  	[tilespmem:s12], [sflag:$0x3] =	stream.linear.gather [hbm4b:s7+s23], $0x3340, $0x38;
	[tilespmem:$0xC080] =	vst v63  }
.Ltmp3:
0x31: {  	_ =	swait.ge [sflag:s11], $0x3340;
	(pc) =	sbr.rel @p0 .LBB2_7-.Ltmp3, $3  }
0x32: {  	[sflag:s11] =	ssyncset.done $0x0  }
0x33: {  	[sflag:s11] =	ssyncadd.s32 $0xFFFFCCC0  }
0x34: {  	[bflag:$0x0] =	sbarrier.arrive $0xFFFF;
	_ =	sdelay $0x1  }
0x35: {  	[tilespmem:s14], [sflag:$0x1] =	stream.indirect.gather [hbm4b:s4+s13], $0x10, s23, s13, $0xb8;
	[tilespmem:$0xC080] =	vst v63  }
0x36: {  	_ =	swait.ge [sflag:s15], $0x500  }
0x37: {  	[sflag:s15] =	ssyncset.done $0x0  }
0x38: {  	s28 =	simm.s32 $0x50;
	[sflag:s15] =	ssyncadd.s32 $0xFFFFFB00  }
0x39: {  	[tilespmem:s16], [sflag:$0x2] =	stream.indirect.gather [hbm4b:s4+s13], $0x10, s28, s13, $0xb8;
	[tilespmem:$0xC080] =	vst v63  }
0x3a: {  	s29 =	simm.s32 $0x3340  }
0x3b: {  	[spmem:s2] =	stream.indirect.scatter.add.f32 [tilespmem:s14], [sflag:$0x3], $0x10, s29, s13, $0xb8;
	[tilespmem:$0xC080] =	vst v63  }
0x3c: {  	_ =	swait.ge [sflag:s11], $0x500  }
0x3d: {  	[sflag:s11] =	ssyncset.done $0x0  }
0x3e: {  	s30 =	simm.s32 $0xA0;
	[sflag:s11] =	ssyncadd.s32 $0xFFFFFB00  }
0x3f: {  	[tilespmem:s14], [sflag:$0x1] =	stream.indirect.gather [hbm4b:s4+s13], $0x10, s30, s13, $0xb8;
	[tilespmem:$0xC080] =	vst v63  }
0x40: {  	_ =	swait.ge [sflag:s17], $0x500  }
0x41: {  	[sflag:s17] =	ssyncset.done $0x0  }
0x42: {  	s31 =	simm.s32 $0x3390;
	[sflag:s17] =	ssyncadd.s32 $0xFFFFFB00  }
0x43: {  	[spmem:s2] =	stream.indirect.scatter.add.f32 [tilespmem:s16], [sflag:$0x3], $0x10, s31, s13, $0xb8;
	[tilespmem:$0xC080] =	vst v63  }
0x44: {  	_ =	swait.ge [sflag:s11], $0x500  }
0x45: {  	s23 =	simm.s32 $0x280;
	[sflag:s11] =	ssyncset.done $0x0  }
.LBB2_5:
0x46: {  	p1 =	sne.s32 s23, $0xC800  }
0x47: {  	[sflag:s11] =	ssyncadd.s32 $0xFFFFFB00;
	s24 =	smov.u32 s23;
	s23 =	sadd.s32 $0x280, s23  }
0x48: {  	_ =	swait.ge [sflag:s15], $0x500  }
0x49: {  	s24 =	sshra.s32 s24, $0x2;
	[sflag:s15] =	ssyncset.done $0x0  }
0x4a: {  	s25 =	sadd.s32 $0x50, s24;
	[sflag:s15] =	ssyncadd.s32 $0xFFFFFB00  }
0x4b: {  	[tilespmem:s16], [sflag:$0x2] =	stream.indirect.gather [hbm4b:s4+s13], $0x10, s25, s13, $0xb8;
	[tilespmem:$0xC080] =	vst v63  }
0x4c: {  	s25 =	sadd.s32 $0x3340, s24  }
0x4d: {  	[spmem:s2] =	stream.indirect.scatter.add.f32 [tilespmem:s14], [sflag:$0x3], $0x10, s25, s13, $0xb8;
	[tilespmem:$0xC080] =	vst v63  }
0x4e: {  	_ =	swait.ge [sflag:s11], $0x500  }
0x4f: {  	[sflag:s11] =	ssyncset.done $0x0  }
0x50: {  	s25 =	sadd.s32 $0xA0, s24;
	[sflag:s11] =	ssyncadd.s32 $0xFFFFFB00  }
0x51: {  	[tilespmem:s14], [sflag:$0x1] =	stream.indirect.gather [hbm4b:s4+s13], $0x10, s25, s13, $0xb8;
	[tilespmem:$0xC080] =	vst v63  }
0x52: {  	_ =	swait.ge [sflag:s17], $0x500  }
.Ltmp4:
0x53: {  	[sflag:s17] =	ssyncset.done $0x0;
	(pc) =	sbr.rel @p1 .LBB2_5-.Ltmp4, $4  }
0x54: {  	s24 =	sadd.s32 $0x3390, s24;
	[sflag:s17] =	ssyncadd.s32 $0xFFFFFB00  }
0x55: {  	[spmem:s2] =	stream.indirect.scatter.add.f32 [tilespmem:s16], [sflag:$0x3], $0x10, s24, s13, $0xb8;
	[tilespmem:$0xC080] =	vst v63  }
0x56: {  	_ =	swait.ge [sflag:s11], $0x500  }
0x57: {  	[sflag:s11] =	ssyncset.done $0x0  }
0x58: {  	[sflag:s11] =	ssyncadd.s32 $0xFFFFFB00  }
0x59: {  	_ =	swait.ge [sflag:s15], $0x500  }
0x5a: {  	[sflag:s15] =	ssyncset.done $0x0  }
0x5b: {  	[sflag:s15] =	ssyncadd.s32 $0xFFFFFB00  }
0x5c: {  	[tilespmem:s16], [sflag:$0x2] =	stream.indirect.gather [hbm4b:s4+s13], $0x10, s18, s13, $0xb8;
	[tilespmem:$0xC080] =	vst v63  }
0x5d: {  	_ = 	snop  }
0x5e: {  	[spmem:s2] =	stream.indirect.scatter.add.f32 [tilespmem:s14], [sflag:$0x3], $0x10, s19, s13, $0xb8;
	[tilespmem:$0xC080] =	vst v63  }
0x5f: {  	_ =	swait.ge [sflag:s11], $0x500  }
0x60: {  	[sflag:s11] =	ssyncset.done $0x0  }
0x61: {  	[sflag:s11] =	ssyncadd.s32 $0xFFFFFB00  }
0x62: {  	[tilespmem:s14], [sflag:$0x1] =	stream.indirect.gather [hbm4b:s4+s13], $0x10, s3, s13, $0xb8;
	[tilespmem:$0xC080] =	vst v63  }
0x63: {  	_ =	swait.ge [sflag:s17], $0x500  }
0x64: {  	[sflag:s17] =	ssyncset.done $0x0  }
0x65: {  	[sflag:s17] =	ssyncadd.s32 $0xFFFFFB00  }
0x66: {  	[spmem:s2] =	stream.indirect.scatter.add.f32 [tilespmem:s16], [sflag:$0x3], $0x10, s20, s13, $0xb8;
	[tilespmem:$0xC080] =	vst v63  }
0x67: {  	_ =	swait.ge [sflag:s11], $0x500  }
.Ltmp5:
0x68: {  	[sflag:s11] =	ssyncset.done $0x0;
	(pc) =	sbr.rel .LBB2_10-.Ltmp5, $4  }
0x69: {  	[sflag:s11] =	ssyncadd.s32 $0xFFFFFB00  }
0x6a: {  	_ =	swait.ge [sflag:s15], $0x500  }
0x6b: {  	[sflag:s15] =	ssyncset.done $0x0  }
0x6c: {  	[sflag:s15] =	ssyncadd.s32 $0xFFFFFB00  }
.LBB2_7:
0x6d: {  	s23 =	simm.s32 $0x0  }
0x6e: {  	[tilespmem:s14], [sflag:$0x1] =	stream.indirect.gather [hbm4b:s4+s13], $0x10, s23, s13, $0xb8;
	[tilespmem:$0xC080] =	vst v63  }
0x6f: {  	_ =	swait.ge [sflag:s15], $0x500  }
0x70: {  	[sflag:s15] =	ssyncset.done $0x0  }
0x71: {  	s31 =	simm.s32 $0x3340;
	[sflag:s15] =	ssyncadd.s32 $0xFFFFFB00  }
0x72: {  	[spmem:s2] =	stream.indirect.scatter.add.f32 [tilespmem:s14], [sflag:$0x3], $0x10, s31, s13, $0xb8;
	[tilespmem:$0xC080] =	vst v63  }
0x73: {  	_ =	swait.ge [sflag:s11], $0x500  }
0x74: {  	s24 =	simm.s32 $0x280;
	s23 =	simm.s32 $0x140;
	[sflag:s11] =	ssyncset.done $0x0  }
.LBB2_8:
0x75: {  	s25 =	sshra.s32 s23, $0x2  }
0x76: {  	[sflag:s11] =	ssyncadd.s32 $0xFFFFFB00;
	s23 =	smov.u32 s24;
	s26 =	sadd.s32 $0x140, s24  }
0x77: {  	[tilespmem:s14], [sflag:$0x1] =	stream.indirect.gather [hbm4b:s4+s13], $0x10, s25, s13, $0xb8;
	[tilespmem:$0xC080] =	vst v63  }
0x78: {  	p1 =	sne.s32 s24, $0x6CC0;
	_ =	swait.ge [sflag:s15], $0x500  }
.Ltmp6:
0x79: {  	[sflag:s15] =	ssyncset.done $0x0;
	(pc) =	sbr.rel @p1 .LBB2_8-.Ltmp6, $4  }
0x7a: {  	s24 =	sadd.s32 $0x3340, s25;
	[sflag:s15] =	ssyncadd.s32 $0xFFFFFB00  }
0x7b: {  	[spmem:s2] =	stream.indirect.scatter.add.f32 [tilespmem:s14], [sflag:$0x3], $0x10, s24, s13, $0xb8;
	[tilespmem:$0xC080] =	vst v63  }
0x7c: {  	_ =	swait.ge [sflag:s11], $0x500  }
0x7d: {  	s24 =	smov.u32 s26;
	[sflag:s11] =	ssyncset.done $0x0  }
.Ltmp7:
0x7e: {  	_ = 	snop;
	(pc) =	sbr.rel .LBB2_9-.Ltmp7, $1  }
0x7f: {  	_ =	sdelay $0x3  }
.LBB2_11:
0x80: {  	_ =	sfence.sel $0x180000  }
0x81: {  	[bflag:$0x0] =	sbarrier.arrive $0xFFFF  }
0x82: {  	p0 =	sne.s32 s1, $0x0;
	_ =	strace $0x90000050  }
0x83: {  	s0 =	sadd.s32 @!p0 $0x100000, s0;
	[bflag:$0x2] =	sbarrier.arrive $0xFFFF  }
0x84: {  	[sflag:s0] =	ssyncadd.tile.s32 @!p0 $0x1;
	_ =	shalt  }
.Lfunc_end2:
_tile_overlayer_lowered:
.L_overlay_start_2:
0x85: {  	(tag) =	ssettag $0x2  }
0x86: {  	s0 =	rddreg [dreg:$0x0];
	s2 =	stileid.u32  }
0x87: {  	s1 =	rddreg [dreg:$0x1];
	p0 =	sne.s32 s2, $0x0  }
0x88: {  	s3 =	rddreg [dreg:$0x2];
	[bflag:$0x3] =	sbarrier.arrive $0xFFFF;
	s2 =	simm.s32 @!p0 $0x1C03  }
0x89: {  	[timem:s3], [sflag:s2] =	dma.local @!p0 [hbm:s0], s1  }
0x8a: {  	s0 =	simm.s32 @!p0 $0x3  }
0x8b: {  	_ =	swait.ge @!p0 [sflag:s0], s1  }
0x8c: {  	s1 =	ssub.s32 @!p0 $0x0, s1;
	[sflag:s0] =	ssyncset.done @!p0 $0x0  }
0x8d: {  	[sflag:s0] =	ssyncadd.s32 @!p0 s1  }
0x8e: {  	[bflag:$0x3] =	sbarrier.arrive $0xFFFF  }
0x8f: {  	_ =	shalt  }

</sc_bundles>
